<compile_context>
chip_gen: v7x
topology: tpu7x:2x2x1
jax: 0.10.2.dev20260603
libtpu: 0.0.44.dev20260713+nightly
codegen_flags: <defaults>
</compile_context>

<pallas_src>
import functools

import jax
import jax.numpy as jnp
from jax import lax
from jax.experimental import pallas as pl
from jax.experimental.pallas import tpu as pltpu
from jax.experimental.pallas import tpu_sc as plsc

NL = 10000
NC = 10000
E = 320000
D = 128

NCORES = 2
NSUB = 16
NW = NCORES * NSUB
CHUNK = 125
CP = 128
CPW = E // (NW * CHUNK)
NBUF = 2
NIBUF = 4

SEG_PAD = 10240
DUSTBIN = SEG_PAD
ACC_ROWS = SEG_PAD + 8
ROWS_PT = SEG_PAD // NSUB


def _seg_sum_partials(vals, gidx3, zeros_hbm):
    mesh = plsc.VectorSubcoreMesh(core_axis_name="c", subcore_axis_name="s")

    @functools.partial(
        pl.kernel,
        out_type=jax.ShapeDtypeStruct((NCORES, SEG_PAD, D), jnp.float32),
        mesh=mesh,
        scratch_types=[
            pltpu.VMEM_SHARED((ACC_ROWS, D), jnp.float32),
            pltpu.VMEM((2, CP), jnp.int32),
            pltpu.VMEM((CP, D), jnp.float32),
            pltpu.SemaphoreType.DMA,
        ],
    )
    def k(vals_hbm, idx_hbm, z_hbm, out_hbm, acc_sh, ix, rows, sem):
        c = lax.axis_index("c")
        s = lax.axis_index("s")
        wid = c * NSUB + s

        pltpu.sync_copy(z_hbm, acc_sh.at[pl.ds(s * ROWS_PT, ROWS_PT)])
        plsc.subcore_barrier()

        def body(j, carry):
            pltpu.sync_copy(idx_hbm.at[wid, j], ix)
            pltpu.async_copy(vals_hbm.at[ix.at[0]], rows, sem).wait()
            pltpu.sync_copy(rows, acc_sh.at[ix.at[1]], add=True)
            return carry

        lax.fori_loop(0, CPW, body, 0)
        plsc.subcore_barrier()

        pltpu.sync_copy(acc_sh.at[pl.ds(s * ROWS_PT, ROWS_PT)],
                        out_hbm.at[c, pl.ds(s * ROWS_PT, ROWS_PT)])

    return k(vals, gidx3, zeros_hbm)


BR = 2000


def _dense_in(x, W, b):
    n, kdim = x.shape

    def body(x_ref, w_ref, b_ref, o_ref):
        o_ref[...] = (
            jnp.dot(x_ref[...], w_ref[...], preferred_element_type=jnp.float32)
            + b_ref[...])

    return pl.pallas_call(
        body,
        grid=(n // BR,),
        in_specs=[
            pl.BlockSpec((BR, kdim), lambda i: (i, 0)),
            pl.BlockSpec((kdim, D), lambda i: (0, 0)),
            pl.BlockSpec((1, D), lambda i: (0, 0)),
        ],
        out_specs=pl.BlockSpec((BR, D), lambda i: (i, 0)),
        out_shape=jax.ShapeDtypeStruct((n, D), jnp.float32),
    )(x, W, b)


def _dense_mid(cpart, W, b):

    def body(cp_ref, w_ref, b_ref, ce_ref, m2_ref):
        ce = jnp.maximum(cp_ref[0] + cp_ref[1], 0.0)
        ce_ref[...] = ce
        m2_ref[...] = (
            jnp.dot(ce, w_ref[...], preferred_element_type=jnp.float32)
            + b_ref[...])

    return pl.pallas_call(
        body,
        grid=(NC // BR,),
        in_specs=[
            pl.BlockSpec((2, BR, D), lambda i: (0, i, 0)),
            pl.BlockSpec((D, D), lambda i: (0, 0)),
            pl.BlockSpec((1, D), lambda i: (0, 0)),
        ],
        out_specs=[
            pl.BlockSpec((BR, D), lambda i: (i, 0)),
            pl.BlockSpec((BR, D), lambda i: (i, 0)),
        ],
        out_shape=[
            jax.ShapeDtypeStruct((NC, D), jnp.float32),
            jax.ShapeDtypeStruct((NC, D), jnp.float32),
        ],
    )(cpart, W, b)


def _ln_tie(lp_ref, g_ref, b_ref):
    x = jnp.maximum(lp_ref[0] + lp_ref[1], 0.0)
    mu = jnp.mean(x, axis=-1, keepdims=True)
    var = jnp.mean((x - mu) ** 2, axis=-1, keepdims=True)
    pre = (x - mu) * lax.rsqrt(var + 1e-5) * g_ref[...] + b_ref[...]
    up = pltpu.roll(pre, BR - 1, 0)
    dn = pltpu.roll(pre, 1, 0)
    par = lax.broadcasted_iota(jnp.int32, (BR, D), 0) % 2
    rc = jnp.where(par == 0, up, dn)
    return pre, rc


def _fused_out_in(lpart, g, b, Wa, ba):

    def body(lp_ref, g_ref, b_ref, w1_ref, w2_ref, ba_ref, o_ref):
        pre, rc = _ln_tie(lp_ref, g_ref, b_ref)
        o_ref[...] = (
            jnp.dot(pre, w1_ref[...], preferred_element_type=jnp.float32)
            + jnp.dot(rc, w2_ref[...], preferred_element_type=jnp.float32)
            + ba_ref[...])

    return pl.pallas_call(
        body,
        grid=(NL // BR,),
        in_specs=[
            pl.BlockSpec((2, BR, D), lambda i: (0, i, 0)),
            pl.BlockSpec((1, D), lambda i: (0, 0)),
            pl.BlockSpec((1, D), lambda i: (0, 0)),
            pl.BlockSpec((D, D), lambda i: (0, 0)),
            pl.BlockSpec((D, D), lambda i: (0, 0)),
            pl.BlockSpec((1, D), lambda i: (0, 0)),
        ],
        out_specs=pl.BlockSpec((BR, D), lambda i: (i, 0)),
        out_shape=jax.ShapeDtypeStruct((NL, D), jnp.float32),
    )(lpart, g, b, Wa[:D], Wa[D:], ba)


def _final_tie(lpart, g, b):

    def body(lp_ref, g_ref, b_ref, o_ref):
        pre, rc = _ln_tie(lp_ref, g_ref, b_ref)
        o_ref[:, :D] = pre
        o_ref[:, D:] = rc

    return pl.pallas_call(
        body,
        grid=(NL // BR,),
        in_specs=[
            pl.BlockSpec((2, BR, D), lambda i: (0, i, 0)),
            pl.BlockSpec((1, D), lambda i: (0, 0)),
            pl.BlockSpec((1, D), lambda i: (0, 0)),
        ],
        out_specs=pl.BlockSpec((BR, 2 * D), lambda i: (i, 0)),
        out_shape=jax.ShapeDtypeStruct((NL, 2 * D), jnp.float32),
    )(lpart, g, b)


def kernel(vlabels, edge_index, Wl2c0, bl2c0, Wc2l0, bc2l0, lng0, lnb0,
           Wl2c1, bl2c1, Wc2l1, bc2l1, lng1, lnb1,
           Wl2c2, bl2c2, Wc2l2, bc2l2, lng2, lnb2):
    src3 = edge_index[0].reshape(NW, CPW, CHUNK)
    dst3 = edge_index[1].reshape(NW, CPW, CHUNK)
    gpad = jnp.zeros((NW, CPW, CP - CHUNK), jnp.int32)
    spad = DUSTBIN + jnp.broadcast_to(
        (jnp.arange(NW, dtype=jnp.int32) % 8)[:, None, None],
        (NW, CPW, CP - CHUNK))
    src_g = jnp.concatenate([src3, gpad], axis=-1)
    src_s = jnp.concatenate([src3, spad], axis=-1)
    dst_g = jnp.concatenate([dst3, gpad], axis=-1)
    dst_s = jnp.concatenate([dst3, spad], axis=-1)
    idx_l2c = jnp.stack([src_g, dst_s], axis=2)
    idx_c2l = jnp.stack([dst_g, src_s], axis=2)
    zeros_hbm = jnp.zeros((ROWS_PT, D), jnp.float32)
    params = [
        (Wl2c0, bl2c0, Wc2l0, bc2l0, lng0, lnb0),
        (Wl2c1, bl2c1, Wc2l1, bc2l1, lng1, lnb1),
        (Wl2c2, bl2c2, Wc2l2, bc2l2, lng2, lnb2),
    ]
    cembs = None
    lpart = None
    for i, (Wa, ba, Wb, bb, g, b) in enumerate(params):
        if i == 0:
            m = _dense_in(vlabels, Wa, ba.reshape(1, D))
        else:
            pg, pb = params[i - 1][4], params[i - 1][5]
            m = _fused_out_in(lpart, pg.reshape(1, D), pb.reshape(1, D),
                              Wa, ba.reshape(1, D))
        cpart = _seg_sum_partials(m, idx_l2c, zeros_hbm)
        cembs, m2 = _dense_mid(cpart, Wb, bb.reshape(1, D))
        lpart = _seg_sum_partials(m2, idx_c2l, zeros_hbm)
    h = _final_tie(lpart, lng2.reshape(1, D), lnb2.reshape(1, D))
    return (h, cembs)

# --- scband reference (transcript-rebuilt; emitter-appended) ---
"""Pipeline reference for scband-cnfencoder-24507083391183 (READ-ONLY COPY).

The authoritative reference and input builder live on the scoring server;
editing this copy changes nothing except your own understanding.
"""

import jax, jax.numpy as jnp
import numpy as np

NL = 10000
NC = 10000
E = 320000
VLABEL = 128
VEMB = 128
CEMB = 128
ITERS = 3


def _layer_norm(x, g, b):
    mu = jnp.mean(x, axis=-1, keepdims=True)
    var = jnp.var(x, axis=-1, keepdims=True)
    return (x - mu) / jnp.sqrt(var + 1e-5) * g + b


def _glorot(key, shape):
    lim = np.sqrt(6.0 / (shape[0] + shape[1]))
    return jax.random.uniform(key, shape, dtype=jnp.float32, minval=-lim, maxval=lim)


def setup_inputs(seed: int = 0):
    key = jax.random.key(seed)
    ks = jax.random.split(key, 32)
    inp = {}
    inp["vlabels"] = jax.random.normal(ks[0], (NL, VLABEL), dtype=jnp.float32)
    src = jax.random.randint(ks[1], (E,), 0, NL)
    dst = jax.random.randint(ks[2], (E,), 0, NC)
    inp["edge_index"] = jnp.stack([src, dst]).astype(jnp.int32)
    in_dims = [VLABEL, 2 * VEMB, 2 * VEMB]
    for i in range(ITERS):
        inp["Wl2c%d" % i] = _glorot(ks[3 + 6 * i], (in_dims[i], CEMB))
        inp["bl2c%d" % i] = jnp.zeros((CEMB,), dtype=jnp.float32)
        inp["Wc2l%d" % i] = _glorot(ks[4 + 6 * i], (CEMB, VEMB))
        inp["bc2l%d" % i] = jnp.zeros((VEMB,), dtype=jnp.float32)
        inp["lng%d" % i] = jnp.ones((VEMB,), dtype=jnp.float32)
        inp["lnb%d" % i] = jnp.zeros((VEMB,), dtype=jnp.float32)
    return inp


def reference(vlabels, edge_index, Wl2c0, bl2c0, Wc2l0, bc2l0, lng0, lnb0, Wl2c1, bl2c1, Wc2l1, bc2l1, lng1, lnb1, Wl2c2, bl2c2, Wc2l2, bc2l2, lng2, lnb2):
    # Faithful port of CNFEncoder.forward with a NeuroSAT-style CNFLayer:
    #   literal -> clause aggregation (segment_sum over l2c edges) + relu
    #   clause  -> literal aggregation (segment_sum back over edges) + relu
    #   per-iteration LayerNorm (cp_normalization='layer')
    #   tie_literals(interleaved=True, concat_origin=True)
    src = edge_index[0]
    dst = edge_index[1]
    params = [
        (Wl2c0, bl2c0, Wc2l0, bc2l0, lng0, lnb0),
        (Wl2c1, bl2c1, Wc2l1, bc2l1, lng1, lnb1),
        (Wl2c2, bl2c2, Wc2l2, bc2l2, lng2, lnb2),
    ]
    h = vlabels
    cembs = None
    for (Wa, ba, Wb, bb, g, b) in params:
        m = h @ Wa + ba
        cembs = jax.nn.relu(jax.ops.segment_sum(m[src], dst, num_segments=NC))
        m2 = cembs @ Wb + bb
        pre = jax.nn.relu(jax.ops.segment_sum(m2[dst], src, num_segments=NL))
        pre = _layer_norm(pre, g, b)
        z = pre.reshape(-1, 2, VEMB)
        rc = z[:, ::-1, :].reshape(-1, VEMB)
        h = jnp.concatenate([pre, rc], axis=1)
    return (h, cembs)

if __name__ == "__main__":
    import jax
    _d = setup_inputs()
    print(jax.jit(kernel)(*tuple(_d.values())))

</pallas_src>

<mosaic_0001>
#map = affine_map<(d0, d1) -> (0, 0)>
#map1 = affine_map<(d0, d1) -> (0, 0, 0, 0)>
#map2 = affine_map<(d0, d1) -> (0, 0, 0)>
module attributes {stable_mosaic.version = 14 : i64} {
  func.func @k(%arg0: i32, %arg1: i32, %arg2: memref<10000x128xf32, #tpu.memory_space<hbm>>, %arg3: memref<32x80x2x128xi32, #tpu.memory_space<hbm>>, %arg4: memref<640x128xf32, #tpu.memory_space<hbm>>, %arg5: memref<2x10240x128xf32, #tpu.memory_space<hbm>>, %arg6: memref<10248x128xf32, #tpu.memory_space<vmem_shared>>, %arg7: memref<2x128xi32, #tpu.memory_space<vmem>>, %arg8: memref<128x128xf32, #tpu.memory_space<vmem>>, %arg9: memref<!tpu.dma_semaphore, #tpu.memory_space<semaphore_mem>>) attributes {dimension_semantics = [#tpu.dimension_semantics<core_parallel>, #tpu.dimension_semantics<subcore_parallel>], iteration_bounds = array<i64: 2, 16>, scalar_prefetch = 0 : i64, scratch_operands = 4 : i64, tpu.core_type = #tpu.core_type<sc_vector_subcore>, window_params = [{transform_indices = #map}, {transform_indices = #map1}, {transform_indices = #map}, {transform_indices = #map2}]} {
    %mul3A = arith.constant 16 : i32
    %mul3A_0 = arith.muli %arg0, %mul3A : i32
    %add3A = arith.addi %mul3A_0, %arg1 : i32
    %mul3A_1 = arith.constant 640 : i32
    %mul3A_2 = arith.muli %arg1, %mul3A_1 : i32
    "tpu.region"() ({
      %run_scoped3A = tpu.sem_alloc : memref<!tpu.dma_semaphore, #tpu.memory_space<semaphore_mem>>
      %dma_start3A = arith.constant 0 : i32
      %dma_start3A_13 = tpu.memref_slice %arg6[%mul3A_2, %dma_start3A] : memref<10248x128xf32, #tpu.memory_space<vmem_shared>> -> memref<640x128xf32, #tpu.memory_space<vmem_shared>>
      tpu.enqueue_dma source(%arg4 : memref<640x128xf32, #tpu.memory_space<hbm>>) target(%dma_start3A_13 : memref<640x128xf32, #tpu.memory_space<vmem_shared>>) target_semaphore(%run_scoped3A : memref<!tpu.dma_semaphore, #tpu.memory_space<semaphore_mem>>)
      %dma_wait3A = arith.constant 0 : i32
      %dma_wait3A_14 = tpu.memref_slice %arg6[%mul3A_2, %dma_wait3A] : memref<10248x128xf32, #tpu.memory_space<vmem_shared>> -> memref<640x128xf32, #tpu.memory_space<vmem_shared>>
      tpu.wait_dma2 semaphore(%run_scoped3A : memref<!tpu.dma_semaphore, #tpu.memory_space<semaphore_mem>>) src(%arg4 : memref<640x128xf32, #tpu.memory_space<hbm>>) dst(%dma_wait3A_14 : memref<640x128xf32, #tpu.memory_space<vmem_shared>>)
      tpu.yield
    }) : () -> ()
    %barrier3A = arith.constant 0 : index
    tpu.barrier barrier_id(%barrier3A)
    %scan3A = arith.constant 0 : i32
    %scan3A_3 = arith.constant 0 : i32
    %scan3A_4 = arith.constant 80 : i32
    %scan3A_5 = arith.addi %scan3A_3, %scan3A_4 : i32
    %scan3A_6 = arith.constant 1 : i32
    scf.for %scan3A_13 = %scan3A_3 to %scan3A_5 step %scan3A_6  : i32 {
      "tpu.region"() ({
        %run_scoped3A_26 = tpu.sem_alloc : memref<!tpu.dma_semaphore, #tpu.memory_space<semaphore_mem>>
        %dma_start3A_27 = arith.constant 0 : i32
        %dma_start3A_28 = arith.constant 0 : i32
        %dma_start3A_29 = tpu.memref_slice %arg3[%add3A, %scan3A_13, %dma_start3A_27, %dma_start3A_28] : memref<32x80x2x128xi32, #tpu.memory_space<hbm>> -> memref<1x1x2x128xi32, #tpu.memory_space<hbm>>
        %dma_start3A_30 = tpu.memref_squeeze %dma_start3A_29 : memref<1x1x2x128xi32, #tpu.memory_space<hbm>> -> memref<2x128xi32, #tpu.memory_space<hbm>>
        %dma_start3A_31 = arith.constant 0 : i32
        %dma_start3A_32 = arith.constant 0 : i32
        %dma_start3A_33 = tpu.memref_slice %arg3[%add3A, %scan3A_13, %dma_start3A_31, %dma_start3A_32] : memref<32x80x2x128xi32, #tpu.memory_space<hbm>> -> memref<1x1x2x128xi32, #tpu.memory_space<hbm>>
        %dma_start3A_34 = tpu.memref_squeeze %dma_start3A_33 : memref<1x1x2x128xi32, #tpu.memory_space<hbm>> -> memref<2x128xi32, #tpu.memory_space<hbm>>
        tpu.enqueue_dma source(%dma_start3A_34 : memref<2x128xi32, #tpu.memory_space<hbm>>) target(%arg7 : memref<2x128xi32, #tpu.memory_space<vmem>>) target_semaphore(%run_scoped3A_26 : memref<!tpu.dma_semaphore, #tpu.memory_space<semaphore_mem>>)
        %dma_wait3A_35 = arith.constant 0 : i32
        %dma_wait3A_36 = arith.constant 0 : i32
        %dma_wait3A_37 = tpu.memref_slice %arg3[%add3A, %scan3A_13, %dma_wait3A_35, %dma_wait3A_36] : memref<32x80x2x128xi32, #tpu.memory_space<hbm>> -> memref<1x1x2x128xi32, #tpu.memory_space<hbm>>
        %dma_wait3A_38 = tpu.memref_squeeze %dma_wait3A_37 : memref<1x1x2x128xi32, #tpu.memory_space<hbm>> -> memref<2x128xi32, #tpu.memory_space<hbm>>
        %dma_wait3A_39 = arith.constant 0 : i32
        %dma_wait3A_40 = arith.constant 0 : i32
        %dma_wait3A_41 = tpu.memref_slice %arg3[%add3A, %scan3A_13, %dma_wait3A_39, %dma_wait3A_40] : memref<32x80x2x128xi32, #tpu.memory_space<hbm>> -> memref<1x1x2x128xi32, #tpu.memory_space<hbm>>
        %dma_wait3A_42 = tpu.memref_squeeze %dma_wait3A_41 : memref<1x1x2x128xi32, #tpu.memory_space<hbm>> -> memref<2x128xi32, #tpu.memory_space<hbm>>
        tpu.wait_dma2 semaphore(%run_scoped3A_26 : memref<!tpu.dma_semaphore, #tpu.memory_space<semaphore_mem>>) src(%dma_wait3A_42 : memref<2x128xi32, #tpu.memory_space<hbm>>) dst(%arg7 : memref<2x128xi32, #tpu.memory_space<vmem>>)
        tpu.yield
      }) : () -> ()
      %dma_start3A = arith.constant 0 : i32
      %dma_start3A_14 = arith.constant 0 : i32
      %dma_start3A_15 = tpu.memref_slice %arg7[%dma_start3A, %dma_start3A_14] : memref<2x128xi32, #tpu.memory_space<vmem>> -> memref<1x128xi32, #tpu.memory_space<vmem>>
      %dma_start3A_16 = tpu.memref_squeeze %dma_start3A_15 : memref<1x128xi32, #tpu.memory_space<vmem>> -> memref<128xi32, #tpu.memory_space<vmem>>
      %dma_start3A_17 = arith.constant 0 : i32
      %dma_start3A_18 = arith.constant 0 : i32
      %dma_start3A_19 = tpu.memref_slice %arg2[%dma_start3A_17, %dma_start3A_18] : memref<10000x128xf32, #tpu.memory_space<hbm>> -> memref<10000x128xf32, #tpu.memory_space<hbm>>
      tpu.enqueue_indirect_dma source(%dma_start3A_19 : memref<10000x128xf32, #tpu.memory_space<hbm>>) target(%arg8 : memref<128x128xf32, #tpu.memory_space<vmem>>) offsets(%dma_start3A_16 : memref<128xi32, #tpu.memory_space<vmem>>) semaphore(%arg9 : memref<!tpu.dma_semaphore, #tpu.memory_space<semaphore_mem>>)
      %dma_wait3A = arith.constant 0 : i32
      %dma_wait3A_20 = arith.constant 0 : i32
      %dma_wait3A_21 = tpu.memref_slice %arg7[%dma_wait3A, %dma_wait3A_20] : memref<2x128xi32, #tpu.memory_space<vmem>> -> memref<1x128xi32, #tpu.memory_space<vmem>>
      %dma_wait3A_22 = tpu.memref_squeeze %dma_wait3A_21 : memref<1x128xi32, #tpu.memory_space<vmem>> -> memref<128xi32, #tpu.memory_space<vmem>>
      %dma_wait3A_23 = arith.constant 0 : i32
      %dma_wait3A_24 = arith.constant 0 : i32
      %dma_wait3A_25 = tpu.memref_slice %arg2[%dma_wait3A_23, %dma_wait3A_24] : memref<10000x128xf32, #tpu.memory_space<hbm>> -> memref<10000x128xf32, #tpu.memory_space<hbm>>
      tpu.wait_indirect_dma semaphore(%arg9 : memref<!tpu.dma_semaphore, #tpu.memory_space<semaphore_mem>>) src(%dma_wait3A_25 : memref<10000x128xf32, #tpu.memory_space<hbm>>) dst(%arg8 : memref<128x128xf32, #tpu.memory_space<vmem>>)
      %run_scoped3A = arith.constant 1 : i32
      "tpu.region"() ({
        %run_scoped3A_26 = tpu.sem_alloc : memref<!tpu.dma_semaphore, #tpu.memory_space<semaphore_mem>>
        %dma_start3A_27 = arith.constant 0 : i32
        %dma_start3A_28 = tpu.memref_slice %arg7[%run_scoped3A, %dma_start3A_27] : memref<2x128xi32, #tpu.memory_space<vmem>> -> memref<1x128xi32, #tpu.memory_space<vmem>>
        %dma_start3A_29 = tpu.memref_squeeze %dma_start3A_28 : memref<1x128xi32, #tpu.memory_space<vmem>> -> memref<128xi32, #tpu.memory_space<vmem>>
        %dma_start3A_30 = arith.constant 0 : i32
        %dma_start3A_31 = arith.constant 0 : i32
        %dma_start3A_32 = tpu.memref_slice %arg6[%dma_start3A_30, %dma_start3A_31] : memref<10248x128xf32, #tpu.memory_space<vmem_shared>> -> memref<10248x128xf32, #tpu.memory_space<vmem_shared>>
        tpu.enqueue_indirect_dma source(%arg8 : memref<128x128xf32, #tpu.memory_space<vmem>>) target(%dma_start3A_32 : memref<10248x128xf32, #tpu.memory_space<vmem_shared>>) offsets(%dma_start3A_29 : memref<128xi32, #tpu.memory_space<vmem>>) semaphore(%run_scoped3A_26 : memref<!tpu.dma_semaphore, #tpu.memory_space<semaphore_mem>>) {add = true}
        %dma_wait3A_33 = arith.constant 0 : i32
        %dma_wait3A_34 = tpu.memref_slice %arg7[%run_scoped3A, %dma_wait3A_33] : memref<2x128xi32, #tpu.memory_space<vmem>> -> memref<1x128xi32, #tpu.memory_space<vmem>>
        %dma_wait3A_35 = tpu.memref_squeeze %dma_wait3A_34 : memref<1x128xi32, #tpu.memory_space<vmem>> -> memref<128xi32, #tpu.memory_space<vmem>>
        %dma_wait3A_36 = arith.constant 0 : i32
        %dma_wait3A_37 = arith.constant 0 : i32
        %dma_wait3A_38 = tpu.memref_slice %arg6[%dma_wait3A_36, %dma_wait3A_37] : memref<10248x128xf32, #tpu.memory_space<vmem_shared>> -> memref<10248x128xf32, #tpu.memory_space<vmem_shared>>
        tpu.wait_indirect_dma semaphore(%run_scoped3A_26 : memref<!tpu.dma_semaphore, #tpu.memory_space<semaphore_mem>>) src(%arg8 : memref<128x128xf32, #tpu.memory_space<vmem>>) dst(%dma_wait3A_38 : memref<10248x128xf32, #tpu.memory_space<vmem_shared>>)
        tpu.yield
      }) : () -> ()
    }
    %scan3A_7 = arith.constant 80 : i32
    %barrier3A_8 = arith.constant 0 : index
    tpu.barrier barrier_id(%barrier3A_8)
    %mul3A_9 = arith.constant 640 : i32
    %mul3A_10 = arith.muli %arg1, %mul3A_9 : i32
    %mul3A_11 = arith.constant 640 : i32
    %mul3A_12 = arith.muli %arg1, %mul3A_11 : i32
    "tpu.region"() ({
      %run_scoped3A = tpu.sem_alloc : memref<!tpu.dma_semaphore, #tpu.memory_space<semaphore_mem>>
      %dma_start3A = arith.constant 0 : i32
      %dma_start3A_13 = tpu.memref_slice %arg5[%arg0, %mul3A_12, %dma_start3A] : memref<2x10240x128xf32, #tpu.memory_space<hbm>> -> memref<1x640x128xf32, #tpu.memory_space<hbm>>
      %dma_start3A_14 = tpu.memref_squeeze %dma_start3A_13 : memref<1x640x128xf32, #tpu.memory_space<hbm>> -> memref<640x128xf32, #tpu.memory_space<hbm>>
      %dma_start3A_15 = arith.constant 0 : i32
      %dma_start3A_16 = tpu.memref_slice %arg6[%mul3A_10, %dma_start3A_15] : memref<10248x128xf32, #tpu.memory_space<vmem_shared>> -> memref<640x128xf32, #tpu.memory_space<vmem_shared>>
      tpu.enqueue_dma source(%dma_start3A_16 : memref<640x128xf32, #tpu.memory_space<vmem_shared>>) target(%dma_start3A_14 : memref<640x128xf32, #tpu.memory_space<hbm>>) target_semaphore(%run_scoped3A : memref<!tpu.dma_semaphore, #tpu.memory_space<semaphore_mem>>)
      %dma_wait3A = arith.constant 0 : i32
      %dma_wait3A_17 = tpu.memref_slice %arg5[%arg0, %mul3A_12, %dma_wait3A] : memref<2x10240x128xf32, #tpu.memory_space<hbm>> -> memref<1x640x128xf32, #tpu.memory_space<hbm>>
      %dma_wait3A_18 = tpu.memref_squeeze %dma_wait3A_17 : memref<1x640x128xf32, #tpu.memory_space<hbm>> -> memref<640x128xf32, #tpu.memory_space<hbm>>
      %dma_wait3A_19 = arith.constant 0 : i32
      %dma_wait3A_20 = tpu.memref_slice %arg6[%mul3A_10, %dma_wait3A_19] : memref<10248x128xf32, #tpu.memory_space<vmem_shared>> -> memref<640x128xf32, #tpu.memory_space<vmem_shared>>
      tpu.wait_dma2 semaphore(%run_scoped3A : memref<!tpu.dma_semaphore, #tpu.memory_space<semaphore_mem>>) src(%dma_wait3A_20 : memref<640x128xf32, #tpu.memory_space<vmem_shared>>) dst(%dma_wait3A_18 : memref<640x128xf32, #tpu.memory_space<hbm>>)
      tpu.yield
    }) : () -> ()
    return
  }
}

#map = affine_map<(d0, d1) -> (0, 0)>
#map1 = affine_map<(d0, d1) -> (0, 0, 0, 0)>
#map2 = affine_map<(d0, d1) -> (0, 0, 0)>
module attributes {stable_mosaic.version = 14 : i64} {
  func.func @k(%arg0: i32, %arg1: i32, %arg2: memref<10000x128xf32, #tpu.memory_space<hbm>>, %arg3: memref<32x80x2x128xi32, #tpu.memory_space<hbm>>, %arg4: memref<640x128xf32, #tpu.memory_space<hbm>>, %arg5: memref<2x10240x128xf32, #tpu.memory_space<hbm>>, %arg6: memref<10248x128xf32, #tpu.memory_space<vmem_shared>>, %arg7: memref<2x128xi32, #tpu.memory_space<vmem>>, %arg8: memref<128x128xf32, #tpu.memory_space<vmem>>, %arg9: memref<!tpu.dma_semaphore, #tpu.memory_space<semaphore_mem>>) attributes {dimension_semantics = [#tpu.dimension_semantics<core_parallel>, #tpu.dimension_semantics<subcore_parallel>], iteration_bounds = array<i64: 2, 16>, scalar_prefetch = 0 : i64, scratch_operands = 4 : i64, tpu.core_type = #tpu.core_type<sc_vector_subcore>, window_params = [{transform_indices = #map}, {transform_indices = #map1}, {transform_indices = #map}, {transform_indices = #map2}]} {
    %mul3A = arith.constant 16 : i32
    %mul3A_0 = arith.muli %arg0, %mul3A : i32
    %add3A = arith.addi %mul3A_0, %arg1 : i32
    %mul3A_1 = arith.constant 640 : i32
    %mul3A_2 = arith.muli %arg1, %mul3A_1 : i32
    "tpu.region"() ({
      %run_scoped3A = tpu.sem_alloc : memref<!tpu.dma_semaphore, #tpu.memory_space<semaphore_mem>>
      %dma_start3A = arith.constant 0 : i32
      %dma_start3A_13 = tpu.memref_slice %arg6[%mul3A_2, %dma_start3A] : memref<10248x128xf32, #tpu.memory_space<vmem_shared>> -> memref<640x128xf32, #tpu.memory_space<vmem_shared>>
      tpu.enqueue_dma source(%arg4 : memref<640x128xf32, #tpu.memory_space<hbm>>) target(%dma_start3A_13 : memref<640x128xf32, #tpu.memory_space<vmem_shared>>) target_semaphore(%run_scoped3A : memref<!tpu.dma_semaphore, #tpu.memory_space<semaphore_mem>>)
      %dma_wait3A = arith.constant 0 : i32
      %dma_wait3A_14 = tpu.memref_slice %arg6[%mul3A_2, %dma_wait3A] : memref<10248x128xf32, #tpu.memory_space<vmem_shared>> -> memref<640x128xf32, #tpu.memory_space<vmem_shared>>
      tpu.wait_dma2 semaphore(%run_scoped3A : memref<!tpu.dma_semaphore, #tpu.memory_space<semaphore_mem>>) src(%arg4 : memref<640x128xf32, #tpu.memory_space<hbm>>) dst(%dma_wait3A_14 : memref<640x128xf32, #tpu.memory_space<vmem_shared>>)
      tpu.yield
    }) : () -> ()
    %barrier3A = arith.constant 0 : index
    tpu.barrier barrier_id(%barrier3A)
    %scan3A = arith.constant 0 : i32
    %scan3A_3 = arith.constant 0 : i32
    %scan3A_4 = arith.constant 80 : i32
    %scan3A_5 = arith.addi %scan3A_3, %scan3A_4 : i32
    %scan3A_6 = arith.constant 1 : i32
    scf.for %scan3A_13 = %scan3A_3 to %scan3A_5 step %scan3A_6  : i32 {
      "tpu.region"() ({
        %run_scoped3A_26 = tpu.sem_alloc : memref<!tpu.dma_semaphore, #tpu.memory_space<semaphore_mem>>
        %dma_start3A_27 = arith.constant 0 : i32
        %dma_start3A_28 = arith.constant 0 : i32
        %dma_start3A_29 = tpu.memref_slice %arg3[%add3A, %scan3A_13, %dma_start3A_27, %dma_start3A_28] : memref<32x80x2x128xi32, #tpu.memory_space<hbm>> -> memref<1x1x2x128xi32, #tpu.memory_space<hbm>>
        %dma_start3A_30 = tpu.memref_squeeze %dma_start3A_29 : memref<1x1x2x128xi32, #tpu.memory_space<hbm>> -> memref<2x128xi32, #tpu.memory_space<hbm>>
        %dma_start3A_31 = arith.constant 0 : i32
        %dma_start3A_32 = arith.constant 0 : i32
        %dma_start3A_33 = tpu.memref_slice %arg3[%add3A, %scan3A_13, %dma_start3A_31, %dma_start3A_32] : memref<32x80x2x128xi32, #tpu.memory_space<hbm>> -> memref<1x1x2x128xi32, #tpu.memory_space<hbm>>
        %dma_start3A_34 = tpu.memref_squeeze %dma_start3A_33 : memref<1x1x2x128xi32, #tpu.memory_space<hbm>> -> memref<2x128xi32, #tpu.memory_space<hbm>>
        tpu.enqueue_dma source(%dma_start3A_34 : memref<2x128xi32, #tpu.memory_space<hbm>>) target(%arg7 : memref<2x128xi32, #tpu.memory_space<vmem>>) target_semaphore(%run_scoped3A_26 : memref<!tpu.dma_semaphore, #tpu.memory_space<semaphore_mem>>)
        %dma_wait3A_35 = arith.constant 0 : i32
        %dma_wait3A_36 = arith.constant 0 : i32
        %dma_wait3A_37 = tpu.memref_slice %arg3[%add3A, %scan3A_13, %dma_wait3A_35, %dma_wait3A_36] : memref<32x80x2x128xi32, #tpu.memory_space<hbm>> -> memref<1x1x2x128xi32, #tpu.memory_space<hbm>>
        %dma_wait3A_38 = tpu.memref_squeeze %dma_wait3A_37 : memref<1x1x2x128xi32, #tpu.memory_space<hbm>> -> memref<2x128xi32, #tpu.memory_space<hbm>>
        %dma_wait3A_39 = arith.constant 0 : i32
        %dma_wait3A_40 = arith.constant 0 : i32
        %dma_wait3A_41 = tpu.memref_slice %arg3[%add3A, %scan3A_13, %dma_wait3A_39, %dma_wait3A_40] : memref<32x80x2x128xi32, #tpu.memory_space<hbm>> -> memref<1x1x2x128xi32, #tpu.memory_space<hbm>>
        %dma_wait3A_42 = tpu.memref_squeeze %dma_wait3A_41 : memref<1x1x2x128xi32, #tpu.memory_space<hbm>> -> memref<2x128xi32, #tpu.memory_space<hbm>>
        tpu.wait_dma2 semaphore(%run_scoped3A_26 : memref<!tpu.dma_semaphore, #tpu.memory_space<semaphore_mem>>) src(%dma_wait3A_42 : memref<2x128xi32, #tpu.memory_space<hbm>>) dst(%arg7 : memref<2x128xi32, #tpu.memory_space<vmem>>)
        tpu.yield
      }) : () -> ()
      %dma_start3A = arith.constant 0 : i32
      %dma_start3A_14 = arith.constant 0 : i32
      %dma_start3A_15 = tpu.memref_slice %arg7[%dma_start3A, %dma_start3A_14] : memref<2x128xi32, #tpu.memory_space<vmem>> -> memref<1x128xi32, #tpu.memory_space<vmem>>
      %dma_start3A_16 = tpu.memref_squeeze %dma_start3A_15 : memref<1x128xi32, #tpu.memory_space<vmem>> -> memref<128xi32, #tpu.memory_space<vmem>>
      %dma_start3A_17 = arith.constant 0 : i32
      %dma_start3A_18 = arith.constant 0 : i32
      %dma_start3A_19 = tpu.memref_slice %arg2[%dma_start3A_17, %dma_start3A_18] : memref<10000x128xf32, #tpu.memory_space<hbm>> -> memref<10000x128xf32, #tpu.memory_space<hbm>>
      tpu.enqueue_indirect_dma source(%dma_start3A_19 : memref<10000x128xf32, #tpu.memory_space<hbm>>) target(%arg8 : memref<128x128xf32, #tpu.memory_space<vmem>>) offsets(%dma_start3A_16 : memref<128xi32, #tpu.memory_space<vmem>>) semaphore(%arg9 : memref<!tpu.dma_semaphore, #tpu.memory_space<semaphore_mem>>)
      %dma_wait3A = arith.constant 0 : i32
      %dma_wait3A_20 = arith.constant 0 : i32
      %dma_wait3A_21 = tpu.memref_slice %arg7[%dma_wait3A, %dma_wait3A_20] : memref<2x128xi32, #tpu.memory_space<vmem>> -> memref<1x128xi32, #tpu.memory_space<vmem>>
      %dma_wait3A_22 = tpu.memref_squeeze %dma_wait3A_21 : memref<1x128xi32, #tpu.memory_space<vmem>> -> memref<128xi32, #tpu.memory_space<vmem>>
      %dma_wait3A_23 = arith.constant 0 : i32
      %dma_wait3A_24 = arith.constant 0 : i32
      %dma_wait3A_25 = tpu.memref_slice %arg2[%dma_wait3A_23, %dma_wait3A_24] : memref<10000x128xf32, #tpu.memory_space<hbm>> -> memref<10000x128xf32, #tpu.memory_space<hbm>>
      tpu.wait_indirect_dma semaphore(%arg9 : memref<!tpu.dma_semaphore, #tpu.memory_space<semaphore_mem>>) src(%dma_wait3A_25 : memref<10000x128xf32, #tpu.memory_space<hbm>>) dst(%arg8 : memref<128x128xf32, #tpu.memory_space<vmem>>)
      %run_scoped3A = arith.constant 1 : i32
      "tpu.region"() ({
        %run_scoped3A_26 = tpu.sem_alloc : memref<!tpu.dma_semaphore, #tpu.memory_space<semaphore_mem>>
        %dma_start3A_27 = arith.constant 0 : i32
        %dma_start3A_28 = tpu.memref_slice %arg7[%run_scoped3A, %dma_start3A_27] : memref<2x128xi32, #tpu.memory_space<vmem>> -> memref<1x128xi32, #tpu.memory_space<vmem>>
        %dma_start3A_29 = tpu.memref_squeeze %dma_start3A_28 : memref<1x128xi32, #tpu.memory_space<vmem>> -> memref<128xi32, #tpu.memory_space<vmem>>
        %dma_start3A_30 = arith.constant 0 : i32
        %dma_start3A_31 = arith.constant 0 : i32
        %dma_start3A_32 = tpu.memref_slice %arg6[%dma_start3A_30, %dma_start3A_31] : memref<10248x128xf32, #tpu.memory_space<vmem_shared>> -> memref<10248x128xf32, #tpu.memory_space<vmem_shared>>
        tpu.enqueue_indirect_dma source(%arg8 : memref<128x128xf32, #tpu.memory_space<vmem>>) target(%dma_start3A_32 : memref<10248x128xf32, #tpu.memory_space<vmem_shared>>) offsets(%dma_start3A_29 : memref<128xi32, #tpu.memory_space<vmem>>) semaphore(%run_scoped3A_26 : memref<!tpu.dma_semaphore, #tpu.memory_space<semaphore_mem>>) {add = true}
        %dma_wait3A_33 = arith.constant 0 : i32
        %dma_wait3A_34 = tpu.memref_slice %arg7[%run_scoped3A, %dma_wait3A_33] : memref<2x128xi32, #tpu.memory_space<vmem>> -> memref<1x128xi32, #tpu.memory_space<vmem>>
        %dma_wait3A_35 = tpu.memref_squeeze %dma_wait3A_34 : memref<1x128xi32, #tpu.memory_space<vmem>> -> memref<128xi32, #tpu.memory_space<vmem>>
        %dma_wait3A_36 = arith.constant 0 : i32
        %dma_wait3A_37 = arith.constant 0 : i32
        %dma_wait3A_38 = tpu.memref_slice %arg6[%dma_wait3A_36, %dma_wait3A_37] : memref<10248x128xf32, #tpu.memory_space<vmem_shared>> -> memref<10248x128xf32, #tpu.memory_space<vmem_shared>>
        tpu.wait_indirect_dma semaphore(%run_scoped3A_26 : memref<!tpu.dma_semaphore, #tpu.memory_space<semaphore_mem>>) src(%arg8 : memref<128x128xf32, #tpu.memory_space<vmem>>) dst(%dma_wait3A_38 : memref<10248x128xf32, #tpu.memory_space<vmem_shared>>)
        tpu.yield
      }) : () -> ()
    }
    %scan3A_7 = arith.constant 80 : i32
    %barrier3A_8 = arith.constant 0 : index
    tpu.barrier barrier_id(%barrier3A_8)
    %mul3A_9 = arith.constant 640 : i32
    %mul3A_10 = arith.muli %arg1, %mul3A_9 : i32
    %mul3A_11 = arith.constant 640 : i32
    %mul3A_12 = arith.muli %arg1, %mul3A_11 : i32
    "tpu.region"() ({
      %run_scoped3A = tpu.sem_alloc : memref<!tpu.dma_semaphore, #tpu.memory_space<semaphore_mem>>
      %dma_start3A = arith.constant 0 : i32
      %dma_start3A_13 = tpu.memref_slice %arg5[%arg0, %mul3A_12, %dma_start3A] : memref<2x10240x128xf32, #tpu.memory_space<hbm>> -> memref<1x640x128xf32, #tpu.memory_space<hbm>>
      %dma_start3A_14 = tpu.memref_squeeze %dma_start3A_13 : memref<1x640x128xf32, #tpu.memory_space<hbm>> -> memref<640x128xf32, #tpu.memory_space<hbm>>
      %dma_start3A_15 = arith.constant 0 : i32
      %dma_start3A_16 = tpu.memref_slice %arg6[%mul3A_10, %dma_start3A_15] : memref<10248x128xf32, #tpu.memory_space<vmem_shared>> -> memref<640x128xf32, #tpu.memory_space<vmem_shared>>
      tpu.enqueue_dma source(%dma_start3A_16 : memref<640x128xf32, #tpu.memory_space<vmem_shared>>) target(%dma_start3A_14 : memref<640x128xf32, #tpu.memory_space<hbm>>) target_semaphore(%run_scoped3A : memref<!tpu.dma_semaphore, #tpu.memory_space<semaphore_mem>>)
      %dma_wait3A = arith.constant 0 : i32
      %dma_wait3A_17 = tpu.memref_slice %arg5[%arg0, %mul3A_12, %dma_wait3A] : memref<2x10240x128xf32, #tpu.memory_space<hbm>> -> memref<1x640x128xf32, #tpu.memory_space<hbm>>
      %dma_wait3A_18 = tpu.memref_squeeze %dma_wait3A_17 : memref<1x640x128xf32, #tpu.memory_space<hbm>> -> memref<640x128xf32, #tpu.memory_space<hbm>>
      %dma_wait3A_19 = arith.constant 0 : i32
      %dma_wait3A_20 = tpu.memref_slice %arg6[%mul3A_10, %dma_wait3A_19] : memref<10248x128xf32, #tpu.memory_space<vmem_shared>> -> memref<640x128xf32, #tpu.memory_space<vmem_shared>>
      tpu.wait_dma2 semaphore(%run_scoped3A : memref<!tpu.dma_semaphore, #tpu.memory_space<semaphore_mem>>) src(%dma_wait3A_20 : memref<640x128xf32, #tpu.memory_space<vmem_shared>>) dst(%dma_wait3A_18 : memref<640x128xf32, #tpu.memory_space<hbm>>)
      tpu.yield
    }) : () -> ()
    return
  }
}

#map = affine_map<(d0, d1) -> (0, 0)>
#map1 = affine_map<(d0, d1) -> (0, 0, 0, 0)>
#map2 = affine_map<(d0, d1) -> (0, 0, 0)>
module attributes {stable_mosaic.version = 14 : i64} {
  func.func @k(%arg0: i32, %arg1: i32, %arg2: memref<10000x128xf32, #tpu.memory_space<hbm>>, %arg3: memref<32x80x2x128xi32, #tpu.memory_space<hbm>>, %arg4: memref<640x128xf32, #tpu.memory_space<hbm>>, %arg5: memref<2x10240x128xf32, #tpu.memory_space<hbm>>, %arg6: memref<10248x128xf32, #tpu.memory_space<vmem_shared>>, %arg7: memref<2x128xi32, #tpu.memory_space<vmem>>, %arg8: memref<128x128xf32, #tpu.memory_space<vmem>>, %arg9: memref<!tpu.dma_semaphore, #tpu.memory_space<semaphore_mem>>) attributes {dimension_semantics = [#tpu.dimension_semantics<core_parallel>, #tpu.dimension_semantics<subcore_parallel>], iteration_bounds = array<i64: 2, 16>, scalar_prefetch = 0 : i64, scratch_operands = 4 : i64, tpu.core_type = #tpu.core_type<sc_vector_subcore>, window_params = [{transform_indices = #map}, {transform_indices = #map1}, {transform_indices = #map}, {transform_indices = #map2}]} {
    %mul3A = arith.constant 16 : i32
    %mul3A_0 = arith.muli %arg0, %mul3A : i32
    %add3A = arith.addi %mul3A_0, %arg1 : i32
    %mul3A_1 = arith.constant 640 : i32
    %mul3A_2 = arith.muli %arg1, %mul3A_1 : i32
    "tpu.region"() ({
      %run_scoped3A = tpu.sem_alloc : memref<!tpu.dma_semaphore, #tpu.memory_space<semaphore_mem>>
      %dma_start3A = arith.constant 0 : i32
      %dma_start3A_13 = tpu.memref_slice %arg6[%mul3A_2, %dma_start3A] : memref<10248x128xf32, #tpu.memory_space<vmem_shared>> -> memref<640x128xf32, #tpu.memory_space<vmem_shared>>
      tpu.enqueue_dma source(%arg4 : memref<640x128xf32, #tpu.memory_space<hbm>>) target(%dma_start3A_13 : memref<640x128xf32, #tpu.memory_space<vmem_shared>>) target_semaphore(%run_scoped3A : memref<!tpu.dma_semaphore, #tpu.memory_space<semaphore_mem>>)
      %dma_wait3A = arith.constant 0 : i32
      %dma_wait3A_14 = tpu.memref_slice %arg6[%mul3A_2, %dma_wait3A] : memref<10248x128xf32, #tpu.memory_space<vmem_shared>> -> memref<640x128xf32, #tpu.memory_space<vmem_shared>>
      tpu.wait_dma2 semaphore(%run_scoped3A : memref<!tpu.dma_semaphore, #tpu.memory_space<semaphore_mem>>) src(%arg4 : memref<640x128xf32, #tpu.memory_space<hbm>>) dst(%dma_wait3A_14 : memref<640x128xf32, #tpu.memory_space<vmem_shared>>)
      tpu.yield
    }) : () -> ()
    %barrier3A = arith.constant 0 : index
    tpu.barrier barrier_id(%barrier3A)
    %scan3A = arith.constant 0 : i32
    %scan3A_3 = arith.constant 0 : i32
    %scan3A_4 = arith.constant 80 : i32
    %scan3A_5 = arith.addi %scan3A_3, %scan3A_4 : i32
    %scan3A_6 = arith.constant 1 : i32
    scf.for %scan3A_13 = %scan3A_3 to %scan3A_5 step %scan3A_6  : i32 {
      "tpu.region"() ({
        %run_scoped3A_26 = tpu.sem_alloc : memref<!tpu.dma_semaphore, #tpu.memory_space<semaphore_mem>>
        %dma_start3A_27 = arith.constant 0 : i32
        %dma_start3A_28 = arith.constant 0 : i32
        %dma_start3A_29 = tpu.memref_slice %arg3[%add3A, %scan3A_13, %dma_start3A_27, %dma_start3A_28] : memref<32x80x2x128xi32, #tpu.memory_space<hbm>> -> memref<1x1x2x128xi32, #tpu.memory_space<hbm>>
        %dma_start3A_30 = tpu.memref_squeeze %dma_start3A_29 : memref<1x1x2x128xi32, #tpu.memory_space<hbm>> -> memref<2x128xi32, #tpu.memory_space<hbm>>
        %dma_start3A_31 = arith.constant 0 : i32
        %dma_start3A_32 = arith.constant 0 : i32
        %dma_start3A_33 = tpu.memref_slice %arg3[%add3A, %scan3A_13, %dma_start3A_31, %dma_start3A_32] : memref<32x80x2x128xi32, #tpu.memory_space<hbm>> -> memref<1x1x2x128xi32, #tpu.memory_space<hbm>>
        %dma_start3A_34 = tpu.memref_squeeze %dma_start3A_33 : memref<1x1x2x128xi32, #tpu.memory_space<hbm>> -> memref<2x128xi32, #tpu.memory_space<hbm>>
        tpu.enqueue_dma source(%dma_start3A_34 : memref<2x128xi32, #tpu.memory_space<hbm>>) target(%arg7 : memref<2x128xi32, #tpu.memory_space<vmem>>) target_semaphore(%run_scoped3A_26 : memref<!tpu.dma_semaphore, #tpu.memory_space<semaphore_mem>>)
        %dma_wait3A_35 = arith.constant 0 : i32
        %dma_wait3A_36 = arith.constant 0 : i32
        %dma_wait3A_37 = tpu.memref_slice %arg3[%add3A, %scan3A_13, %dma_wait3A_35, %dma_wait3A_36] : memref<32x80x2x128xi32, #tpu.memory_space<hbm>> -> memref<1x1x2x128xi32, #tpu.memory_space<hbm>>
        %dma_wait3A_38 = tpu.memref_squeeze %dma_wait3A_37 : memref<1x1x2x128xi32, #tpu.memory_space<hbm>> -> memref<2x128xi32, #tpu.memory_space<hbm>>
        %dma_wait3A_39 = arith.constant 0 : i32
        %dma_wait3A_40 = arith.constant 0 : i32
        %dma_wait3A_41 = tpu.memref_slice %arg3[%add3A, %scan3A_13, %dma_wait3A_39, %dma_wait3A_40] : memref<32x80x2x128xi32, #tpu.memory_space<hbm>> -> memref<1x1x2x128xi32, #tpu.memory_space<hbm>>
        %dma_wait3A_42 = tpu.memref_squeeze %dma_wait3A_41 : memref<1x1x2x128xi32, #tpu.memory_space<hbm>> -> memref<2x128xi32, #tpu.memory_space<hbm>>
        tpu.wait_dma2 semaphore(%run_scoped3A_26 : memref<!tpu.dma_semaphore, #tpu.memory_space<semaphore_mem>>) src(%dma_wait3A_42 : memref<2x128xi32, #tpu.memory_space<hbm>>) dst(%arg7 : memref<2x128xi32, #tpu.memory_space<vmem>>)
        tpu.yield
      }) : () -> ()
      %dma_start3A = arith.constant 0 : i32
      %dma_start3A_14 = arith.constant 0 : i32
      %dma_start3A_15 = tpu.memref_slice %arg7[%dma_start3A, %dma_start3A_14] : memref<2x128xi32, #tpu.memory_space<vmem>> -> memref<1x128xi32, #tpu.memory_space<vmem>>
      %dma_start3A_16 = tpu.memref_squeeze %dma_start3A_15 : memref<1x128xi32, #tpu.memory_space<vmem>> -> memref<128xi32, #tpu.memory_space<vmem>>
      %dma_start3A_17 = arith.constant 0 : i32
      %dma_start3A_18 = arith.constant 0 : i32
      %dma_start3A_19 = tpu.memref_slice %arg2[%dma_start3A_17, %dma_start3A_18] : memref<10000x128xf32, #tpu.memory_space<hbm>> -> memref<10000x128xf32, #tpu.memory_space<hbm>>
      tpu.enqueue_indirect_dma source(%dma_start3A_19 : memref<10000x128xf32, #tpu.memory_space<hbm>>) target(%arg8 : memref<128x128xf32, #tpu.memory_space<vmem>>) offsets(%dma_start3A_16 : memref<128xi32, #tpu.memory_space<vmem>>) semaphore(%arg9 : memref<!tpu.dma_semaphore, #tpu.memory_space<semaphore_mem>>)
      %dma_wait3A = arith.constant 0 : i32
      %dma_wait3A_20 = arith.constant 0 : i32
      %dma_wait3A_21 = tpu.memref_slice %arg7[%dma_wait3A, %dma_wait3A_20] : memref<2x128xi32, #tpu.memory_space<vmem>> -> memref<1x128xi32, #tpu.memory_space<vmem>>
      %dma_wait3A_22 = tpu.memref_squeeze %dma_wait3A_21 : memref<1x128xi32, #tpu.memory_space<vmem>> -> memref<128xi32, #tpu.memory_space<vmem>>
      %dma_wait3A_23 = arith.constant 0 : i32
      %dma_wait3A_24 = arith.constant 0 : i32
      %dma_wait3A_25 = tpu.memref_slice %arg2[%dma_wait3A_23, %dma_wait3A_24] : memref<10000x128xf32, #tpu.memory_space<hbm>> -> memref<10000x128xf32, #tpu.memory_space<hbm>>
      tpu.wait_indirect_dma semaphore(%arg9 : memref<!tpu.dma_semaphore, #tpu.memory_space<semaphore_mem>>) src(%dma_wait3A_25 : memref<10000x128xf32, #tpu.memory_space<hbm>>) dst(%arg8 : memref<128x128xf32, #tpu.memory_space<vmem>>)
      %run_scoped3A = arith.constant 1 : i32
      "tpu.region"() ({
        %run_scoped3A_26 = tpu.sem_alloc : memref<!tpu.dma_semaphore, #tpu.memory_space<semaphore_mem>>
        %dma_start3A_27 = arith.constant 0 : i32
        %dma_start3A_28 = tpu.memref_slice %arg7[%run_scoped3A, %dma_start3A_27] : memref<2x128xi32, #tpu.memory_space<vmem>> -> memref<1x128xi32, #tpu.memory_space<vmem>>
        %dma_start3A_29 = tpu.memref_squeeze %dma_start3A_28 : memref<1x128xi32, #tpu.memory_space<vmem>> -> memref<128xi32, #tpu.memory_space<vmem>>
        %dma_start3A_30 = arith.constant 0 : i32
        %dma_start3A_31 = arith.constant 0 : i32
        %dma_start3A_32 = tpu.memref_slice %arg6[%dma_start3A_30, %dma_start3A_31] : memref<10248x128xf32, #tpu.memory_space<vmem_shared>> -> memref<10248x128xf32, #tpu.memory_space<vmem_shared>>
        tpu.enqueue_indirect_dma source(%arg8 : memref<128x128xf32, #tpu.memory_space<vmem>>) target(%dma_start3A_32 : memref<10248x128xf32, #tpu.memory_space<vmem_shared>>) offsets(%dma_start3A_29 : memref<128xi32, #tpu.memory_space<vmem>>) semaphore(%run_scoped3A_26 : memref<!tpu.dma_semaphore, #tpu.memory_space<semaphore_mem>>) {add = true}
        %dma_wait3A_33 = arith.constant 0 : i32
        %dma_wait3A_34 = tpu.memref_slice %arg7[%run_scoped3A, %dma_wait3A_33] : memref<2x128xi32, #tpu.memory_space<vmem>> -> memref<1x128xi32, #tpu.memory_space<vmem>>
        %dma_wait3A_35 = tpu.memref_squeeze %dma_wait3A_34 : memref<1x128xi32, #tpu.memory_space<vmem>> -> memref<128xi32, #tpu.memory_space<vmem>>
        %dma_wait3A_36 = arith.constant 0 : i32
        %dma_wait3A_37 = arith.constant 0 : i32
        %dma_wait3A_38 = tpu.memref_slice %arg6[%dma_wait3A_36, %dma_wait3A_37] : memref<10248x128xf32, #tpu.memory_space<vmem_shared>> -> memref<10248x128xf32, #tpu.memory_space<vmem_shared>>
        tpu.wait_indirect_dma semaphore(%run_scoped3A_26 : memref<!tpu.dma_semaphore, #tpu.memory_space<semaphore_mem>>) src(%arg8 : memref<128x128xf32, #tpu.memory_space<vmem>>) dst(%dma_wait3A_38 : memref<10248x128xf32, #tpu.memory_space<vmem_shared>>)
        tpu.yield
      }) : () -> ()
    }
    %scan3A_7 = arith.constant 80 : i32
    %barrier3A_8 = arith.constant 0 : index
    tpu.barrier barrier_id(%barrier3A_8)
    %mul3A_9 = arith.constant 640 : i32
    %mul3A_10 = arith.muli %arg1, %mul3A_9 : i32
    %mul3A_11 = arith.constant 640 : i32
    %mul3A_12 = arith.muli %arg1, %mul3A_11 : i32
    "tpu.region"() ({
      %run_scoped3A = tpu.sem_alloc : memref<!tpu.dma_semaphore, #tpu.memory_space<semaphore_mem>>
      %dma_start3A = arith.constant 0 : i32
      %dma_start3A_13 = tpu.memref_slice %arg5[%arg0, %mul3A_12, %dma_start3A] : memref<2x10240x128xf32, #tpu.memory_space<hbm>> -> memref<1x640x128xf32, #tpu.memory_space<hbm>>
      %dma_start3A_14 = tpu.memref_squeeze %dma_start3A_13 : memref<1x640x128xf32, #tpu.memory_space<hbm>> -> memref<640x128xf32, #tpu.memory_space<hbm>>
      %dma_start3A_15 = arith.constant 0 : i32
      %dma_start3A_16 = tpu.memref_slice %arg6[%mul3A_10, %dma_start3A_15] : memref<10248x128xf32, #tpu.memory_space<vmem_shared>> -> memref<640x128xf32, #tpu.memory_space<vmem_shared>>
      tpu.enqueue_dma source(%dma_start3A_16 : memref<640x128xf32, #tpu.memory_space<vmem_shared>>) target(%dma_start3A_14 : memref<640x128xf32, #tpu.memory_space<hbm>>) target_semaphore(%run_scoped3A : memref<!tpu.dma_semaphore, #tpu.memory_space<semaphore_mem>>)
      %dma_wait3A = arith.constant 0 : i32
      %dma_wait3A_17 = tpu.memref_slice %arg5[%arg0, %mul3A_12, %dma_wait3A] : memref<2x10240x128xf32, #tpu.memory_space<hbm>> -> memref<1x640x128xf32, #tpu.memory_space<hbm>>
      %dma_wait3A_18 = tpu.memref_squeeze %dma_wait3A_17 : memref<1x640x128xf32, #tpu.memory_space<hbm>> -> memref<640x128xf32, #tpu.memory_space<hbm>>
      %dma_wait3A_19 = arith.constant 0 : i32
      %dma_wait3A_20 = tpu.memref_slice %arg6[%mul3A_10, %dma_wait3A_19] : memref<10248x128xf32, #tpu.memory_space<vmem_shared>> -> memref<640x128xf32, #tpu.memory_space<vmem_shared>>
      tpu.wait_dma2 semaphore(%run_scoped3A : memref<!tpu.dma_semaphore, #tpu.memory_space<semaphore_mem>>) src(%dma_wait3A_20 : memref<640x128xf32, #tpu.memory_space<vmem_shared>>) dst(%dma_wait3A_18 : memref<640x128xf32, #tpu.memory_space<hbm>>)
      tpu.yield
    }) : () -> ()
    return
  }
}

#map = affine_map<(d0, d1) -> (0, 0)>
#map1 = affine_map<(d0, d1) -> (0, 0, 0, 0)>
#map2 = affine_map<(d0, d1) -> (0, 0, 0)>
module attributes {stable_mosaic.version = 14 : i64} {
  func.func @k(%arg0: i32, %arg1: i32, %arg2: memref<10000x128xf32, #tpu.memory_space<hbm>>, %arg3: memref<32x80x2x128xi32, #tpu.memory_space<hbm>>, %arg4: memref<640x128xf32, #tpu.memory_space<hbm>>, %arg5: memref<2x10240x128xf32, #tpu.memory_space<hbm>>, %arg6: memref<10248x128xf32, #tpu.memory_space<vmem_shared>>, %arg7: memref<2x128xi32, #tpu.memory_space<vmem>>, %arg8: memref<128x128xf32, #tpu.memory_space<vmem>>, %arg9: memref<!tpu.dma_semaphore, #tpu.memory_space<semaphore_mem>>) attributes {dimension_semantics = [#tpu.dimension_semantics<core_parallel>, #tpu.dimension_semantics<subcore_parallel>], iteration_bounds = array<i64: 2, 16>, scalar_prefetch = 0 : i64, scratch_operands = 4 : i64, tpu.core_type = #tpu.core_type<sc_vector_subcore>, window_params = [{transform_indices = #map}, {transform_indices = #map1}, {transform_indices = #map}, {transform_indices = #map2}]} {
    %mul3A = arith.constant 16 : i32
    %mul3A_0 = arith.muli %arg0, %mul3A : i32
    %add3A = arith.addi %mul3A_0, %arg1 : i32
    %mul3A_1 = arith.constant 640 : i32
    %mul3A_2 = arith.muli %arg1, %mul3A_1 : i32
    "tpu.region"() ({
      %run_scoped3A = tpu.sem_alloc : memref<!tpu.dma_semaphore, #tpu.memory_space<semaphore_mem>>
      %dma_start3A = arith.constant 0 : i32
      %dma_start3A_13 = tpu.memref_slice %arg6[%mul3A_2, %dma_start3A] : memref<10248x128xf32, #tpu.memory_space<vmem_shared>> -> memref<640x128xf32, #tpu.memory_space<vmem_shared>>
      tpu.enqueue_dma source(%arg4 : memref<640x128xf32, #tpu.memory_space<hbm>>) target(%dma_start3A_13 : memref<640x128xf32, #tpu.memory_space<vmem_shared>>) target_semaphore(%run_scoped3A : memref<!tpu.dma_semaphore, #tpu.memory_space<semaphore_mem>>)
      %dma_wait3A = arith.constant 0 : i32
      %dma_wait3A_14 = tpu.memref_slice %arg6[%mul3A_2, %dma_wait3A] : memref<10248x128xf32, #tpu.memory_space<vmem_shared>> -> memref<640x128xf32, #tpu.memory_space<vmem_shared>>
      tpu.wait_dma2 semaphore(%run_scoped3A : memref<!tpu.dma_semaphore, #tpu.memory_space<semaphore_mem>>) src(%arg4 : memref<640x128xf32, #tpu.memory_space<hbm>>) dst(%dma_wait3A_14 : memref<640x128xf32, #tpu.memory_space<vmem_shared>>)
      tpu.yield
    }) : () -> ()
    %barrier3A = arith.constant 0 : index
    tpu.barrier barrier_id(%barrier3A)
    %scan3A = arith.constant 0 : i32
    %scan3A_3 = arith.constant 0 : i32
    %scan3A_4 = arith.constant 80 : i32
    %scan3A_5 = arith.addi %scan3A_3, %scan3A_4 : i32
    %scan3A_6 = arith.constant 1 : i32
    scf.for %scan3A_13 = %scan3A_3 to %scan3A_5 step %scan3A_6  : i32 {
      "tpu.region"() ({
        %run_scoped3A_26 = tpu.sem_alloc : memref<!tpu.dma_semaphore, #tpu.memory_space<semaphore_mem>>
        %dma_start3A_27 = arith.constant 0 : i32
        %dma_start3A_28 = arith.constant 0 : i32
        %dma_start3A_29 = tpu.memref_slice %arg3[%add3A, %scan3A_13, %dma_start3A_27, %dma_start3A_28] : memref<32x80x2x128xi32, #tpu.memory_space<hbm>> -> memref<1x1x2x128xi32, #tpu.memory_space<hbm>>
        %dma_start3A_30 = tpu.memref_squeeze %dma_start3A_29 : memref<1x1x2x128xi32, #tpu.memory_space<hbm>> -> memref<2x128xi32, #tpu.memory_space<hbm>>
        %dma_start3A_31 = arith.constant 0 : i32
        %dma_start3A_32 = arith.constant 0 : i32
        %dma_start3A_33 = tpu.memref_slice %arg3[%add3A, %scan3A_13, %dma_start3A_31, %dma_start3A_32] : memref<32x80x2x128xi32, #tpu.memory_space<hbm>> -> memref<1x1x2x128xi32, #tpu.memory_space<hbm>>
        %dma_start3A_34 = tpu.memref_squeeze %dma_start3A_33 : memref<1x1x2x128xi32, #tpu.memory_space<hbm>> -> memref<2x128xi32, #tpu.memory_space<hbm>>
        tpu.enqueue_dma source(%dma_start3A_34 : memref<2x128xi32, #tpu.memory_space<hbm>>) target(%arg7 : memref<2x128xi32, #tpu.memory_space<vmem>>) target_semaphore(%run_scoped3A_26 : memref<!tpu.dma_semaphore, #tpu.memory_space<semaphore_mem>>)
        %dma_wait3A_35 = arith.constant 0 : i32
        %dma_wait3A_36 = arith.constant 0 : i32
        %dma_wait3A_37 = tpu.memref_slice %arg3[%add3A, %scan3A_13, %dma_wait3A_35, %dma_wait3A_36] : memref<32x80x2x128xi32, #tpu.memory_space<hbm>> -> memref<1x1x2x128xi32, #tpu.memory_space<hbm>>
        %dma_wait3A_38 = tpu.memref_squeeze %dma_wait3A_37 : memref<1x1x2x128xi32, #tpu.memory_space<hbm>> -> memref<2x128xi32, #tpu.memory_space<hbm>>
        %dma_wait3A_39 = arith.constant 0 : i32
        %dma_wait3A_40 = arith.constant 0 : i32
        %dma_wait3A_41 = tpu.memref_slice %arg3[%add3A, %scan3A_13, %dma_wait3A_39, %dma_wait3A_40] : memref<32x80x2x128xi32, #tpu.memory_space<hbm>> -> memref<1x1x2x128xi32, #tpu.memory_space<hbm>>
        %dma_wait3A_42 = tpu.memref_squeeze %dma_wait3A_41 : memref<1x1x2x128xi32, #tpu.memory_space<hbm>> -> memref<2x128xi32, #tpu.memory_space<hbm>>
        tpu.wait_dma2 semaphore(%run_scoped3A_26 : memref<!tpu.dma_semaphore, #tpu.memory_space<semaphore_mem>>) src(%dma_wait3A_42 : memref<2x128xi32, #tpu.memory_space<hbm>>) dst(%arg7 : memref<2x128xi32, #tpu.memory_space<vmem>>)
        tpu.yield
      }) : () -> ()
      %dma_start3A = arith.constant 0 : i32
      %dma_start3A_14 = arith.constant 0 : i32
      %dma_start3A_15 = tpu.memref_slice %arg7[%dma_start3A, %dma_start3A_14] : memref<2x128xi32, #tpu.memory_space<vmem>> -> memref<1x128xi32, #tpu.memory_space<vmem>>
      %dma_start3A_16 = tpu.memref_squeeze %dma_start3A_15 : memref<1x128xi32, #tpu.memory_space<vmem>> -> memref<128xi32, #tpu.memory_space<vmem>>
      %dma_start3A_17 = arith.constant 0 : i32
      %dma_start3A_18 = arith.constant 0 : i32
      %dma_start3A_19 = tpu.memref_slice %arg2[%dma_start3A_17, %dma_start3A_18] : memref<10000x128xf32, #tpu.memory_space<hbm>> -> memref<10000x128xf32, #tpu.memory_space<hbm>>
      tpu.enqueue_indirect_dma source(%dma_start3A_19 : memref<10000x128xf32, #tpu.memory_space<hbm>>) target(%arg8 : memref<128x128xf32, #tpu.memory_space<vmem>>) offsets(%dma_start3A_16 : memref<128xi32, #tpu.memory_space<vmem>>) semaphore(%arg9 : memref<!tpu.dma_semaphore, #tpu.memory_space<semaphore_mem>>)
      %dma_wait3A = arith.constant 0 : i32
      %dma_wait3A_20 = arith.constant 0 : i32
      %dma_wait3A_21 = tpu.memref_slice %arg7[%dma_wait3A, %dma_wait3A_20] : memref<2x128xi32, #tpu.memory_space<vmem>> -> memref<1x128xi32, #tpu.memory_space<vmem>>
      %dma_wait3A_22 = tpu.memref_squeeze %dma_wait3A_21 : memref<1x128xi32, #tpu.memory_space<vmem>> -> memref<128xi32, #tpu.memory_space<vmem>>
      %dma_wait3A_23 = arith.constant 0 : i32
      %dma_wait3A_24 = arith.constant 0 : i32
      %dma_wait3A_25 = tpu.memref_slice %arg2[%dma_wait3A_23, %dma_wait3A_24] : memref<10000x128xf32, #tpu.memory_space<hbm>> -> memref<10000x128xf32, #tpu.memory_space<hbm>>
      tpu.wait_indirect_dma semaphore(%arg9 : memref<!tpu.dma_semaphore, #tpu.memory_space<semaphore_mem>>) src(%dma_wait3A_25 : memref<10000x128xf32, #tpu.memory_space<hbm>>) dst(%arg8 : memref<128x128xf32, #tpu.memory_space<vmem>>)
      %run_scoped3A = arith.constant 1 : i32
      "tpu.region"() ({
        %run_scoped3A_26 = tpu.sem_alloc : memref<!tpu.dma_semaphore, #tpu.memory_space<semaphore_mem>>
        %dma_start3A_27 = arith.constant 0 : i32
        %dma_start3A_28 = tpu.memref_slice %arg7[%run_scoped3A, %dma_start3A_27] : memref<2x128xi32, #tpu.memory_space<vmem>> -> memref<1x128xi32, #tpu.memory_space<vmem>>
        %dma_start3A_29 = tpu.memref_squeeze %dma_start3A_28 : memref<1x128xi32, #tpu.memory_space<vmem>> -> memref<128xi32, #tpu.memory_space<vmem>>
        %dma_start3A_30 = arith.constant 0 : i32
        %dma_start3A_31 = arith.constant 0 : i32
        %dma_start3A_32 = tpu.memref_slice %arg6[%dma_start3A_30, %dma_start3A_31] : memref<10248x128xf32, #tpu.memory_space<vmem_shared>> -> memref<10248x128xf32, #tpu.memory_space<vmem_shared>>
        tpu.enqueue_indirect_dma source(%arg8 : memref<128x128xf32, #tpu.memory_space<vmem>>) target(%dma_start3A_32 : memref<10248x128xf32, #tpu.memory_space<vmem_shared>>) offsets(%dma_start3A_29 : memref<128xi32, #tpu.memory_space<vmem>>) semaphore(%run_scoped3A_26 : memref<!tpu.dma_semaphore, #tpu.memory_space<semaphore_mem>>) {add = true}
        %dma_wait3A_33 = arith.constant 0 : i32
        %dma_wait3A_34 = tpu.memref_slice %arg7[%run_scoped3A, %dma_wait3A_33] : memref<2x128xi32, #tpu.memory_space<vmem>> -> memref<1x128xi32, #tpu.memory_space<vmem>>
        %dma_wait3A_35 = tpu.memref_squeeze %dma_wait3A_34 : memref<1x128xi32, #tpu.memory_space<vmem>> -> memref<128xi32, #tpu.memory_space<vmem>>
        %dma_wait3A_36 = arith.constant 0 : i32
        %dma_wait3A_37 = arith.constant 0 : i32
        %dma_wait3A_38 = tpu.memref_slice %arg6[%dma_wait3A_36, %dma_wait3A_37] : memref<10248x128xf32, #tpu.memory_space<vmem_shared>> -> memref<10248x128xf32, #tpu.memory_space<vmem_shared>>
        tpu.wait_indirect_dma semaphore(%run_scoped3A_26 : memref<!tpu.dma_semaphore, #tpu.memory_space<semaphore_mem>>) src(%arg8 : memref<128x128xf32, #tpu.memory_space<vmem>>) dst(%dma_wait3A_38 : memref<10248x128xf32, #tpu.memory_space<vmem_shared>>)
        tpu.yield
      }) : () -> ()
    }
    %scan3A_7 = arith.constant 80 : i32
    %barrier3A_8 = arith.constant 0 : index
    tpu.barrier barrier_id(%barrier3A_8)
    %mul3A_9 = arith.constant 640 : i32
    %mul3A_10 = arith.muli %arg1, %mul3A_9 : i32
    %mul3A_11 = arith.constant 640 : i32
    %mul3A_12 = arith.muli %arg1, %mul3A_11 : i32
    "tpu.region"() ({
      %run_scoped3A = tpu.sem_alloc : memref<!tpu.dma_semaphore, #tpu.memory_space<semaphore_mem>>
      %dma_start3A = arith.constant 0 : i32
      %dma_start3A_13 = tpu.memref_slice %arg5[%arg0, %mul3A_12, %dma_start3A] : memref<2x10240x128xf32, #tpu.memory_space<hbm>> -> memref<1x640x128xf32, #tpu.memory_space<hbm>>
      %dma_start3A_14 = tpu.memref_squeeze %dma_start3A_13 : memref<1x640x128xf32, #tpu.memory_space<hbm>> -> memref<640x128xf32, #tpu.memory_space<hbm>>
      %dma_start3A_15 = arith.constant 0 : i32
      %dma_start3A_16 = tpu.memref_slice %arg6[%mul3A_10, %dma_start3A_15] : memref<10248x128xf32, #tpu.memory_space<vmem_shared>> -> memref<640x128xf32, #tpu.memory_space<vmem_shared>>
      tpu.enqueue_dma source(%dma_start3A_16 : memref<640x128xf32, #tpu.memory_space<vmem_shared>>) target(%dma_start3A_14 : memref<640x128xf32, #tpu.memory_space<hbm>>) target_semaphore(%run_scoped3A : memref<!tpu.dma_semaphore, #tpu.memory_space<semaphore_mem>>)
      %dma_wait3A = arith.constant 0 : i32
      %dma_wait3A_17 = tpu.memref_slice %arg5[%arg0, %mul3A_12, %dma_wait3A] : memref<2x10240x128xf32, #tpu.memory_space<hbm>> -> memref<1x640x128xf32, #tpu.memory_space<hbm>>
      %dma_wait3A_18 = tpu.memref_squeeze %dma_wait3A_17 : memref<1x640x128xf32, #tpu.memory_space<hbm>> -> memref<640x128xf32, #tpu.memory_space<hbm>>
      %dma_wait3A_19 = arith.constant 0 : i32
      %dma_wait3A_20 = tpu.memref_slice %arg6[%mul3A_10, %dma_wait3A_19] : memref<10248x128xf32, #tpu.memory_space<vmem_shared>> -> memref<640x128xf32, #tpu.memory_space<vmem_shared>>
      tpu.wait_dma2 semaphore(%run_scoped3A : memref<!tpu.dma_semaphore, #tpu.memory_space<semaphore_mem>>) src(%dma_wait3A_20 : memref<640x128xf32, #tpu.memory_space<vmem_shared>>) dst(%dma_wait3A_18 : memref<640x128xf32, #tpu.memory_space<hbm>>)
      tpu.yield
    }) : () -> ()
    return
  }
}

#map = affine_map<(d0, d1) -> (0, 0)>
#map1 = affine_map<(d0, d1) -> (0, 0, 0, 0)>
#map2 = affine_map<(d0, d1) -> (0, 0, 0)>
module attributes {stable_mosaic.version = 14 : i64} {
  func.func @k(%arg0: i32, %arg1: i32, %arg2: memref<10000x128xf32, #tpu.memory_space<hbm>>, %arg3: memref<32x80x2x128xi32, #tpu.memory_space<hbm>>, %arg4: memref<640x128xf32, #tpu.memory_space<hbm>>, %arg5: memref<2x10240x128xf32, #tpu.memory_space<hbm>>, %arg6: memref<10248x128xf32, #tpu.memory_space<vmem_shared>>, %arg7: memref<2x128xi32, #tpu.memory_space<vmem>>, %arg8: memref<128x128xf32, #tpu.memory_space<vmem>>, %arg9: memref<!tpu.dma_semaphore, #tpu.memory_space<semaphore_mem>>) attributes {dimension_semantics = [#tpu.dimension_semantics<core_parallel>, #tpu.dimension_semantics<subcore_parallel>], iteration_bounds = array<i64: 2, 16>, scalar_prefetch = 0 : i64, scratch_operands = 4 : i64, tpu.core_type = #tpu.core_type<sc_vector_subcore>, window_params = [{transform_indices = #map}, {transform_indices = #map1}, {transform_indices = #map}, {transform_indices = #map2}]} {
    %mul3A = arith.constant 16 : i32
    %mul3A_0 = arith.muli %arg0, %mul3A : i32
    %add3A = arith.addi %mul3A_0, %arg1 : i32
    %mul3A_1 = arith.constant 640 : i32
    %mul3A_2 = arith.muli %arg1, %mul3A_1 : i32
    "tpu.region"() ({
      %run_scoped3A = tpu.sem_alloc : memref<!tpu.dma_semaphore, #tpu.memory_space<semaphore_mem>>
      %dma_start3A = arith.constant 0 : i32
      %dma_start3A_13 = tpu.memref_slice %arg6[%mul3A_2, %dma_start3A] : memref<10248x128xf32, #tpu.memory_space<vmem_shared>> -> memref<640x128xf32, #tpu.memory_space<vmem_shared>>
      tpu.enqueue_dma source(%arg4 : memref<640x128xf32, #tpu.memory_space<hbm>>) target(%dma_start3A_13 : memref<640x128xf32, #tpu.memory_space<vmem_shared>>) target_semaphore(%run_scoped3A : memref<!tpu.dma_semaphore, #tpu.memory_space<semaphore_mem>>)
      %dma_wait3A = arith.constant 0 : i32
      %dma_wait3A_14 = tpu.memref_slice %arg6[%mul3A_2, %dma_wait3A] : memref<10248x128xf32, #tpu.memory_space<vmem_shared>> -> memref<640x128xf32, #tpu.memory_space<vmem_shared>>
      tpu.wait_dma2 semaphore(%run_scoped3A : memref<!tpu.dma_semaphore, #tpu.memory_space<semaphore_mem>>) src(%arg4 : memref<640x128xf32, #tpu.memory_space<hbm>>) dst(%dma_wait3A_14 : memref<640x128xf32, #tpu.memory_space<vmem_shared>>)
      tpu.yield
    }) : () -> ()
    %barrier3A = arith.constant 0 : index
    tpu.barrier barrier_id(%barrier3A)
    %scan3A = arith.constant 0 : i32
    %scan3A_3 = arith.constant 0 : i32
    %scan3A_4 = arith.constant 80 : i32
    %scan3A_5 = arith.addi %scan3A_3, %scan3A_4 : i32
    %scan3A_6 = arith.constant 1 : i32
    scf.for %scan3A_13 = %scan3A_3 to %scan3A_5 step %scan3A_6  : i32 {
      "tpu.region"() ({
        %run_scoped3A_26 = tpu.sem_alloc : memref<!tpu.dma_semaphore, #tpu.memory_space<semaphore_mem>>
        %dma_start3A_27 = arith.constant 0 : i32
        %dma_start3A_28 = arith.constant 0 : i32
        %dma_start3A_29 = tpu.memref_slice %arg3[%add3A, %scan3A_13, %dma_start3A_27, %dma_start3A_28] : memref<32x80x2x128xi32, #tpu.memory_space<hbm>> -> memref<1x1x2x128xi32, #tpu.memory_space<hbm>>
        %dma_start3A_30 = tpu.memref_squeeze %dma_start3A_29 : memref<1x1x2x128xi32, #tpu.memory_space<hbm>> -> memref<2x128xi32, #tpu.memory_space<hbm>>
        %dma_start3A_31 = arith.constant 0 : i32
        %dma_start3A_32 = arith.constant 0 : i32
        %dma_start3A_33 = tpu.memref_slice %arg3[%add3A, %scan3A_13, %dma_start3A_31, %dma_start3A_32] : memref<32x80x2x128xi32, #tpu.memory_space<hbm>> -> memref<1x1x2x128xi32, #tpu.memory_space<hbm>>
        %dma_start3A_34 = tpu.memref_squeeze %dma_start3A_33 : memref<1x1x2x128xi32, #tpu.memory_space<hbm>> -> memref<2x128xi32, #tpu.memory_space<hbm>>
        tpu.enqueue_dma source(%dma_start3A_34 : memref<2x128xi32, #tpu.memory_space<hbm>>) target(%arg7 : memref<2x128xi32, #tpu.memory_space<vmem>>) target_semaphore(%run_scoped3A_26 : memref<!tpu.dma_semaphore, #tpu.memory_space<semaphore_mem>>)
        %dma_wait3A_35 = arith.constant 0 : i32
        %dma_wait3A_36 = arith.constant 0 : i32
        %dma_wait3A_37 = tpu.memref_slice %arg3[%add3A, %scan3A_13, %dma_wait3A_35, %dma_wait3A_36] : memref<32x80x2x128xi32, #tpu.memory_space<hbm>> -> memref<1x1x2x128xi32, #tpu.memory_space<hbm>>
        %dma_wait3A_38 = tpu.memref_squeeze %dma_wait3A_37 : memref<1x1x2x128xi32, #tpu.memory_space<hbm>> -> memref<2x128xi32, #tpu.memory_space<hbm>>
        %dma_wait3A_39 = arith.constant 0 : i32
        %dma_wait3A_40 = arith.constant 0 : i32
        %dma_wait3A_41 = tpu.memref_slice %arg3[%add3A, %scan3A_13, %dma_wait3A_39, %dma_wait3A_40] : memref<32x80x2x128xi32, #tpu.memory_space<hbm>> -> memref<1x1x2x128xi32, #tpu.memory_space<hbm>>
        %dma_wait3A_42 = tpu.memref_squeeze %dma_wait3A_41 : memref<1x1x2x128xi32, #tpu.memory_space<hbm>> -> memref<2x128xi32, #tpu.memory_space<hbm>>
        tpu.wait_dma2 semaphore(%run_scoped3A_26 : memref<!tpu.dma_semaphore, #tpu.memory_space<semaphore_mem>>) src(%dma_wait3A_42 : memref<2x128xi32, #tpu.memory_space<hbm>>) dst(%arg7 : memref<2x128xi32, #tpu.memory_space<vmem>>)
        tpu.yield
      }) : () -> ()
      %dma_start3A = arith.constant 0 : i32
      %dma_start3A_14 = arith.constant 0 : i32
      %dma_start3A_15 = tpu.memref_slice %arg7[%dma_start3A, %dma_start3A_14] : memref<2x128xi32, #tpu.memory_space<vmem>> -> memref<1x128xi32, #tpu.memory_space<vmem>>
      %dma_start3A_16 = tpu.memref_squeeze %dma_start3A_15 : memref<1x128xi32, #tpu.memory_space<vmem>> -> memref<128xi32, #tpu.memory_space<vmem>>
      %dma_start3A_17 = arith.constant 0 : i32
      %dma_start3A_18 = arith.constant 0 : i32
      %dma_start3A_19 = tpu.memref_slice %arg2[%dma_start3A_17, %dma_start3A_18] : memref<10000x128xf32, #tpu.memory_space<hbm>> -> memref<10000x128xf32, #tpu.memory_space<hbm>>
      tpu.enqueue_indirect_dma source(%dma_start3A_19 : memref<10000x128xf32, #tpu.memory_space<hbm>>) target(%arg8 : memref<128x128xf32, #tpu.memory_space<vmem>>) offsets(%dma_start3A_16 : memref<128xi32, #tpu.memory_space<vmem>>) semaphore(%arg9 : memref<!tpu.dma_semaphore, #tpu.memory_space<semaphore_mem>>)
      %dma_wait3A = arith.constant 0 : i32
      %dma_wait3A_20 = arith.constant 0 : i32
      %dma_wait3A_21 = tpu.memref_slice %arg7[%dma_wait3A, %dma_wait3A_20] : memref<2x128xi32, #tpu.memory_space<vmem>> -> memref<1x128xi32, #tpu.memory_space<vmem>>
      %dma_wait3A_22 = tpu.memref_squeeze %dma_wait3A_21 : memref<1x128xi32, #tpu.memory_space<vmem>> -> memref<128xi32, #tpu.memory_space<vmem>>
      %dma_wait3A_23 = arith.constant 0 : i32
      %dma_wait3A_24 = arith.constant 0 : i32
      %dma_wait3A_25 = tpu.memref_slice %arg2[%dma_wait3A_23, %dma_wait3A_24] : memref<10000x128xf32, #tpu.memory_space<hbm>> -> memref<10000x128xf32, #tpu.memory_space<hbm>>
      tpu.wait_indirect_dma semaphore(%arg9 : memref<!tpu.dma_semaphore, #tpu.memory_space<semaphore_mem>>) src(%dma_wait3A_25 : memref<10000x128xf32, #tpu.memory_space<hbm>>) dst(%arg8 : memref<128x128xf32, #tpu.memory_space<vmem>>)
      %run_scoped3A = arith.constant 1 : i32
      "tpu.region"() ({
        %run_scoped3A_26 = tpu.sem_alloc : memref<!tpu.dma_semaphore, #tpu.memory_space<semaphore_mem>>
        %dma_start3A_27 = arith.constant 0 : i32
        %dma_start3A_28 = tpu.memref_slice %arg7[%run_scoped3A, %dma_start3A_27] : memref<2x128xi32, #tpu.memory_space<vmem>> -> memref<1x128xi32, #tpu.memory_space<vmem>>
        %dma_start3A_29 = tpu.memref_squeeze %dma_start3A_28 : memref<1x128xi32, #tpu.memory_space<vmem>> -> memref<128xi32, #tpu.memory_space<vmem>>
        %dma_start3A_30 = arith.constant 0 : i32
        %dma_start3A_31 = arith.constant 0 : i32
        %dma_start3A_32 = tpu.memref_slice %arg6[%dma_start3A_30, %dma_start3A_31] : memref<10248x128xf32, #tpu.memory_space<vmem_shared>> -> memref<10248x128xf32, #tpu.memory_space<vmem_shared>>
        tpu.enqueue_indirect_dma source(%arg8 : memref<128x128xf32, #tpu.memory_space<vmem>>) target(%dma_start3A_32 : memref<10248x128xf32, #tpu.memory_space<vmem_shared>>) offsets(%dma_start3A_29 : memref<128xi32, #tpu.memory_space<vmem>>) semaphore(%run_scoped3A_26 : memref<!tpu.dma_semaphore, #tpu.memory_space<semaphore_mem>>) {add = true}
        %dma_wait3A_33 = arith.constant 0 : i32
        %dma_wait3A_34 = tpu.memref_slice %arg7[%run_scoped3A, %dma_wait3A_33] : memref<2x128xi32, #tpu.memory_space<vmem>> -> memref<1x128xi32, #tpu.memory_space<vmem>>
        %dma_wait3A_35 = tpu.memref_squeeze %dma_wait3A_34 : memref<1x128xi32, #tpu.memory_space<vmem>> -> memref<128xi32, #tpu.memory_space<vmem>>
        %dma_wait3A_36 = arith.constant 0 : i32
        %dma_wait3A_37 = arith.constant 0 : i32
        %dma_wait3A_38 = tpu.memref_slice %arg6[%dma_wait3A_36, %dma_wait3A_37] : memref<10248x128xf32, #tpu.memory_space<vmem_shared>> -> memref<10248x128xf32, #tpu.memory_space<vmem_shared>>
        tpu.wait_indirect_dma semaphore(%run_scoped3A_26 : memref<!tpu.dma_semaphore, #tpu.memory_space<semaphore_mem>>) src(%arg8 : memref<128x128xf32, #tpu.memory_space<vmem>>) dst(%dma_wait3A_38 : memref<10248x128xf32, #tpu.memory_space<vmem_shared>>)
        tpu.yield
      }) : () -> ()
    }
    %scan3A_7 = arith.constant 80 : i32
    %barrier3A_8 = arith.constant 0 : index
    tpu.barrier barrier_id(%barrier3A_8)
    %mul3A_9 = arith.constant 640 : i32
    %mul3A_10 = arith.muli %arg1, %mul3A_9 : i32
    %mul3A_11 = arith.constant 640 : i32
    %mul3A_12 = arith.muli %arg1, %mul3A_11 : i32
    "tpu.region"() ({
      %run_scoped3A = tpu.sem_alloc : memref<!tpu.dma_semaphore, #tpu.memory_space<semaphore_mem>>
      %dma_start3A = arith.constant 0 : i32
      %dma_start3A_13 = tpu.memref_slice %arg5[%arg0, %mul3A_12, %dma_start3A] : memref<2x10240x128xf32, #tpu.memory_space<hbm>> -> memref<1x640x128xf32, #tpu.memory_space<hbm>>
      %dma_start3A_14 = tpu.memref_squeeze %dma_start3A_13 : memref<1x640x128xf32, #tpu.memory_space<hbm>> -> memref<640x128xf32, #tpu.memory_space<hbm>>
      %dma_start3A_15 = arith.constant 0 : i32
      %dma_start3A_16 = tpu.memref_slice %arg6[%mul3A_10, %dma_start3A_15] : memref<10248x128xf32, #tpu.memory_space<vmem_shared>> -> memref<640x128xf32, #tpu.memory_space<vmem_shared>>
      tpu.enqueue_dma source(%dma_start3A_16 : memref<640x128xf32, #tpu.memory_space<vmem_shared>>) target(%dma_start3A_14 : memref<640x128xf32, #tpu.memory_space<hbm>>) target_semaphore(%run_scoped3A : memref<!tpu.dma_semaphore, #tpu.memory_space<semaphore_mem>>)
      %dma_wait3A = arith.constant 0 : i32
      %dma_wait3A_17 = tpu.memref_slice %arg5[%arg0, %mul3A_12, %dma_wait3A] : memref<2x10240x128xf32, #tpu.memory_space<hbm>> -> memref<1x640x128xf32, #tpu.memory_space<hbm>>
      %dma_wait3A_18 = tpu.memref_squeeze %dma_wait3A_17 : memref<1x640x128xf32, #tpu.memory_space<hbm>> -> memref<640x128xf32, #tpu.memory_space<hbm>>
      %dma_wait3A_19 = arith.constant 0 : i32
      %dma_wait3A_20 = tpu.memref_slice %arg6[%mul3A_10, %dma_wait3A_19] : memref<10248x128xf32, #tpu.memory_space<vmem_shared>> -> memref<640x128xf32, #tpu.memory_space<vmem_shared>>
      tpu.wait_dma2 semaphore(%run_scoped3A : memref<!tpu.dma_semaphore, #tpu.memory_space<semaphore_mem>>) src(%dma_wait3A_20 : memref<640x128xf32, #tpu.memory_space<vmem_shared>>) dst(%dma_wait3A_18 : memref<640x128xf32, #tpu.memory_space<hbm>>)
      tpu.yield
    }) : () -> ()
    return
  }
}

#map = affine_map<(d0, d1) -> (0, 0)>
#map1 = affine_map<(d0, d1) -> (0, 0, 0, 0)>
#map2 = affine_map<(d0, d1) -> (0, 0, 0)>
module attributes {stable_mosaic.version = 14 : i64} {
  func.func @k(%arg0: i32, %arg1: i32, %arg2: memref<10000x128xf32, #tpu.memory_space<hbm>>, %arg3: memref<32x80x2x128xi32, #tpu.memory_space<hbm>>, %arg4: memref<640x128xf32, #tpu.memory_space<hbm>>, %arg5: memref<2x10240x128xf32, #tpu.memory_space<hbm>>, %arg6: memref<10248x128xf32, #tpu.memory_space<vmem_shared>>, %arg7: memref<2x128xi32, #tpu.memory_space<vmem>>, %arg8: memref<128x128xf32, #tpu.memory_space<vmem>>, %arg9: memref<!tpu.dma_semaphore, #tpu.memory_space<semaphore_mem>>) attributes {dimension_semantics = [#tpu.dimension_semantics<core_parallel>, #tpu.dimension_semantics<subcore_parallel>], iteration_bounds = array<i64: 2, 16>, scalar_prefetch = 0 : i64, scratch_operands = 4 : i64, tpu.core_type = #tpu.core_type<sc_vector_subcore>, window_params = [{transform_indices = #map}, {transform_indices = #map1}, {transform_indices = #map}, {transform_indices = #map2}]} {
    %mul3A = arith.constant 16 : i32
    %mul3A_0 = arith.muli %arg0, %mul3A : i32
    %add3A = arith.addi %mul3A_0, %arg1 : i32
    %mul3A_1 = arith.constant 640 : i32
    %mul3A_2 = arith.muli %arg1, %mul3A_1 : i32
    "tpu.region"() ({
      %run_scoped3A = tpu.sem_alloc : memref<!tpu.dma_semaphore, #tpu.memory_space<semaphore_mem>>
      %dma_start3A = arith.constant 0 : i32
      %dma_start3A_13 = tpu.memref_slice %arg6[%mul3A_2, %dma_start3A] : memref<10248x128xf32, #tpu.memory_space<vmem_shared>> -> memref<640x128xf32, #tpu.memory_space<vmem_shared>>
      tpu.enqueue_dma source(%arg4 : memref<640x128xf32, #tpu.memory_space<hbm>>) target(%dma_start3A_13 : memref<640x128xf32, #tpu.memory_space<vmem_shared>>) target_semaphore(%run_scoped3A : memref<!tpu.dma_semaphore, #tpu.memory_space<semaphore_mem>>)
      %dma_wait3A = arith.constant 0 : i32
      %dma_wait3A_14 = tpu.memref_slice %arg6[%mul3A_2, %dma_wait3A] : memref<10248x128xf32, #tpu.memory_space<vmem_shared>> -> memref<640x128xf32, #tpu.memory_space<vmem_shared>>
      tpu.wait_dma2 semaphore(%run_scoped3A : memref<!tpu.dma_semaphore, #tpu.memory_space<semaphore_mem>>) src(%arg4 : memref<640x128xf32, #tpu.memory_space<hbm>>) dst(%dma_wait3A_14 : memref<640x128xf32, #tpu.memory_space<vmem_shared>>)
      tpu.yield
    }) : () -> ()
    %barrier3A = arith.constant 0 : index
    tpu.barrier barrier_id(%barrier3A)
    %scan3A = arith.constant 0 : i32
    %scan3A_3 = arith.constant 0 : i32
    %scan3A_4 = arith.constant 80 : i32
    %scan3A_5 = arith.addi %scan3A_3, %scan3A_4 : i32
    %scan3A_6 = arith.constant 1 : i32
    scf.for %scan3A_13 = %scan3A_3 to %scan3A_5 step %scan3A_6  : i32 {
      "tpu.region"() ({
        %run_scoped3A_26 = tpu.sem_alloc : memref<!tpu.dma_semaphore, #tpu.memory_space<semaphore_mem>>
        %dma_start3A_27 = arith.constant 0 : i32
        %dma_start3A_28 = arith.constant 0 : i32
        %dma_start3A_29 = tpu.memref_slice %arg3[%add3A, %scan3A_13, %dma_start3A_27, %dma_start3A_28] : memref<32x80x2x128xi32, #tpu.memory_space<hbm>> -> memref<1x1x2x128xi32, #tpu.memory_space<hbm>>
        %dma_start3A_30 = tpu.memref_squeeze %dma_start3A_29 : memref<1x1x2x128xi32, #tpu.memory_space<hbm>> -> memref<2x128xi32, #tpu.memory_space<hbm>>
        %dma_start3A_31 = arith.constant 0 : i32
        %dma_start3A_32 = arith.constant 0 : i32
        %dma_start3A_33 = tpu.memref_slice %arg3[%add3A, %scan3A_13, %dma_start3A_31, %dma_start3A_32] : memref<32x80x2x128xi32, #tpu.memory_space<hbm>> -> memref<1x1x2x128xi32, #tpu.memory_space<hbm>>
        %dma_start3A_34 = tpu.memref_squeeze %dma_start3A_33 : memref<1x1x2x128xi32, #tpu.memory_space<hbm>> -> memref<2x128xi32, #tpu.memory_space<hbm>>
        tpu.enqueue_dma source(%dma_start3A_34 : memref<2x128xi32, #tpu.memory_space<hbm>>) target(%arg7 : memref<2x128xi32, #tpu.memory_space<vmem>>) target_semaphore(%run_scoped3A_26 : memref<!tpu.dma_semaphore, #tpu.memory_space<semaphore_mem>>)
        %dma_wait3A_35 = arith.constant 0 : i32
        %dma_wait3A_36 = arith.constant 0 : i32
        %dma_wait3A_37 = tpu.memref_slice %arg3[%add3A, %scan3A_13, %dma_wait3A_35, %dma_wait3A_36] : memref<32x80x2x128xi32, #tpu.memory_space<hbm>> -> memref<1x1x2x128xi32, #tpu.memory_space<hbm>>
        %dma_wait3A_38 = tpu.memref_squeeze %dma_wait3A_37 : memref<1x1x2x128xi32, #tpu.memory_space<hbm>> -> memref<2x128xi32, #tpu.memory_space<hbm>>
        %dma_wait3A_39 = arith.constant 0 : i32
        %dma_wait3A_40 = arith.constant 0 : i32
        %dma_wait3A_41 = tpu.memref_slice %arg3[%add3A, %scan3A_13, %dma_wait3A_39, %dma_wait3A_40] : memref<32x80x2x128xi32, #tpu.memory_space<hbm>> -> memref<1x1x2x128xi32, #tpu.memory_space<hbm>>
        %dma_wait3A_42 = tpu.memref_squeeze %dma_wait3A_41 : memref<1x1x2x128xi32, #tpu.memory_space<hbm>> -> memref<2x128xi32, #tpu.memory_space<hbm>>
        tpu.wait_dma2 semaphore(%run_scoped3A_26 : memref<!tpu.dma_semaphore, #tpu.memory_space<semaphore_mem>>) src(%dma_wait3A_42 : memref<2x128xi32, #tpu.memory_space<hbm>>) dst(%arg7 : memref<2x128xi32, #tpu.memory_space<vmem>>)
        tpu.yield
      }) : () -> ()
      %dma_start3A = arith.constant 0 : i32
      %dma_start3A_14 = arith.constant 0 : i32
      %dma_start3A_15 = tpu.memref_slice %arg7[%dma_start3A, %dma_start3A_14] : memref<2x128xi32, #tpu.memory_space<vmem>> -> memref<1x128xi32, #tpu.memory_space<vmem>>
      %dma_start3A_16 = tpu.memref_squeeze %dma_start3A_15 : memref<1x128xi32, #tpu.memory_space<vmem>> -> memref<128xi32, #tpu.memory_space<vmem>>
      %dma_start3A_17 = arith.constant 0 : i32
      %dma_start3A_18 = arith.constant 0 : i32
      %dma_start3A_19 = tpu.memref_slice %arg2[%dma_start3A_17, %dma_start3A_18] : memref<10000x128xf32, #tpu.memory_space<hbm>> -> memref<10000x128xf32, #tpu.memory_space<hbm>>
      tpu.enqueue_indirect_dma source(%dma_start3A_19 : memref<10000x128xf32, #tpu.memory_space<hbm>>) target(%arg8 : memref<128x128xf32, #tpu.memory_space<vmem>>) offsets(%dma_start3A_16 : memref<128xi32, #tpu.memory_space<vmem>>) semaphore(%arg9 : memref<!tpu.dma_semaphore, #tpu.memory_space<semaphore_mem>>)
      %dma_wait3A = arith.constant 0 : i32
      %dma_wait3A_20 = arith.constant 0 : i32
      %dma_wait3A_21 = tpu.memref_slice %arg7[%dma_wait3A, %dma_wait3A_20] : memref<2x128xi32, #tpu.memory_space<vmem>> -> memref<1x128xi32, #tpu.memory_space<vmem>>
      %dma_wait3A_22 = tpu.memref_squeeze %dma_wait3A_21 : memref<1x128xi32, #tpu.memory_space<vmem>> -> memref<128xi32, #tpu.memory_space<vmem>>
      %dma_wait3A_23 = arith.constant 0 : i32
      %dma_wait3A_24 = arith.constant 0 : i32
      %dma_wait3A_25 = tpu.memref_slice %arg2[%dma_wait3A_23, %dma_wait3A_24] : memref<10000x128xf32, #tpu.memory_space<hbm>> -> memref<10000x128xf32, #tpu.memory_space<hbm>>
      tpu.wait_indirect_dma semaphore(%arg9 : memref<!tpu.dma_semaphore, #tpu.memory_space<semaphore_mem>>) src(%dma_wait3A_25 : memref<10000x128xf32, #tpu.memory_space<hbm>>) dst(%arg8 : memref<128x128xf32, #tpu.memory_space<vmem>>)
      %run_scoped3A = arith.constant 1 : i32
      "tpu.region"() ({
        %run_scoped3A_26 = tpu.sem_alloc : memref<!tpu.dma_semaphore, #tpu.memory_space<semaphore_mem>>
        %dma_start3A_27 = arith.constant 0 : i32
        %dma_start3A_28 = tpu.memref_slice %arg7[%run_scoped3A, %dma_start3A_27] : memref<2x128xi32, #tpu.memory_space<vmem>> -> memref<1x128xi32, #tpu.memory_space<vmem>>
        %dma_start3A_29 = tpu.memref_squeeze %dma_start3A_28 : memref<1x128xi32, #tpu.memory_space<vmem>> -> memref<128xi32, #tpu.memory_space<vmem>>
        %dma_start3A_30 = arith.constant 0 : i32
        %dma_start3A_31 = arith.constant 0 : i32
        %dma_start3A_32 = tpu.memref_slice %arg6[%dma_start3A_30, %dma_start3A_31] : memref<10248x128xf32, #tpu.memory_space<vmem_shared>> -> memref<10248x128xf32, #tpu.memory_space<vmem_shared>>
        tpu.enqueue_indirect_dma source(%arg8 : memref<128x128xf32, #tpu.memory_space<vmem>>) target(%dma_start3A_32 : memref<10248x128xf32, #tpu.memory_space<vmem_shared>>) offsets(%dma_start3A_29 : memref<128xi32, #tpu.memory_space<vmem>>) semaphore(%run_scoped3A_26 : memref<!tpu.dma_semaphore, #tpu.memory_space<semaphore_mem>>) {add = true}
        %dma_wait3A_33 = arith.constant 0 : i32
        %dma_wait3A_34 = tpu.memref_slice %arg7[%run_scoped3A, %dma_wait3A_33] : memref<2x128xi32, #tpu.memory_space<vmem>> -> memref<1x128xi32, #tpu.memory_space<vmem>>
        %dma_wait3A_35 = tpu.memref_squeeze %dma_wait3A_34 : memref<1x128xi32, #tpu.memory_space<vmem>> -> memref<128xi32, #tpu.memory_space<vmem>>
        %dma_wait3A_36 = arith.constant 0 : i32
        %dma_wait3A_37 = arith.constant 0 : i32
        %dma_wait3A_38 = tpu.memref_slice %arg6[%dma_wait3A_36, %dma_wait3A_37] : memref<10248x128xf32, #tpu.memory_space<vmem_shared>> -> memref<10248x128xf32, #tpu.memory_space<vmem_shared>>
        tpu.wait_indirect_dma semaphore(%run_scoped3A_26 : memref<!tpu.dma_semaphore, #tpu.memory_space<semaphore_mem>>) src(%arg8 : memref<128x128xf32, #tpu.memory_space<vmem>>) dst(%dma_wait3A_38 : memref<10248x128xf32, #tpu.memory_space<vmem_shared>>)
        tpu.yield
      }) : () -> ()
    }
    %scan3A_7 = arith.constant 80 : i32
    %barrier3A_8 = arith.constant 0 : index
    tpu.barrier barrier_id(%barrier3A_8)
    %mul3A_9 = arith.constant 640 : i32
    %mul3A_10 = arith.muli %arg1, %mul3A_9 : i32
    %mul3A_11 = arith.constant 640 : i32
    %mul3A_12 = arith.muli %arg1, %mul3A_11 : i32
    "tpu.region"() ({
      %run_scoped3A = tpu.sem_alloc : memref<!tpu.dma_semaphore, #tpu.memory_space<semaphore_mem>>
      %dma_start3A = arith.constant 0 : i32
      %dma_start3A_13 = tpu.memref_slice %arg5[%arg0, %mul3A_12, %dma_start3A] : memref<2x10240x128xf32, #tpu.memory_space<hbm>> -> memref<1x640x128xf32, #tpu.memory_space<hbm>>
      %dma_start3A_14 = tpu.memref_squeeze %dma_start3A_13 : memref<1x640x128xf32, #tpu.memory_space<hbm>> -> memref<640x128xf32, #tpu.memory_space<hbm>>
      %dma_start3A_15 = arith.constant 0 : i32
      %dma_start3A_16 = tpu.memref_slice %arg6[%mul3A_10, %dma_start3A_15] : memref<10248x128xf32, #tpu.memory_space<vmem_shared>> -> memref<640x128xf32, #tpu.memory_space<vmem_shared>>
      tpu.enqueue_dma source(%dma_start3A_16 : memref<640x128xf32, #tpu.memory_space<vmem_shared>>) target(%dma_start3A_14 : memref<640x128xf32, #tpu.memory_space<hbm>>) target_semaphore(%run_scoped3A : memref<!tpu.dma_semaphore, #tpu.memory_space<semaphore_mem>>)
      %dma_wait3A = arith.constant 0 : i32
      %dma_wait3A_17 = tpu.memref_slice %arg5[%arg0, %mul3A_12, %dma_wait3A] : memref<2x10240x128xf32, #tpu.memory_space<hbm>> -> memref<1x640x128xf32, #tpu.memory_space<hbm>>
      %dma_wait3A_18 = tpu.memref_squeeze %dma_wait3A_17 : memref<1x640x128xf32, #tpu.memory_space<hbm>> -> memref<640x128xf32, #tpu.memory_space<hbm>>
      %dma_wait3A_19 = arith.constant 0 : i32
      %dma_wait3A_20 = tpu.memref_slice %arg6[%mul3A_10, %dma_wait3A_19] : memref<10248x128xf32, #tpu.memory_space<vmem_shared>> -> memref<640x128xf32, #tpu.memory_space<vmem_shared>>
      tpu.wait_dma2 semaphore(%run_scoped3A : memref<!tpu.dma_semaphore, #tpu.memory_space<semaphore_mem>>) src(%dma_wait3A_20 : memref<640x128xf32, #tpu.memory_space<vmem_shared>>) dst(%dma_wait3A_18 : memref<640x128xf32, #tpu.memory_space<hbm>>)
      tpu.yield
    }) : () -> ()
    return
  }
}

module attributes {stable_mosaic.version = 14 : i64} {
  func.func @body(%arg0: i32, %arg1: memref<2000x128xf32, #tpu.memory_space<vmem>>, %arg2: memref<128x128xf32, #tpu.memory_space<vmem>>, %arg3: memref<1x128xf32, #tpu.memory_space<vmem>>, %arg4: memref<2000x128xf32, #tpu.memory_space<vmem>>) attributes {dimension_semantics = [#tpu.dimension_semantics<arbitrary>], iteration_bounds = array<i64: 5>, scalar_prefetch = 0 : i64, scratch_operands = 0 : i64, tpu.core_type = #tpu.core_type<tc>, window_params = [{transform_indices = @transform_0, window_bounds = array<i64: 2000, 128>}, {pipeline_mode = #tpu.pipeline_mode<synchronous>, transform_indices = @transform_1, window_bounds = array<i64: 128, 128>}, {pipeline_mode = #tpu.pipeline_mode<synchronous>, transform_indices = @transform_2, window_bounds = array<i64: 1, 128>}, {transform_indices = @transform_3, window_bounds = array<i64: 2000, 128>}]} {
    %get3A = arith.constant 0 : index
    %get3A_0 = arith.constant 0 : index
    %get3A_1 = vector.load %arg1[%get3A, %get3A_0] : memref<2000x128xf32, #tpu.memory_space<vmem>>, vector<2000x128xf32>
    %get3A_2 = arith.constant 0 : index
    %get3A_3 = arith.constant 0 : index
    %get3A_4 = vector.load %arg2[%get3A_2, %get3A_3] : memref<128x128xf32, #tpu.memory_space<vmem>>, vector<128x128xf32>
    %dot_general3A = arith.constant dense<0.000000e+00> : vector<2000x128xf32>
    %dot_general3A_5 = tpu.matmul %get3A_1, %get3A_4, %dot_general3A {dimension_numbers = #tpu.dot_dimension_numbers<[1], [0], [0], [1], [0, 0, 1, 1], [], []>, transpose_lhs_hint = false} : vector<2000x128xf32>, vector<128x128xf32>, vector<2000x128xf32> -> vector<2000x128xf32>
    %get3A_6 = arith.constant 0 : index
    %get3A_7 = arith.constant 0 : index
    %get3A_8 = vector.load %arg3[%get3A_6, %get3A_7] : memref<1x128xf32, #tpu.memory_space<vmem>>, vector<1x128xf32>
    %add3A = vector.broadcast %get3A_8 : vector<1x128xf32> to vector<2000x128xf32>
    %add3A_9 = arith.addf %dot_general3A_5, %add3A : vector<2000x128xf32>
    %swap3A = arith.constant 0 : index
    %swap3A_10 = arith.constant 0 : index
    %swap3A_11 = vector.load %arg4[%swap3A, %swap3A_10] : memref<2000x128xf32, #tpu.memory_space<vmem>>, vector<2000x128xf32>
    tpu.vector_store %arg4[%swap3A, %swap3A_10], %add3A_9 {strides = array<i32>} : memref<2000x128xf32, #tpu.memory_space<vmem>>, vector<2000x128xf32>,
    return
  }
  func.func @transform_0(%arg0: i32) -> (i32, i32) {
    %c0_i32 = arith.constant 0 : i32
    %c0_i32_0 = arith.constant 0 : i32
    return %arg0, %c0_i32 : i32, i32
  }
  func.func @transform_1(%arg0: i32) -> (i32, i32) {
    %c0_i32 = arith.constant 0 : i32
    %c0_i32_0 = arith.constant 0 : i32
    %c0_i32_1 = arith.constant 0 : i32
    return %c0_i32, %c0_i32_0 : i32, i32
  }
  func.func @transform_2(%arg0: i32) -> (i32, i32) {
    %c0_i32 = arith.constant 0 : i32
    %c0_i32_0 = arith.constant 0 : i32
    %c0_i32_1 = arith.constant 0 : i32
    return %c0_i32, %c0_i32_0 : i32, i32
  }
  func.func @transform_3(%arg0: i32) -> (i32, i32) {
    %c0_i32 = arith.constant 0 : i32
    %c0_i32_0 = arith.constant 0 : i32
    return %arg0, %c0_i32 : i32, i32
  }
}

module attributes {stable_mosaic.version = 14 : i64} {
  func.func @body(%arg0: i32, %arg1: memref<2x2000x128xf32, #tpu.memory_space<vmem>>, %arg2: memref<128x128xf32, #tpu.memory_space<vmem>>, %arg3: memref<1x128xf32, #tpu.memory_space<vmem>>, %arg4: memref<2000x128xf32, #tpu.memory_space<vmem>>, %arg5: memref<2000x128xf32, #tpu.memory_space<vmem>>) attributes {dimension_semantics = [#tpu.dimension_semantics<arbitrary>], iteration_bounds = array<i64: 5>, scalar_prefetch = 0 : i64, scratch_operands = 0 : i64, tpu.core_type = #tpu.core_type<tc>, window_params = [{transform_indices = @transform_0, window_bounds = array<i64: 2, 2000, 128>}, {pipeline_mode = #tpu.pipeline_mode<synchronous>, transform_indices = @transform_1, window_bounds = array<i64: 128, 128>}, {pipeline_mode = #tpu.pipeline_mode<synchronous>, transform_indices = @transform_2, window_bounds = array<i64: 1, 128>}, {transform_indices = @transform_3, window_bounds = array<i64: 2000, 128>}, {transform_indices = @transform_4, window_bounds = array<i64: 2000, 128>}]} {
    %get3A = arith.constant 0 : index
    %get3A_0 = arith.constant 0 : index
    %get3A_1 = arith.constant 0 : index
    %get3A_2 = vector.load %arg1[%get3A, %get3A_0, %get3A_1] : memref<2x2000x128xf32, #tpu.memory_space<vmem>>, vector<1x2000x128xf32>
    %get3A_3 = vector.shape_cast %get3A_2 : vector<1x2000x128xf32> to vector<2000x128xf32>
    %get3A_4 = arith.constant 1 : index
    %get3A_5 = arith.constant 0 : index
    %get3A_6 = arith.constant 0 : index
    %get3A_7 = vector.load %arg1[%get3A_4, %get3A_5, %get3A_6] : memref<2x2000x128xf32, #tpu.memory_space<vmem>>, vector<1x2000x128xf32>
    %get3A_8 = vector.shape_cast %get3A_7 : vector<1x2000x128xf32> to vector<2000x128xf32>
    %add3A = arith.addf %get3A_3, %get3A_8 : vector<2000x128xf32>
    %max3A = arith.constant 0.000000e+00 : f32
    %max3A_9 = vector.broadcast %max3A : f32 to vector<2000x128xf32>
    %max3A_10 = arith.maximumf %add3A, %max3A_9 : vector<2000x128xf32>
    %swap3A = arith.constant 0 : index
    %swap3A_11 = arith.constant 0 : index
    %swap3A_12 = vector.load %arg4[%swap3A, %swap3A_11] : memref<2000x128xf32, #tpu.memory_space<vmem>>, vector<2000x128xf32>
    tpu.vector_store %arg4[%swap3A, %swap3A_11], %max3A_10 {strides = array<i32>} : memref<2000x128xf32, #tpu.memory_space<vmem>>, vector<2000x128xf32>,
    %get3A_13 = arith.constant 0 : index
    %get3A_14 = arith.constant 0 : index
    %get3A_15 = vector.load %arg2[%get3A_13, %get3A_14] : memref<128x128xf32, #tpu.memory_space<vmem>>, vector<128x128xf32>
    %dot_general3A = arith.constant dense<0.000000e+00> : vector<2000x128xf32>
    %dot_general3A_16 = tpu.matmul %max3A_10, %get3A_15, %dot_general3A {dimension_numbers = #tpu.dot_dimension_numbers<[1], [0], [0], [1], [0, 0, 1, 1], [], []>, transpose_lhs_hint = false} : vector<2000x128xf32>, vector<128x128xf32>, vector<2000x128xf32> -> vector<2000x128xf32>
    %get3A_17 = arith.constant 0 : index
    %get3A_18 = arith.constant 0 : index
    %get3A_19 = vector.load %arg3[%get3A_17, %get3A_18] : memref<1x128xf32, #tpu.memory_space<vmem>>, vector<1x128xf32>
    %add3A_20 = vector.broadcast %get3A_19 : vector<1x128xf32> to vector<2000x128xf32>
    %add3A_21 = arith.addf %dot_general3A_16, %add3A_20 : vector<2000x128xf32>
    %swap3A_22 = arith.constant 0 : index
    %swap3A_23 = arith.constant 0 : index
    %swap3A_24 = vector.load %arg5[%swap3A_22, %swap3A_23] : memref<2000x128xf32, #tpu.memory_space<vmem>>, vector<2000x128xf32>
    tpu.vector_store %arg5[%swap3A_22, %swap3A_23], %add3A_21 {strides = array<i32>} : memref<2000x128xf32, #tpu.memory_space<vmem>>, vector<2000x128xf32>,
    return
  }
  func.func @transform_0(%arg0: i32) -> (i32, i32, i32) {
    %c0_i32 = arith.constant 0 : i32
    %c0_i32_0 = arith.constant 0 : i32
    %c0_i32_1 = arith.constant 0 : i32
    return %c0_i32, %arg0, %c0_i32_0 : i32, i32, i32
  }
  func.func @transform_1(%arg0: i32) -> (i32, i32) {
    %c0_i32 = arith.constant 0 : i32
    %c0_i32_0 = arith.constant 0 : i32
    %c0_i32_1 = arith.constant 0 : i32
    return %c0_i32, %c0_i32_0 : i32, i32
  }
  func.func @transform_2(%arg0: i32) -> (i32, i32) {
    %c0_i32 = arith.constant 0 : i32
    %c0_i32_0 = arith.constant 0 : i32
    %c0_i32_1 = arith.constant 0 : i32
    return %c0_i32, %c0_i32_0 : i32, i32
  }
  func.func @transform_3(%arg0: i32) -> (i32, i32) {
    %c0_i32 = arith.constant 0 : i32
    %c0_i32_0 = arith.constant 0 : i32
    return %arg0, %c0_i32 : i32, i32
  }
  func.func @transform_4(%arg0: i32) -> (i32, i32) {
    %c0_i32 = arith.constant 0 : i32
    %c0_i32_0 = arith.constant 0 : i32
    return %arg0, %c0_i32 : i32, i32
  }
}

module attributes {stable_mosaic.version = 14 : i64} {
  func.func @body(%arg0: i32, %arg1: memref<2x2000x128xf32, #tpu.memory_space<vmem>>, %arg2: memref<1x128xf32, #tpu.memory_space<vmem>>, %arg3: memref<1x128xf32, #tpu.memory_space<vmem>>, %arg4: memref<128x128xf32, #tpu.memory_space<vmem>>, %arg5: memref<128x128xf32, #tpu.memory_space<vmem>>, %arg6: memref<1x128xf32, #tpu.memory_space<vmem>>, %arg7: memref<2000x128xf32, #tpu.memory_space<vmem>>) attributes {dimension_semantics = [#tpu.dimension_semantics<arbitrary>], iteration_bounds = array<i64: 5>, scalar_prefetch = 0 : i64, scratch_operands = 0 : i64, tpu.core_type = #tpu.core_type<tc>, window_params = [{transform_indices = @transform_0, window_bounds = array<i64: 2, 2000, 128>}, {pipeline_mode = #tpu.pipeline_mode<synchronous>, transform_indices = @transform_1, window_bounds = array<i64: 1, 128>}, {pipeline_mode = #tpu.pipeline_mode<synchronous>, transform_indices = @transform_2, window_bounds = array<i64: 1, 128>}, {pipeline_mode = #tpu.pipeline_mode<synchronous>, transform_indices = @transform_3, window_bounds = array<i64: 128, 128>}, {pipeline_mode = #tpu.pipeline_mode<synchronous>, transform_indices = @transform_4, window_bounds = array<i64: 128, 128>}, {pipeline_mode = #tpu.pipeline_mode<synchronous>, transform_indices = @transform_5, window_bounds = array<i64: 1, 128>}, {transform_indices = @transform_6, window_bounds = array<i64: 2000, 128>}]} {
    %get3A = arith.constant 0 : index
    %get3A_0 = arith.constant 0 : index
    %get3A_1 = arith.constant 0 : index
    %get3A_2 = vector.load %arg1[%get3A, %get3A_0, %get3A_1] : memref<2x2000x128xf32, #tpu.memory_space<vmem>>, vector<1x2000x128xf32>
    %get3A_3 = vector.shape_cast %get3A_2 : vector<1x2000x128xf32> to vector<2000x128xf32>
    %get3A_4 = arith.constant 1 : index
    %get3A_5 = arith.constant 0 : index
    %get3A_6 = arith.constant 0 : index
    %get3A_7 = vector.load %arg1[%get3A_4, %get3A_5, %get3A_6] : memref<2x2000x128xf32, #tpu.memory_space<vmem>>, vector<1x2000x128xf32>
    %get3A_8 = vector.shape_cast %get3A_7 : vector<1x2000x128xf32> to vector<2000x128xf32>
    %add3A = arith.addf %get3A_3, %get3A_8 : vector<2000x128xf32>
    %max3A = arith.constant 0.000000e+00 : f32
    %max3A_9 = vector.broadcast %max3A : f32 to vector<2000x128xf32>
    %max3A_10 = arith.maximumf %add3A, %max3A_9 : vector<2000x128xf32>
    %reduce_sum3A = arith.constant dense<0.000000e+00> : vector<2000xf32>
    %reduce_sum3A_11 = vector.multi_reduction <add>, %max3A_10, %reduce_sum3A [1] : vector<2000x128xf32> to vector<2000xf32>
    %broadcast_in_dim3A = vector.shape_cast %reduce_sum3A_11 : vector<2000xf32> to vector<2000x1xf32>
    %div3A = arith.constant 1.280000e+02 : f32
    %div3A_12 = vector.broadcast %div3A : f32 to vector<2000x1xf32>
    %div3A_13 = arith.divf %broadcast_in_dim3A, %div3A_12 : vector<2000x1xf32>
    %sub3A = vector.broadcast %div3A_13 : vector<2000x1xf32> to vector<2000x128xf32>
    %sub3A_14 = arith.subf %max3A_10, %sub3A : vector<2000x128xf32>
    %integer_pow3A = arith.mulf %sub3A_14, %sub3A_14 : vector<2000x128xf32>
    %reduce_sum3A_15 = arith.constant dense<0.000000e+00> : vector<2000xf32>
    %reduce_sum3A_16 = vector.multi_reduction <add>, %integer_pow3A, %reduce_sum3A_15 [1] : vector<2000x128xf32> to vector<2000xf32>
    %broadcast_in_dim3A_17 = vector.shape_cast %reduce_sum3A_16 : vector<2000xf32> to vector<2000x1xf32>
    %div3A_18 = arith.constant 1.280000e+02 : f32
    %div3A_19 = vector.broadcast %div3A_18 : f32 to vector<2000x1xf32>
    %div3A_20 = arith.divf %broadcast_in_dim3A_17, %div3A_19 : vector<2000x1xf32>
    %sub3A_21 = vector.broadcast %div3A_13 : vector<2000x1xf32> to vector<2000x128xf32>
    %sub3A_22 = arith.subf %max3A_10, %sub3A_21 : vector<2000x128xf32>
    %add3A_23 = arith.constant 9.99999974E-6 : f32
    %add3A_24 = vector.broadcast %add3A_23 : f32 to vector<2000x1xf32>
    %add3A_25 = arith.addf %div3A_20, %add3A_24 : vector<2000x1xf32>
    %rsqrt3A = math.rsqrt %add3A_25 : vector<2000x1xf32>
    %mul3A = vector.broadcast %rsqrt3A : vector<2000x1xf32> to vector<2000x128xf32>
    %mul3A_26 = arith.mulf %sub3A_22, %mul3A : vector<2000x128xf32>
    %get3A_27 = arith.constant 0 : index
    %get3A_28 = arith.constant 0 : index
    %get3A_29 = vector.load %arg2[%get3A_27, %get3A_28] : memref<1x128xf32, #tpu.memory_space<vmem>>, vector<1x128xf32>
    %mul3A_30 = vector.broadcast %get3A_29 : vector<1x128xf32> to vector<2000x128xf32>
    %mul3A_31 = arith.mulf %mul3A_26, %mul3A_30 : vector<2000x128xf32>
    %get3A_32 = arith.constant 0 : index
    %get3A_33 = arith.constant 0 : index
    %get3A_34 = vector.load %arg3[%get3A_32, %get3A_33] : memref<1x128xf32, #tpu.memory_space<vmem>>, vector<1x128xf32>
    %add3A_35 = vector.broadcast %get3A_34 : vector<1x128xf32> to vector<2000x128xf32>
    %add3A_36 = arith.addf %mul3A_31, %add3A_35 : vector<2000x128xf32>
    %roll3A = arith.constant 1999 : i32
    %roll3A_37 = tpu.dynamic_rotate %add3A_36 by %roll3A dim 0 : vector<2000x128xf32>, i32 -> vector<2000x128xf32>
    %roll3A_38 = arith.constant 1 : i32
    %roll3A_39 = tpu.dynamic_rotate %add3A_36 by %roll3A_38 dim 0 : vector<2000x128xf32>, i32 -> vector<2000x128xf32>
    %iota3A = tpu.iota {dimensions = array<i32: 0>} : vector<2000x128xi32>
    %jit3A = arith.constant 2 : i32
    %eq3A = arith.constant 0 : i32
    %eq3A_40 = arith.cmpi eq, %jit3A, %eq3A : i32
    %jit3A_41 = arith.constant 1 : i32
    %select_n3A = arith.select %eq3A_40, %jit3A_41, %jit3A : i32
    %rem3A = vector.broadcast %select_n3A : i32 to vector<2000x128xi32>
    %rem3A_42 = arith.remsi %iota3A, %rem3A : vector<2000x128xi32>
    %ne3A = arith.constant 0 : i32
    %ne3A_43 = vector.broadcast %ne3A : i32 to vector<2000x128xi32>
    %ne3A_44 = arith.cmpi ne, %rem3A_42, %ne3A_43 : vector<2000x128xi32>
    %lt3A = arith.constant 0 : i32
    %lt3A_45 = vector.broadcast %lt3A : i32 to vector<2000x128xi32>
    %lt3A_46 = arith.cmpi slt, %rem3A_42, %lt3A_45 : vector<2000x128xi32>
    %lt3A_47 = arith.constant 0 : i32
    %lt3A_48 = arith.cmpi slt, %select_n3A, %lt3A_47 : i32
    %ne3A_49 = vector.broadcast %lt3A_48 : i1 to vector<2000x128xi1>
    %ne3A_50 = vector.broadcast %ne3A_49 : vector<2000x128xi1> to vector<2000x128xi1>
    %ne3A_51 = arith.xori %lt3A_46, %ne3A_50 : vector<2000x128xi1>
    %and3A = arith.andi %ne3A_51, %ne3A_44 : vector<2000x128xi1>
    %add3A_52 = vector.broadcast %select_n3A : i32 to vector<2000x128xi32>
    %add3A_53 = arith.addi %rem3A_42, %add3A_52 : vector<2000x128xi32>
    %select_n3A_54 = arith.select %and3A, %add3A_53, %rem3A_42 : vector<2000x128xi1>, vector<2000x128xi32>
    %eq3A_55 = arith.constant 0 : i32
    %eq3A_56 = vector.broadcast %eq3A_55 : i32 to vector<2000x128xi32>
    %eq3A_57 = arith.cmpi eq, %select_n3A_54, %eq3A_56 : vector<2000x128xi32>
    %select_n3A_58 = arith.select %eq3A_57, %roll3A_37, %roll3A_39 : vector<2000x128xi1>, vector<2000x128xf32>
    %get3A_59 = arith.constant 0 : index
    %get3A_60 = arith.constant 0 : index
    %get3A_61 = vector.load %arg4[%get3A_59, %get3A_60] : memref<128x128xf32, #tpu.memory_space<vmem>>, vector<128x128xf32>
    %dot_general3A = arith.constant dense<0.000000e+00> : vector<2000x128xf32>
    %dot_general3A_62 = tpu.matmul %add3A_36, %get3A_61, %dot_general3A {dimension_numbers = #tpu.dot_dimension_numbers<[1], [0], [0], [1], [0, 0, 1, 1], [], []>, transpose_lhs_hint = false} : vector<2000x128xf32>, vector<128x128xf32>, vector<2000x128xf32> -> vector<2000x128xf32>
    %get3A_63 = arith.constant 0 : index
    %get3A_64 = arith.constant 0 : index
    %get3A_65 = vector.load %arg5[%get3A_63, %get3A_64] : memref<128x128xf32, #tpu.memory_space<vmem>>, vector<128x128xf32>
    %dot_general3A_66 = arith.constant dense<0.000000e+00> : vector<2000x128xf32>
    %dot_general3A_67 = tpu.matmul %select_n3A_58, %get3A_65, %dot_general3A_66 {dimension_numbers = #tpu.dot_dimension_numbers<[1], [0], [0], [1], [0, 0, 1, 1], [], []>, transpose_lhs_hint = false} : vector<2000x128xf32>, vector<128x128xf32>, vector<2000x128xf32> -> vector<2000x128xf32>
    %add3A_68 = arith.addf %dot_general3A_62, %dot_general3A_67 : vector<2000x128xf32>
    %get3A_69 = arith.constant 0 : index
    %get3A_70 = arith.constant 0 : index
    %get3A_71 = vector.load %arg6[%get3A_69, %get3A_70] : memref<1x128xf32, #tpu.memory_space<vmem>>, vector<1x128xf32>
    %add3A_72 = vector.broadcast %get3A_71 : vector<1x128xf32> to vector<2000x128xf32>
    %add3A_73 = arith.addf %add3A_68, %add3A_72 : vector<2000x128xf32>
    %swap3A = arith.constant 0 : index
    %swap3A_74 = arith.constant 0 : index
    %swap3A_75 = vector.load %arg7[%swap3A, %swap3A_74] : memref<2000x128xf32, #tpu.memory_space<vmem>>, vector<2000x128xf32>
    tpu.vector_store %arg7[%swap3A, %swap3A_74], %add3A_73 {strides = array<i32>} : memref<2000x128xf32, #tpu.memory_space<vmem>>, vector<2000x128xf32>,
    return
  }
  func.func @transform_0(%arg0: i32) -> (i32, i32, i32) {
    %c0_i32 = arith.constant 0 : i32
    %c0_i32_0 = arith.constant 0 : i32
    %c0_i32_1 = arith.constant 0 : i32
    return %c0_i32, %arg0, %c0_i32_0 : i32, i32, i32
  }
  func.func @transform_1(%arg0: i32) -> (i32, i32) {
    %c0_i32 = arith.constant 0 : i32
    %c0_i32_0 = arith.constant 0 : i32
    %c0_i32_1 = arith.constant 0 : i32
    return %c0_i32, %c0_i32_0 : i32, i32
  }
  func.func @transform_2(%arg0: i32) -> (i32, i32) {
    %c0_i32 = arith.constant 0 : i32
    %c0_i32_0 = arith.constant 0 : i32
    %c0_i32_1 = arith.constant 0 : i32
    return %c0_i32, %c0_i32_0 : i32, i32
  }
  func.func @transform_3(%arg0: i32) -> (i32, i32) {
    %c0_i32 = arith.constant 0 : i32
    %c0_i32_0 = arith.constant 0 : i32
    %c0_i32_1 = arith.constant 0 : i32
    return %c0_i32, %c0_i32_0 : i32, i32
  }
  func.func @transform_4(%arg0: i32) -> (i32, i32) {
    %c0_i32 = arith.constant 0 : i32
    %c0_i32_0 = arith.constant 0 : i32
    %c0_i32_1 = arith.constant 0 : i32
    return %c0_i32, %c0_i32_0 : i32, i32
  }
  func.func @transform_5(%arg0: i32) -> (i32, i32) {
    %c0_i32 = arith.constant 0 : i32
    %c0_i32_0 = arith.constant 0 : i32
    %c0_i32_1 = arith.constant 0 : i32
    return %c0_i32, %c0_i32_0 : i32, i32
  }
  func.func @transform_6(%arg0: i32) -> (i32, i32) {
    %c0_i32 = arith.constant 0 : i32
    %c0_i32_0 = arith.constant 0 : i32
    return %arg0, %c0_i32 : i32, i32
  }
}

module attributes {stable_mosaic.version = 14 : i64} {
  func.func @body(%arg0: i32, %arg1: memref<2x2000x128xf32, #tpu.memory_space<vmem>>, %arg2: memref<128x128xf32, #tpu.memory_space<vmem>>, %arg3: memref<1x128xf32, #tpu.memory_space<vmem>>, %arg4: memref<2000x128xf32, #tpu.memory_space<vmem>>, %arg5: memref<2000x128xf32, #tpu.memory_space<vmem>>) attributes {dimension_semantics = [#tpu.dimension_semantics<arbitrary>], iteration_bounds = array<i64: 5>, scalar_prefetch = 0 : i64, scratch_operands = 0 : i64, tpu.core_type = #tpu.core_type<tc>, window_params = [{transform_indices = @transform_0, window_bounds = array<i64: 2, 2000, 128>}, {pipeline_mode = #tpu.pipeline_mode<synchronous>, transform_indices = @transform_1, window_bounds = array<i64: 128, 128>}, {pipeline_mode = #tpu.pipeline_mode<synchronous>, transform_indices = @transform_2, window_bounds = array<i64: 1, 128>}, {transform_indices = @transform_3, window_bounds = array<i64: 2000, 128>}, {transform_indices = @transform_4, window_bounds = array<i64: 2000, 128>}]} {
    %get3A = arith.constant 0 : index
    %get3A_0 = arith.constant 0 : index
    %get3A_1 = arith.constant 0 : index
    %get3A_2 = vector.load %arg1[%get3A, %get3A_0, %get3A_1] : memref<2x2000x128xf32, #tpu.memory_space<vmem>>, vector<1x2000x128xf32>
    %get3A_3 = vector.shape_cast %get3A_2 : vector<1x2000x128xf32> to vector<2000x128xf32>
    %get3A_4 = arith.constant 1 : index
    %get3A_5 = arith.constant 0 : index
    %get3A_6 = arith.constant 0 : index
    %get3A_7 = vector.load %arg1[%get3A_4, %get3A_5, %get3A_6] : memref<2x2000x128xf32, #tpu.memory_space<vmem>>, vector<1x2000x128xf32>
    %get3A_8 = vector.shape_cast %get3A_7 : vector<1x2000x128xf32> to vector<2000x128xf32>
    %add3A = arith.addf %get3A_3, %get3A_8 : vector<2000x128xf32>
    %max3A = arith.constant 0.000000e+00 : f32
    %max3A_9 = vector.broadcast %max3A : f32 to vector<2000x128xf32>
    %max3A_10 = arith.maximumf %add3A, %max3A_9 : vector<2000x128xf32>
    %swap3A = arith.constant 0 : index
    %swap3A_11 = arith.constant 0 : index
    %swap3A_12 = vector.load %arg4[%swap3A, %swap3A_11] : memref<2000x128xf32, #tpu.memory_space<vmem>>, vector<2000x128xf32>
    tpu.vector_store %arg4[%swap3A, %swap3A_11], %max3A_10 {strides = array<i32>} : memref<2000x128xf32, #tpu.memory_space<vmem>>, vector<2000x128xf32>,
    %get3A_13 = arith.constant 0 : index
    %get3A_14 = arith.constant 0 : index
    %get3A_15 = vector.load %arg2[%get3A_13, %get3A_14] : memref<128x128xf32, #tpu.memory_space<vmem>>, vector<128x128xf32>
    %dot_general3A = arith.constant dense<0.000000e+00> : vector<2000x128xf32>
    %dot_general3A_16 = tpu.matmul %max3A_10, %get3A_15, %dot_general3A {dimension_numbers = #tpu.dot_dimension_numbers<[1], [0], [0], [1], [0, 0, 1, 1], [], []>, transpose_lhs_hint = false} : vector<2000x128xf32>, vector<128x128xf32>, vector<2000x128xf32> -> vector<2000x128xf32>
    %get3A_17 = arith.constant 0 : index
    %get3A_18 = arith.constant 0 : index
    %get3A_19 = vector.load %arg3[%get3A_17, %get3A_18] : memref<1x128xf32, #tpu.memory_space<vmem>>, vector<1x128xf32>
    %add3A_20 = vector.broadcast %get3A_19 : vector<1x128xf32> to vector<2000x128xf32>
    %add3A_21 = arith.addf %dot_general3A_16, %add3A_20 : vector<2000x128xf32>
    %swap3A_22 = arith.constant 0 : index
    %swap3A_23 = arith.constant 0 : index
    %swap3A_24 = vector.load %arg5[%swap3A_22, %swap3A_23] : memref<2000x128xf32, #tpu.memory_space<vmem>>, vector<2000x128xf32>
    tpu.vector_store %arg5[%swap3A_22, %swap3A_23], %add3A_21 {strides = array<i32>} : memref<2000x128xf32, #tpu.memory_space<vmem>>, vector<2000x128xf32>,
    return
  }
  func.func @transform_0(%arg0: i32) -> (i32, i32, i32) {
    %c0_i32 = arith.constant 0 : i32
    %c0_i32_0 = arith.constant 0 : i32
    %c0_i32_1 = arith.constant 0 : i32
    return %c0_i32, %arg0, %c0_i32_0 : i32, i32, i32
  }
  func.func @transform_1(%arg0: i32) -> (i32, i32) {
    %c0_i32 = arith.constant 0 : i32
    %c0_i32_0 = arith.constant 0 : i32
    %c0_i32_1 = arith.constant 0 : i32
    return %c0_i32, %c0_i32_0 : i32, i32
  }
  func.func @transform_2(%arg0: i32) -> (i32, i32) {
    %c0_i32 = arith.constant 0 : i32
    %c0_i32_0 = arith.constant 0 : i32
    %c0_i32_1 = arith.constant 0 : i32
    return %c0_i32, %c0_i32_0 : i32, i32
  }
  func.func @transform_3(%arg0: i32) -> (i32, i32) {
    %c0_i32 = arith.constant 0 : i32
    %c0_i32_0 = arith.constant 0 : i32
    return %arg0, %c0_i32 : i32, i32
  }
  func.func @transform_4(%arg0: i32) -> (i32, i32) {
    %c0_i32 = arith.constant 0 : i32
    %c0_i32_0 = arith.constant 0 : i32
    return %arg0, %c0_i32 : i32, i32
  }
}

module attributes {stable_mosaic.version = 14 : i64} {
  func.func @body(%arg0: i32, %arg1: memref<2x2000x128xf32, #tpu.memory_space<vmem>>, %arg2: memref<1x128xf32, #tpu.memory_space<vmem>>, %arg3: memref<1x128xf32, #tpu.memory_space<vmem>>, %arg4: memref<2000x256xf32, #tpu.memory_space<vmem>>) attributes {dimension_semantics = [#tpu.dimension_semantics<arbitrary>], iteration_bounds = array<i64: 5>, scalar_prefetch = 0 : i64, scratch_operands = 0 : i64, tpu.core_type = #tpu.core_type<tc>, window_params = [{transform_indices = @transform_0, window_bounds = array<i64: 2, 2000, 128>}, {pipeline_mode = #tpu.pipeline_mode<synchronous>, transform_indices = @transform_1, window_bounds = array<i64: 1, 128>}, {pipeline_mode = #tpu.pipeline_mode<synchronous>, transform_indices = @transform_2, window_bounds = array<i64: 1, 128>}, {transform_indices = @transform_3, window_bounds = array<i64: 2000, 256>}]} {
    %get3A = arith.constant 0 : index
    %get3A_0 = arith.constant 0 : index
    %get3A_1 = arith.constant 0 : index
    %get3A_2 = vector.load %arg1[%get3A, %get3A_0, %get3A_1] : memref<2x2000x128xf32, #tpu.memory_space<vmem>>, vector<1x2000x128xf32>
    %get3A_3 = vector.shape_cast %get3A_2 : vector<1x2000x128xf32> to vector<2000x128xf32>
    %get3A_4 = arith.constant 1 : index
    %get3A_5 = arith.constant 0 : index
    %get3A_6 = arith.constant 0 : index
    %get3A_7 = vector.load %arg1[%get3A_4, %get3A_5, %get3A_6] : memref<2x2000x128xf32, #tpu.memory_space<vmem>>, vector<1x2000x128xf32>
    %get3A_8 = vector.shape_cast %get3A_7 : vector<1x2000x128xf32> to vector<2000x128xf32>
    %add3A = arith.addf %get3A_3, %get3A_8 : vector<2000x128xf32>
    %max3A = arith.constant 0.000000e+00 : f32
    %max3A_9 = vector.broadcast %max3A : f32 to vector<2000x128xf32>
    %max3A_10 = arith.maximumf %add3A, %max3A_9 : vector<2000x128xf32>
    %reduce_sum3A = arith.constant dense<0.000000e+00> : vector<2000xf32>
    %reduce_sum3A_11 = vector.multi_reduction <add>, %max3A_10, %reduce_sum3A [1] : vector<2000x128xf32> to vector<2000xf32>
    %broadcast_in_dim3A = vector.shape_cast %reduce_sum3A_11 : vector<2000xf32> to vector<2000x1xf32>
    %div3A = arith.constant 1.280000e+02 : f32
    %div3A_12 = vector.broadcast %div3A : f32 to vector<2000x1xf32>
    %div3A_13 = arith.divf %broadcast_in_dim3A, %div3A_12 : vector<2000x1xf32>
    %sub3A = vector.broadcast %div3A_13 : vector<2000x1xf32> to vector<2000x128xf32>
    %sub3A_14 = arith.subf %max3A_10, %sub3A : vector<2000x128xf32>
    %integer_pow3A = arith.mulf %sub3A_14, %sub3A_14 : vector<2000x128xf32>
    %reduce_sum3A_15 = arith.constant dense<0.000000e+00> : vector<2000xf32>
    %reduce_sum3A_16 = vector.multi_reduction <add>, %integer_pow3A, %reduce_sum3A_15 [1] : vector<2000x128xf32> to vector<2000xf32>
    %broadcast_in_dim3A_17 = vector.shape_cast %reduce_sum3A_16 : vector<2000xf32> to vector<2000x1xf32>
    %div3A_18 = arith.constant 1.280000e+02 : f32
    %div3A_19 = vector.broadcast %div3A_18 : f32 to vector<2000x1xf32>
    %div3A_20 = arith.divf %broadcast_in_dim3A_17, %div3A_19 : vector<2000x1xf32>
    %sub3A_21 = vector.broadcast %div3A_13 : vector<2000x1xf32> to vector<2000x128xf32>
    %sub3A_22 = arith.subf %max3A_10, %sub3A_21 : vector<2000x128xf32>
    %add3A_23 = arith.constant 9.99999974E-6 : f32
    %add3A_24 = vector.broadcast %add3A_23 : f32 to vector<2000x1xf32>
    %add3A_25 = arith.addf %div3A_20, %add3A_24 : vector<2000x1xf32>
    %rsqrt3A = math.rsqrt %add3A_25 : vector<2000x1xf32>
    %mul3A = vector.broadcast %rsqrt3A : vector<2000x1xf32> to vector<2000x128xf32>
    %mul3A_26 = arith.mulf %sub3A_22, %mul3A : vector<2000x128xf32>
    %get3A_27 = arith.constant 0 : index
    %get3A_28 = arith.constant 0 : index
    %get3A_29 = vector.load %arg2[%get3A_27, %get3A_28] : memref<1x128xf32, #tpu.memory_space<vmem>>, vector<1x128xf32>
    %mul3A_30 = vector.broadcast %get3A_29 : vector<1x128xf32> to vector<2000x128xf32>
    %mul3A_31 = arith.mulf %mul3A_26, %mul3A_30 : vector<2000x128xf32>
    %get3A_32 = arith.constant 0 : index
    %get3A_33 = arith.constant 0 : index
    %get3A_34 = vector.load %arg3[%get3A_32, %get3A_33] : memref<1x128xf32, #tpu.memory_space<vmem>>, vector<1x128xf32>
    %add3A_35 = vector.broadcast %get3A_34 : vector<1x128xf32> to vector<2000x128xf32>
    %add3A_36 = arith.addf %mul3A_31, %add3A_35 : vector<2000x128xf32>
    %roll3A = arith.constant 1999 : i32
    %roll3A_37 = tpu.dynamic_rotate %add3A_36 by %roll3A dim 0 : vector<2000x128xf32>, i32 -> vector<2000x128xf32>
    %roll3A_38 = arith.constant 1 : i32
    %roll3A_39 = tpu.dynamic_rotate %add3A_36 by %roll3A_38 dim 0 : vector<2000x128xf32>, i32 -> vector<2000x128xf32>
    %iota3A = tpu.iota {dimensions = array<i32: 0>} : vector<2000x128xi32>
    %jit3A = arith.constant 2 : i32
    %eq3A = arith.constant 0 : i32
    %eq3A_40 = arith.cmpi eq, %jit3A, %eq3A : i32
    %jit3A_41 = arith.constant 1 : i32
    %select_n3A = arith.select %eq3A_40, %jit3A_41, %jit3A : i32
    %rem3A = vector.broadcast %select_n3A : i32 to vector<2000x128xi32>
    %rem3A_42 = arith.remsi %iota3A, %rem3A : vector<2000x128xi32>
    %ne3A = arith.constant 0 : i32
    %ne3A_43 = vector.broadcast %ne3A : i32 to vector<2000x128xi32>
    %ne3A_44 = arith.cmpi ne, %rem3A_42, %ne3A_43 : vector<2000x128xi32>
    %lt3A = arith.constant 0 : i32
    %lt3A_45 = vector.broadcast %lt3A : i32 to vector<2000x128xi32>
    %lt3A_46 = arith.cmpi slt, %rem3A_42, %lt3A_45 : vector<2000x128xi32>
    %lt3A_47 = arith.constant 0 : i32
    %lt3A_48 = arith.cmpi slt, %select_n3A, %lt3A_47 : i32
    %ne3A_49 = vector.broadcast %lt3A_48 : i1 to vector<2000x128xi1>
    %ne3A_50 = vector.broadcast %ne3A_49 : vector<2000x128xi1> to vector<2000x128xi1>
    %ne3A_51 = arith.xori %lt3A_46, %ne3A_50 : vector<2000x128xi1>
    %and3A = arith.andi %ne3A_51, %ne3A_44 : vector<2000x128xi1>
    %add3A_52 = vector.broadcast %select_n3A : i32 to vector<2000x128xi32>
    %add3A_53 = arith.addi %rem3A_42, %add3A_52 : vector<2000x128xi32>
    %select_n3A_54 = arith.select %and3A, %add3A_53, %rem3A_42 : vector<2000x128xi1>, vector<2000x128xi32>
    %eq3A_55 = arith.constant 0 : i32
    %eq3A_56 = vector.broadcast %eq3A_55 : i32 to vector<2000x128xi32>
    %eq3A_57 = arith.cmpi eq, %select_n3A_54, %eq3A_56 : vector<2000x128xi32>
    %select_n3A_58 = arith.select %eq3A_57, %roll3A_37, %roll3A_39 : vector<2000x128xi1>, vector<2000x128xf32>
    %swap3A = arith.constant 0 : index
    %swap3A_59 = arith.constant 0 : index
    %swap3A_60 = vector.load %arg4[%swap3A, %swap3A_59] : memref<2000x256xf32, #tpu.memory_space<vmem>>, vector<2000x128xf32>
    tpu.vector_store %arg4[%swap3A, %swap3A_59], %add3A_36 {strides = array<i32>} : memref<2000x256xf32, #tpu.memory_space<vmem>>, vector<2000x128xf32>,
    %swap3A_61 = arith.constant 0 : index
    %swap3A_62 = arith.constant 128 : index
    %swap3A_63 = vector.load %arg4[%swap3A_61, %swap3A_62] : memref<2000x256xf32, #tpu.memory_space<vmem>>, vector<2000x128xf32>
    tpu.vector_store %arg4[%swap3A_61, %swap3A_62], %select_n3A_58 {strides = array<i32>} : memref<2000x256xf32, #tpu.memory_space<vmem>>, vector<2000x128xf32>,
    return
  }
  func.func @transform_0(%arg0: i32) -> (i32, i32, i32) {
    %c0_i32 = arith.constant 0 : i32
    %c0_i32_0 = arith.constant 0 : i32
    %c0_i32_1 = arith.constant 0 : i32
    return %c0_i32, %arg0, %c0_i32_0 : i32, i32, i32
  }
  func.func @transform_1(%arg0: i32) -> (i32, i32) {
    %c0_i32 = arith.constant 0 : i32
    %c0_i32_0 = arith.constant 0 : i32
    %c0_i32_1 = arith.constant 0 : i32
    return %c0_i32, %c0_i32_0 : i32, i32
  }
  func.func @transform_2(%arg0: i32) -> (i32, i32) {
    %c0_i32 = arith.constant 0 : i32
    %c0_i32_0 = arith.constant 0 : i32
    %c0_i32_1 = arith.constant 0 : i32
    return %c0_i32, %c0_i32_0 : i32, i32
  }
  func.func @transform_3(%arg0: i32) -> (i32, i32) {
    %c0_i32 = arith.constant 0 : i32
    %c0_i32_0 = arith.constant 0 : i32
    return %arg0, %c0_i32 : i32, i32
  }
}

</mosaic_0001>

<sc_bundles>
// kernel: kernel.15.cloned.1.call-start
scs
__scs_entry_jumppad:
0x0: {  	(pc) =	sbr.rel $0x88, $3  }
0x1: {  	(tag) =	ssettag $0x0;
	lr =	simm.s32 $0x1  }
0x2: {  	[smem:$0x3F8D] =	sst lr;
	_ =	strace $0xD0000000  }
0x3: {  	_ = 	snop  }
0x4: {  	_ = 	snop  }
0x5: {  	_ = 	snop  }
0x6: {  	_ = 	snop  }
0x7: {  	_ = 	snop  }
__scs_overlays_trampoline_lowered:
0x8: {  	[smem:$0x3F9C] =	sst s0  }
0x9: {  	[smem:$0x3F9D] =	sst s1  }
0xa: {  	[smem:$0x3F9E] =	sst s2  }
0xb: {  	[smem:$0x3F9F] =	sst s3  }
0xc: {  	[smem:$0x3FA0] =	sst s4  }
0xd: {  	[smem:$0x3FA1] =	sst s5  }
0xe: {  	[smem:$0x3FA2] =	sst s6  }
0xf: {  	[smem:$0x3FA3] =	sst s7  }
0x10: {  	[smem:$0x3FA4] =	sst s8  }
0x11: {  	[smem:$0x3FA5] =	sst s9;
	s0 =	simm.s32 @!p0 $0x0  }
0x12: {  	s1 =	sld [smem:$0x3F8B];
	s0 =	simm.s32 @p0 $0x1  }
0x13: {  	[smem:$0x3FA6] =	sst s0;
	s0 =	simm.s32 @!p1 $0x0  }
0x14: {  	s2 =	sld [smem:$0x3F8A];
	s0 =	simm.s32 @p1 $0x1  }
0x15: {  	[smem:$0x3FA7] =	sst s0;
	s0 =	simm.s32 @!p2 $0x0  }
0x16: {  	s3 =	sld [smem:$0x3FDB];
	s0 =	simm.s32 @p2 $0x1  }
0x17: {  	s4 =	simm.s32 $0x1BF5;
	[smem:$0x3FA9] =	sst s0  }
0x18: {  	s0 =	sld [smem:$0x3F8C];
	_ =	swait.ge [sflag:s4], $0x0  }
0x19: {  	s7 =	sld [smem:$0x3F8D]  }
0x1a: {  	s8 =	sadd.s32 $0xFFFFE003, lr  }
0x1b: {  	s9 =	sadd.s32 $0xFFFFFEF7, lr;
	s5 =	simm.s32 $0xFFFFFFFF;
	p2 =	slt.u32 s8, $0xFFFFF086  }
0x1c: {  	p1 =	slt.u32 s9, $0xF7A;
	s5 =	simm.s32 @!p2 $0x0  }
0x1d: {  	s5 =	simm.s32 @p1 $0x1;
	p0 =	seq.s32 s7, s2  }
0x1e: {  	s7 =	smul.u32 @!p0 $0xF7A, s2;
	p2 =	seq.s32 @!p0 s5, $0x0  }
0x1f: {  	s9 =	smul.u32 $0xF7A, s1;
	s8 =	simm.s32 @!p0 $0x1BF5;
	p2 =	por !p2, p0  }
0x20: {  	[sflag:s8] =	ssyncset.s32 @!p0 $0xFFFFF086;
	s6 =	sadd.s32 @!p0 s3, s7;
	s7 =	simm.s32 @!p0 $0x108  }
0x21: {  	s3 =	sadd.s32 s3, s9;
	s6 =	sadd.s32 @!p0 $0x88, s6;
	s7 =	simm.s32 @p2 $0x1082  }
0x22: {  	[simem:s7], [sflag:s8] =	dma.local @!p0 [hbm:s6], $0xF7A  }
0x23: {  	s9 =	sor.u32 $0xD0000000, s2;
	s6 =	simm.s32 $0x108;
	_ =	swait.ge @!p0 [sflag:s8], $0x0  }
0x24: {  	s3 =	sadd.s32 $0x88, s3;
	s6 =	simm.s32 @!p1 $0x1082;
	[sflag:s4] =	ssyncset.s32 $0xFFFFF086  }
0x25: {  	[simem:s6], [sflag:s4] =	dma.local [hbm:s3], $0xF7A  }
0x26: {  	[smem:$0x3F8D] =	sst s1;
	(tag) =	ssettag s2;
	_ =	strace s9  }
0x27: {  	s1 =	sld [smem:$0x3F9D]  }
0x28: {  	s2 =	sld [smem:$0x3F9E]  }
0x29: {  	s4 =	sld [smem:$0x3FA0]  }
0x2a: {  	p0 =	seq.s32 s5, $0x0;
	s5 =	sld [smem:$0x3FA1]  }
0x2b: {  	s6 =	sld [smem:$0x3FA2]  }
0x2c: {  	s7 =	sld [smem:$0x3FA3]  }
0x2d: {  	s3 =	simm.s32 $0x108;
	s8 =	sld [smem:$0x3FA4]  }
0x2e: {  	s3 =	simm.s32 @!p0 $0x1082;
	s9 =	sld [smem:$0x3FA5]  }
0x2f: {  	lr =	sadd.s32 s0, s3;
	s0 =	sld [smem:$0x3F9C]  }
0x30: {  	s3 =	sld [smem:$0x3F9F]  }
0x31: {  	[smem:$0x3FA8] =	sst s10  }
0x32: {  	s10 =	sld [smem:$0x3FA6];
	_ =	sdelay $0x3  }
0x33: {  	p0 =	seq.s32 s10, $0x1;
	s10 =	sld [smem:$0x3FA8];
	_ =	sdelay $0x3  }
0x34: {  	[smem:$0x3FA8] =	sst s10  }
0x35: {  	s10 =	sld [smem:$0x3FA7];
	_ =	sdelay $0x3  }
0x36: {  	p1 =	seq.s32 s10, $0x1;
	s10 =	sld [smem:$0x3FA8];
	_ =	sdelay $0x3  }
0x37: {  	[smem:$0x3FA8] =	sst s10  }
0x38: {  	s10 =	sld [smem:$0x3FA9]  }
0x39: {  	_ = 	snop;
	(pc) =	sbr.ind lr, $3  }
0x3a: {  	_ = 	snop  }
0x3b: {  	_ = 	snop  }
0x3c: {  	p2 =	seq.s32 s10, $0x1;
	s10 =	sld [smem:$0x3FA8]  }
0x3d: {  	_ =	shalt  }
0x3e: {  	_ =	shalt  }
0x3f: {  	_ =	shalt  }
0x40: {  	_ =	shalt  }
0x41: {  	_ =	shalt  }
0x42: {  	_ =	shalt  }
0x43: {  	_ =	shalt  }
0x44: {  	_ =	shalt  }
0x45: {  	_ =	shalt  }
0x46: {  	_ =	shalt  }
0x47: {  	_ =	shalt  }
0x48: {  	_ =	shalt  }
0x49: {  	_ =	shalt  }
0x4a: {  	_ =	shalt  }
0x4b: {  	_ =	shalt  }
0x4c: {  	_ =	shalt  }
0x4d: {  	_ =	shalt  }
0x4e: {  	_ =	shalt  }
0x4f: {  	_ =	shalt  }
0x50: {  	_ =	shalt  }
0x51: {  	_ =	shalt  }
0x52: {  	_ =	shalt  }
0x53: {  	_ =	shalt  }
0x54: {  	_ =	shalt  }
0x55: {  	_ =	shalt  }
0x56: {  	_ =	shalt  }
0x57: {  	_ =	shalt  }
0x58: {  	_ =	shalt  }
0x59: {  	_ =	shalt  }
0x5a: {  	_ =	shalt  }
0x5b: {  	_ =	shalt  }
0x5c: {  	_ =	shalt  }
0x5d: {  	_ =	shalt  }
0x5e: {  	_ =	shalt  }
0x5f: {  	_ =	shalt  }
0x60: {  	_ =	shalt  }
0x61: {  	_ =	shalt  }
0x62: {  	_ =	shalt  }
0x63: {  	_ =	shalt  }
0x64: {  	_ =	shalt  }
0x65: {  	_ =	shalt  }
0x66: {  	_ =	shalt  }
0x67: {  	_ =	shalt  }
0x68: {  	_ =	shalt  }
0x69: {  	_ =	shalt  }
0x6a: {  	_ =	shalt  }
0x6b: {  	_ =	shalt  }
0x6c: {  	_ =	shalt  }
0x6d: {  	_ =	shalt  }
0x6e: {  	_ =	shalt  }
0x6f: {  	_ =	shalt  }
0x70: {  	_ =	shalt  }
0x71: {  	_ =	shalt  }
0x72: {  	_ =	shalt  }
0x73: {  	_ =	shalt  }
0x74: {  	_ =	shalt  }
0x75: {  	_ =	shalt  }
0x76: {  	_ =	shalt  }
0x77: {  	_ =	shalt  }
0x78: {  	_ =	shalt  }
0x79: {  	_ =	shalt  }
0x7a: {  	_ =	shalt  }
0x7b: {  	_ =	shalt  }
0x7c: {  	_ =	shalt  }
0x7d: {  	_ =	shalt  }
0x7e: {  	_ =	shalt  }
0x7f: {  	_ =	shalt  }
0x80: {  	_ =	shalt  }
0x81: {  	_ =	shalt  }
0x82: {  	_ =	shalt  }
0x83: {  	_ =	shalt  }
0x84: {  	_ =	shalt  }
0x85: {  	_ =	shalt  }
0x86: {  	_ =	shalt  }
0x87: {  	_ =	shalt  }
.Lfunc_end0:
.L_simem_size_0:
called_computation_lowered:
.L_overlay_start_0:
0x88: {  	s2 =	sld [smem:$0x3FD9]  }
0x89: {  	s3 =	sld [smem:$0x3FFE];
	_ =	sdelay $0x1  }
0x8a: {  	s1 =	srdreg.scid  }
0x8b: {  	s0 =	sand.u32 $0x1, s1  }
0x8c: {  	s14 =	sshll.u32 s0, $0xA;
	s2 =	sadd.s32 s3, s2  }
0x8d: {  	s2 =	sadd.s32 s2, s14  }
0x8e: {  	[smem:$0x3FB4] =	sst s2  }
0x8f: {  	_ = 	snop  }
0x90: {  	s2 =	sld [smem:$0x3FD0];
	_ =	sdelay $0x2  }
0x91: {  	s15 =	simm.s32 $0xA;
	s4 =	simm.s32 $0x10  }
0x92: {  	[smem:s4], [sflag:s15] =	dma.local [hbm:s2], $0x1  }
0x93: {  	_ =	swait.eq [sflag:s15], $0x1  }
0x94: {  	[sflag:s15] =	ssyncset.done $0x0  }
0x95: {  	s16 =	sld [smem:$0x10];
	[sflag:s15] =	ssyncadd.s32 $0xFFFFFFFF  }
0x96: {  	s17 =	sld [smem:$0x11];
	(tm) =	ssettm $0x1  }
0x97: {  	s18 =	sld [smem:$0x3FFB];
	_ =	sdelay $0x3  }
0x98: {  	_ =	strace s18  }
0x99: {  	s4 =	sld [smem:$0x3FFC];
	_ =	sdelay $0x3  }
0x9a: {  	_ =	strace s4  }
0x9b: {  	s4 =	sld [smem:$0x3FFD];
	_ =	sdelay $0x3  }
0x9c: {  	_ =	strace s4  }
0x9d: {  	_ =	strace $0x8FFFFFFF  }
0x9e: {  	s19 =	sld [smem:$0x3FDB];
	_ =	sdelay $0x1  }
0x9f: {  	s5 =	simm.s32 $_scs_section_size  }
0xa0: {  	s6 =	simm.s32 $_size__tile_overlayer_lowered;
	s7 =	simm.s32 $_tile_overlayer_lowered  }
0xa1: {  	s22 =	simm.s32 $0x1BFF;
	s21 =	sshll.u32 s7, $0x1;
	s4 =	sadd.s32 s5, s19  }
0xa2: {  	s8 =	simm.s32 $0x0;
	s20 =	sshll.u32 s6, $0x1;
	s6 =	sadd.s32 s21, s4  }
0xa3: {  	[timem:s8], [sflag:s22] =	dma.local [hbm:s6], s20  }
0xa4: {  	_ =	swait.ge [sflag:s22], s20  }
0xa5: {  	s5 =	ssub.s32 $0x0, s20;
	[sflag:s22] =	ssyncset.done $0x0  }
0xa6: {  	[sflag:s22] =	ssyncadd.s32 s5;
	_ =	sdelay $0x1  }
0xa7: {  	s23 =	simm.s32 $0x1B8B  }
0xa8: {  	_ =	swait.ge [sflag:s23], $0x1  }
0xa9: {  	[sflag:s23] =	ssyncset.done $0x0  }
0xaa: {  	s25 =	simm.s32 $0x1B8E;
	s24 =	sld [smem:$0x3FFE];
	[sflag:s23] =	ssyncadd.s32 $0xFFFFFFFF  }
0xab: {  	s26 =	simm.s32 $execute0_lowered;
	[smem:$0x3FD2] =	sst s25  }
0xac: {  	s6 =	sshll.u32 s26, $0x1;
	_ =	strace $0x80000046;
	[dreg:$0x1] =	wrdreg $0xFFFFFFFF  }
0xad: {  	s28 =	simm.s32 $_size_execute0_lowered;
	s4 =	sadd.s32 s4, s6;
	[dreg:$0x0] =	wrdreg $0x0  }
0xae: {  	s6 =	sshll.u32 s28, $0x1;
	[dreg:$0x2] =	wrdreg s4  }
0xaf: {  	[dreg:$0x3] =	wrdreg s6  }
0xb0: {  	[dreg:$0x4] =	wrdreg $0xC0  }
0xb1: {  	_ =	task [dreg:s8], $0x5FFFF  }
0xb2: {  	[dreg:$0x1] =	wrdreg $0xFFFFFFFF  }
0xb3: {  	[dreg:$0x0] =	wrdreg $0x60  }
0xb4: {  	[dreg:$0x2] =	wrdreg s17  }
0xb5: {  	[dreg:$0x3] =	wrdreg s16  }
0xb6: {  	[dreg:$0x4] =	wrdreg s24  }
0xb7: {  	[dreg:$0x5] =	wrdreg $0x0  }
0xb8: {  	[dreg:$0x6] =	wrdreg $0x9  }
0xb9: {  	_ =	task.clear_ibuf [dreg:s8], $0x7FFFF;
	_ =	strace $0x90000046  }
0xba: {  	s29 =	simm.s32 $0x9;
	_ =	strace $0x80000048  }
0xbb: {  	_ =	swait.ge [sflag:s29], $0x1  }
0xbc: {  	[sflag:s29] =	ssyncadd.s32 $0xFFFFFFFF  }
0xbd: {  	_ =	strace $0x90000048  }
0xbe: {  	_ =	sfence  }
0xbf: {  	s30 =	sld [smem:$0x0];
	_ =	sdelay $0x2  }
0xc0: {  	s31 =	sshll.u32 s1, $0xD;
	s1 =	sshrl.u32 s1, $0x2  }
0xc1: {  	s3 =	sand.u32 $0x4000, s31;
	s1 =	sadd.s32 s1, s30  }
0xc2: {  	s0 =	sor.u32 s3, s0;
	s1 =	sshll.u32 s1, $0x11  }
0xc3: {  	s0 =	sor.u32 s1, s0  }
0xc4: {  	s0 =	sadd.s32 $0x8F2B, s0  }
0xc5: {  	[sflag:s0] =	ssyncadd.remote.s32 $0x1  }
0xc6: {  	_ =	sfence.sel $0xFFFF  }
0xc7: {  	[dreg:$0x0] =	wrdreg $0xFFFFFFFF;
	(pc) =	sbr.abs _section_cstart, $3  }
0xc8: {  	[dreg:$0x1] =	wrdreg $0xFFFFFFFF  }
0xc9: {  	_ =	task.clear_ibuf [dreg:s8], $0x2FFFF;
	_ =	strace $0x9FFFFFFF  }
0xca: {  	(tm) =	ssettm $0x7FFFFFFF  }
0xcb: {  	_ =	shalt  }
tec
execute0_lowered:
.L_overlay_start_1:
0x0: {  	(tag) =	ssettag $0x1  }
0x1: {  	s1 =	rddreg [dreg:$0x0]  }
0x2: {  	s9 =	rddreg [dreg:$0x1]  }
0x3: {  	s6 =	rddreg [dreg:$0x2]  }
0x4: {  	s2 =	rddreg [dreg:$0x3];
	s3 =	srdreg.scid  }
0x5: {  	s0 =	rddreg [dreg:$0x4];
	s7 =	sand.u32 $0x1, s3  }
0x6: {  	s4 =	simm.s32 $0x0;
	s3 =	stileid.u32;
	s8 =	smul.u32 $0x140000, s7  }
0x7: {  	s14 =	simm.s32 $0x14140;
	s15 =	simm.s32 $0x1;
	s10 =	smul.u32 $0x14000, s3  }
0x8: {  	s16 =	simm.s32 $0x140C0;
	s17 =	simm.s32 $0x0;
	s26 =	smul.u32 $0x50000, s3  }
0x9: {  	[smem:$0x7FF] =	sst s4;
	s11 =	ssub.s32 $0x2, s7;
	s7 =	smul.u32 $0x50000, s7  }
0xa: {  	s5 =	sadd.s32 $0x6000, s6;
	_ =	strace $0x80000047;
	s12 =	smul.u32 $0x5000, s3  }
0xb: {  	s30 =	sshll.u32 s3, $0x6;
	s28 =	sshrl.u32 s11, $0x1;
	s8 =	sadd.s32 s10, s8  }
0xc: {  	s11 =	ssub.s32 s11, s28;
	s29 =	sshrl.u32 s26, $0x2;
	s31 =	sadd.s32 s12, s7  }
0xd: {  	s12 =	simm.s32 $0x14040;
	s8 =	sshrl.u32 s8, $0x3;
	s13 =	sadd.s32 s29, s2  }
0xe: {  	s10 =	sshrl.u32 s31, $0x3;
	s8 =	sadd.s32 s8, s6;
	s6 =	sor.u32 $0x1C02, s30  }
0xf: {  	s9 =	sadd.s32 s10, s9;
	s10 =	sshrl.u32 s13, $0x3;
	s13 =	simm.s32 $0x80  }
0x10: {  	s7 =	sadd.s32 $0x8800, s8;
	s8 =	smax.u32 s11, $0x1;
	s11 =	simm.s32 $0x2  }
.LBB2_1:
0x11: {  	[spmem:s10], [sflag:s6] =	dma.local [hbm:s5], $0x2800  }
0x12: {  	_ =	swait.ge [sflag:s11], $0x2800  }
0x13: {  	[sflag:s11] =	ssyncset.done $0x0  }
0x14: {  	[sflag:s11] =	ssyncadd.s32 $0xFFFFD800  }
0x15: {  	s18 =	sadd.s32 $0x0, s9;
	[bflag:$0x0] =	sbarrier.arrive $0xFFFF  }
0x16: {  	[tilespmem:s12], [sflag:$0x2] =	stream.linear.gather [hbm4b:s18+s4], $0x100, $0x38;
	[tilespmem:$0x18140] =	vst v63  }
0x17: {  	_ =	swait.ge [sflag:s11], $0x100  }
0x18: {  	[sflag:s11] =	ssyncset.done $0x0  }
0x19: {  	[sflag:s11] =	ssyncadd.s32 $0xFFFFFF00  }
0x1a: {  	[tilespmem:s14], [sflag:$0x1] =	stream.indirect.gather [hbm4b:s1+s13], $0x80, s12, s13, $0xb8;
	[tilespmem:$0x18140] =	vst v63  }
0x1b: {  	_ =	swait.ge [sflag:s15], $0x4000  }
0x1c: {  	[sflag:s15] =	ssyncset.done $0x0  }
0x1d: {  	[sflag:s15] =	ssyncadd.s32 $0xFFFFC000  }
0x1e: {  	[spmem:s2] =	stream.indirect.scatter.add.f32 [tilespmem:s14], [sflag:$0x2], $0x80, s16, s13, $0xb8;
	[tilespmem:$0x18140] =	vst v63  }
0x1f: {  	_ =	swait.ge [sflag:s11], $0x4000  }
0x20: {  	s19 =	simm.s32 $0x40;
	s18 =	simm.s32 $0x20;
	[sflag:s11] =	ssyncset.done $0x0  }
.LBB2_2:
0x21: {  	s20 =	sadd.s32 s18, s9  }
0x22: {  	[sflag:s11] =	ssyncadd.s32 $0xFFFFC000;
	s18 =	smov.u32 s19;
	s21 =	sadd.s32 $0x20, s19  }
0x23: {  	[tilespmem:s12], [sflag:$0x2] =	stream.linear.gather [hbm4b:s20+s4], $0x100, $0x38;
	[tilespmem:$0x18140] =	vst v63  }
0x24: {  	p0 =	sne.s32 s19, $0x9E0;
	_ =	swait.ge [sflag:s11], $0x100  }
0x25: {  	[sflag:s11] =	ssyncset.done $0x0  }
0x26: {  	[sflag:s11] =	ssyncadd.s32 $0xFFFFFF00  }
0x27: {  	[tilespmem:s14], [sflag:$0x1] =	stream.indirect.gather [hbm4b:s1+s13], $0x80, s12, s13, $0xb8;
	[tilespmem:$0x18140] =	vst v63  }
0x28: {  	_ =	swait.ge [sflag:s15], $0x4000  }
.Ltmp0:
0x29: {  	[sflag:s15] =	ssyncset.done $0x0;
	(pc) =	sbr.rel @p0 .LBB2_2-.Ltmp0, $4  }
0x2a: {  	[sflag:s15] =	ssyncadd.s32 $0xFFFFC000  }
0x2b: {  	[spmem:s2] =	stream.indirect.scatter.add.f32 [tilespmem:s14], [sflag:$0x2], $0x80, s16, s13, $0xb8;
	[tilespmem:$0x18140] =	vst v63  }
0x2c: {  	_ =	swait.ge [sflag:s11], $0x4000  }
0x2d: {  	s19 =	smov.u32 s21;
	[sflag:s11] =	ssyncset.done $0x0  }
0x2e: {  	s18 =	sadd.s32 s18, s9;
	[sflag:s11] =	ssyncadd.s32 $0xFFFFC000  }
0x2f: {  	[tilespmem:s12], [sflag:$0x2] =	stream.linear.gather [hbm4b:s18+s4], $0x100, $0x38;
	[tilespmem:$0x18140] =	vst v63  }
0x30: {  	_ =	swait.ge [sflag:s11], $0x100  }
0x31: {  	[sflag:s11] =	ssyncset.done $0x0  }
0x32: {  	[sflag:s11] =	ssyncadd.s32 $0xFFFFFF00  }
0x33: {  	[tilespmem:s14], [sflag:$0x1] =	stream.indirect.gather [hbm4b:s1+s13], $0x80, s12, s13, $0xb8;
	[tilespmem:$0x18140] =	vst v63  }
0x34: {  	_ =	swait.ge [sflag:s15], $0x4000  }
0x35: {  	[sflag:s15] =	ssyncset.done $0x0  }
0x36: {  	[sflag:s15] =	ssyncadd.s32 $0xFFFFC000  }
0x37: {  	[spmem:s2] =	stream.indirect.scatter.add.f32 [tilespmem:s14], [sflag:$0x2], $0x80, s16, s13, $0xb8;
	[tilespmem:$0x18140] =	vst v63  }
0x38: {  	_ =	swait.ge [sflag:s11], $0x4000  }
0x39: {  	s17 =	sadd.s32 $0x1, s17;
	[sflag:s11] =	ssyncset.done $0x0  }
0x3a: {  	p0 =	sne.s32 s17, s8;
	[sflag:s11] =	ssyncadd.s32 $0xFFFFC000  }
.Ltmp1:
0x3b: {  	[bflag:$0x0] =	sbarrier.arrive $0xFFFF;
	(pc) =	sbr.rel @p0 .LBB2_1-.Ltmp1, $4  }
0x3c: {  	[hbm:s7], [sflag:s6] =	dma.local [spmem:s10], $0x2800  }
0x3d: {  	_ =	swait.ge [sflag:s11], $0x2800  }
0x3e: {  	[sflag:s11] =	ssyncset.done $0x0  }
0x3f: {  	[sflag:s11] =	ssyncadd.s32 $0xFFFFD800  }
0x40: {  	_ =	sfence.sel $0x180000  }
0x41: {  	[bflag:$0x0] =	sbarrier.arrive $0xFFFF  }
0x42: {  	p0 =	sne.s32 s3, $0x0;
	_ =	strace $0x90000047  }
0x43: {  	s0 =	sadd.s32 @!p0 $0x100000, s0;
	[bflag:$0x2] =	sbarrier.arrive $0xFFFF  }
0x44: {  	[sflag:s0] =	ssyncadd.tile.s32 @!p0 $0x1;
	_ =	shalt  }
.Lfunc_end2:
_tile_overlayer_lowered:
.L_overlay_start_2:
0x45: {  	(tag) =	ssettag $0x2  }
0x46: {  	s0 =	rddreg [dreg:$0x0];
	s2 =	stileid.u32  }
0x47: {  	s1 =	rddreg [dreg:$0x1];
	p0 =	sne.s32 s2, $0x0  }
0x48: {  	s3 =	rddreg [dreg:$0x2];
	[bflag:$0x3] =	sbarrier.arrive $0xFFFF;
	s2 =	simm.s32 @!p0 $0x1C02  }
0x49: {  	[timem:s3], [sflag:s2] =	dma.local @!p0 [hbm:s0], s1  }
0x4a: {  	s0 =	simm.s32 @!p0 $0x2  }
0x4b: {  	_ =	swait.ge @!p0 [sflag:s0], s1  }
0x4c: {  	s1 =	ssub.s32 @!p0 $0x0, s1;
	[sflag:s0] =	ssyncset.done @!p0 $0x0  }
0x4d: {  	[sflag:s0] =	ssyncadd.s32 @!p0 s1  }
0x4e: {  	[bflag:$0x3] =	sbarrier.arrive $0xFFFF  }
0x4f: {  	_ =	shalt  }

// kernel: kernel.18.cloned.1.call-start
scs
__scs_entry_jumppad:
0x0: {  	(pc) =	sbr.rel $0x88, $3  }
0x1: {  	(tag) =	ssettag $0x0;
	lr =	simm.s32 $0x1  }
0x2: {  	[smem:$0x3F8D] =	sst lr;
	_ =	strace $0xD0000000  }
0x3: {  	_ = 	snop  }
0x4: {  	_ = 	snop  }
0x5: {  	_ = 	snop  }
0x6: {  	_ = 	snop  }
0x7: {  	_ = 	snop  }
__scs_overlays_trampoline_lowered:
0x8: {  	[smem:$0x3F9C] =	sst s0  }
0x9: {  	[smem:$0x3F9D] =	sst s1  }
0xa: {  	[smem:$0x3F9E] =	sst s2  }
0xb: {  	[smem:$0x3F9F] =	sst s3  }
0xc: {  	[smem:$0x3FA0] =	sst s4  }
0xd: {  	[smem:$0x3FA1] =	sst s5  }
0xe: {  	[smem:$0x3FA2] =	sst s6  }
0xf: {  	[smem:$0x3FA3] =	sst s7  }
0x10: {  	[smem:$0x3FA4] =	sst s8  }
0x11: {  	[smem:$0x3FA5] =	sst s9;
	s0 =	simm.s32 @!p0 $0x0  }
0x12: {  	s1 =	sld [smem:$0x3F8B];
	s0 =	simm.s32 @p0 $0x1  }
0x13: {  	[smem:$0x3FA6] =	sst s0;
	s0 =	simm.s32 @!p1 $0x0  }
0x14: {  	s2 =	sld [smem:$0x3F8A];
	s0 =	simm.s32 @p1 $0x1  }
0x15: {  	[smem:$0x3FA7] =	sst s0;
	s0 =	simm.s32 @!p2 $0x0  }
0x16: {  	s3 =	sld [smem:$0x3FDB];
	s0 =	simm.s32 @p2 $0x1  }
0x17: {  	s4 =	simm.s32 $0x1BF5;
	[smem:$0x3FA9] =	sst s0  }
0x18: {  	s0 =	sld [smem:$0x3F8C];
	_ =	swait.ge [sflag:s4], $0x0  }
0x19: {  	s7 =	sld [smem:$0x3F8D]  }
0x1a: {  	s8 =	sadd.s32 $0xFFFFE003, lr  }
0x1b: {  	s9 =	sadd.s32 $0xFFFFFEF7, lr;
	s5 =	simm.s32 $0xFFFFFFFF;
	p2 =	slt.u32 s8, $0xFFFFF086  }
0x1c: {  	p1 =	slt.u32 s9, $0xF7A;
	s5 =	simm.s32 @!p2 $0x0  }
0x1d: {  	s5 =	simm.s32 @p1 $0x1;
	p0 =	seq.s32 s7, s2  }
0x1e: {  	s7 =	smul.u32 @!p0 $0xF7A, s2;
	p2 =	seq.s32 @!p0 s5, $0x0  }
0x1f: {  	s9 =	smul.u32 $0xF7A, s1;
	s8 =	simm.s32 @!p0 $0x1BF5;
	p2 =	por !p2, p0  }
0x20: {  	[sflag:s8] =	ssyncset.s32 @!p0 $0xFFFFF086;
	s6 =	sadd.s32 @!p0 s3, s7;
	s7 =	simm.s32 @!p0 $0x108  }
0x21: {  	s3 =	sadd.s32 s3, s9;
	s6 =	sadd.s32 @!p0 $0x88, s6;
	s7 =	simm.s32 @p2 $0x1082  }
0x22: {  	[simem:s7], [sflag:s8] =	dma.local @!p0 [hbm:s6], $0xF7A  }
0x23: {  	s9 =	sor.u32 $0xD0000000, s2;
	s6 =	simm.s32 $0x108;
	_ =	swait.ge @!p0 [sflag:s8], $0x0  }
0x24: {  	s3 =	sadd.s32 $0x88, s3;
	s6 =	simm.s32 @!p1 $0x1082;
	[sflag:s4] =	ssyncset.s32 $0xFFFFF086  }
0x25: {  	[simem:s6], [sflag:s4] =	dma.local [hbm:s3], $0xF7A  }
0x26: {  	[smem:$0x3F8D] =	sst s1;
	(tag) =	ssettag s2;
	_ =	strace s9  }
0x27: {  	s1 =	sld [smem:$0x3F9D]  }
0x28: {  	s2 =	sld [smem:$0x3F9E]  }
0x29: {  	s4 =	sld [smem:$0x3FA0]  }
0x2a: {  	p0 =	seq.s32 s5, $0x0;
	s5 =	sld [smem:$0x3FA1]  }
0x2b: {  	s6 =	sld [smem:$0x3FA2]  }
0x2c: {  	s7 =	sld [smem:$0x3FA3]  }
0x2d: {  	s3 =	simm.s32 $0x108;
	s8 =	sld [smem:$0x3FA4]  }
0x2e: {  	s3 =	simm.s32 @!p0 $0x1082;
	s9 =	sld [smem:$0x3FA5]  }
0x2f: {  	lr =	sadd.s32 s0, s3;
	s0 =	sld [smem:$0x3F9C]  }
0x30: {  	s3 =	sld [smem:$0x3F9F]  }
0x31: {  	[smem:$0x3FA8] =	sst s10  }
0x32: {  	s10 =	sld [smem:$0x3FA6];
	_ =	sdelay $0x3  }
0x33: {  	p0 =	seq.s32 s10, $0x1;
	s10 =	sld [smem:$0x3FA8];
	_ =	sdelay $0x3  }
0x34: {  	[smem:$0x3FA8] =	sst s10  }
0x35: {  	s10 =	sld [smem:$0x3FA7];
	_ =	sdelay $0x3  }
0x36: {  	p1 =	seq.s32 s10, $0x1;
	s10 =	sld [smem:$0x3FA8];
	_ =	sdelay $0x3  }
0x37: {  	[smem:$0x3FA8] =	sst s10  }
0x38: {  	s10 =	sld [smem:$0x3FA9]  }
0x39: {  	_ = 	snop;
	(pc) =	sbr.ind lr, $3  }
0x3a: {  	_ = 	snop  }
0x3b: {  	_ = 	snop  }
0x3c: {  	p2 =	seq.s32 s10, $0x1;
	s10 =	sld [smem:$0x3FA8]  }
0x3d: {  	_ =	shalt  }
0x3e: {  	_ =	shalt  }
0x3f: {  	_ =	shalt  }
0x40: {  	_ =	shalt  }
0x41: {  	_ =	shalt  }
0x42: {  	_ =	shalt  }
0x43: {  	_ =	shalt  }
0x44: {  	_ =	shalt  }
0x45: {  	_ =	shalt  }
0x46: {  	_ =	shalt  }
0x47: {  	_ =	shalt  }
0x48: {  	_ =	shalt  }
0x49: {  	_ =	shalt  }
0x4a: {  	_ =	shalt  }
0x4b: {  	_ =	shalt  }
0x4c: {  	_ =	shalt  }
0x4d: {  	_ =	shalt  }
0x4e: {  	_ =	shalt  }
0x4f: {  	_ =	shalt  }
0x50: {  	_ =	shalt  }
0x51: {  	_ =	shalt  }
0x52: {  	_ =	shalt  }
0x53: {  	_ =	shalt  }
0x54: {  	_ =	shalt  }
0x55: {  	_ =	shalt  }
0x56: {  	_ =	shalt  }
0x57: {  	_ =	shalt  }
0x58: {  	_ =	shalt  }
0x59: {  	_ =	shalt  }
0x5a: {  	_ =	shalt  }
0x5b: {  	_ =	shalt  }
0x5c: {  	_ =	shalt  }
0x5d: {  	_ =	shalt  }
0x5e: {  	_ =	shalt  }
0x5f: {  	_ =	shalt  }
0x60: {  	_ =	shalt  }
0x61: {  	_ =	shalt  }
0x62: {  	_ =	shalt  }
0x63: {  	_ =	shalt  }
0x64: {  	_ =	shalt  }
0x65: {  	_ =	shalt  }
0x66: {  	_ =	shalt  }
0x67: {  	_ =	shalt  }
0x68: {  	_ =	shalt  }
0x69: {  	_ =	shalt  }
0x6a: {  	_ =	shalt  }
0x6b: {  	_ =	shalt  }
0x6c: {  	_ =	shalt  }
0x6d: {  	_ =	shalt  }
0x6e: {  	_ =	shalt  }
0x6f: {  	_ =	shalt  }
0x70: {  	_ =	shalt  }
0x71: {  	_ =	shalt  }
0x72: {  	_ =	shalt  }
0x73: {  	_ =	shalt  }
0x74: {  	_ =	shalt  }
0x75: {  	_ =	shalt  }
0x76: {  	_ =	shalt  }
0x77: {  	_ =	shalt  }
0x78: {  	_ =	shalt  }
0x79: {  	_ =	shalt  }
0x7a: {  	_ =	shalt  }
0x7b: {  	_ =	shalt  }
0x7c: {  	_ =	shalt  }
0x7d: {  	_ =	shalt  }
0x7e: {  	_ =	shalt  }
0x7f: {  	_ =	shalt  }
0x80: {  	_ =	shalt  }
0x81: {  	_ =	shalt  }
0x82: {  	_ =	shalt  }
0x83: {  	_ =	shalt  }
0x84: {  	_ =	shalt  }
0x85: {  	_ =	shalt  }
0x86: {  	_ =	shalt  }
0x87: {  	_ =	shalt  }
.Lfunc_end0:
.L_simem_size_0:
called_computation.1_lowered:
.L_overlay_start_0:
0x88: {  	s2 =	sld [smem:$0x3FD9]  }
0x89: {  	s3 =	sld [smem:$0x3FFE];
	_ =	sdelay $0x1  }
0x8a: {  	s1 =	srdreg.scid  }
0x8b: {  	s0 =	sand.u32 $0x1, s1  }
0x8c: {  	s14 =	sshll.u32 s0, $0xA;
	s2 =	sadd.s32 s3, s2  }
0x8d: {  	s2 =	sadd.s32 s2, s14  }
0x8e: {  	[smem:$0x3FB4] =	sst s2  }
0x8f: {  	_ = 	snop  }
0x90: {  	s2 =	sld [smem:$0x3FD0];
	_ =	sdelay $0x2  }
0x91: {  	s15 =	simm.s32 $0xA;
	s4 =	simm.s32 $0x10  }
0x92: {  	[smem:s4], [sflag:s15] =	dma.local [hbm:s2], $0x1  }
0x93: {  	_ =	swait.eq [sflag:s15], $0x1  }
0x94: {  	[sflag:s15] =	ssyncset.done $0x0  }
0x95: {  	[sflag:s15] =	ssyncadd.s32 $0xFFFFFFFF  }
0x96: {  	s16 =	sld [smem:$0x11];
	(tm) =	ssettm $0x1  }
0x97: {  	s17 =	sld [smem:$0x3FFB];
	_ =	sdelay $0x3  }
0x98: {  	_ =	strace s17  }
0x99: {  	s3 =	sld [smem:$0x3FFC];
	_ =	sdelay $0x3  }
0x9a: {  	_ =	strace s3  }
0x9b: {  	s3 =	sld [smem:$0x3FFD];
	_ =	sdelay $0x3  }
0x9c: {  	_ =	strace s3  }
0x9d: {  	_ =	strace $0x8FFFFFFF  }
0x9e: {  	s18 =	sld [smem:$0x3FDB];
	_ =	sdelay $0x1  }
0x9f: {  	s19 =	simm.s32 $_scs_section_size  }
0xa0: {  	s5 =	simm.s32 $_size__tile_overlayer_lowered;
	s6 =	simm.s32 $_tile_overlayer_lowered  }
0xa1: {  	s22 =	simm.s32 $0x1BFF;
	s21 =	sshll.u32 s6, $0x1;
	s3 =	sadd.s32 s19, s18  }
0xa2: {  	s7 =	simm.s32 $0x0;
	s20 =	sshll.u32 s5, $0x1;
	s5 =	sadd.s32 s21, s3  }
0xa3: {  	[timem:s7], [sflag:s22] =	dma.local [hbm:s5], s20  }
0xa4: {  	_ =	swait.ge [sflag:s22], s20  }
0xa5: {  	s4 =	ssub.s32 $0x0, s20;
	[sflag:s22] =	ssyncset.done $0x0  }
0xa6: {  	[sflag:s22] =	ssyncadd.s32 s4;
	_ =	sdelay $0x1  }
0xa7: {  	s23 =	simm.s32 $0x1B8B  }
0xa8: {  	_ =	swait.ge [sflag:s23], $0x1  }
0xa9: {  	[sflag:s23] =	ssyncset.done $0x0  }
0xaa: {  	s25 =	simm.s32 $0x1B8E;
	s24 =	sld [smem:$0x3FFE];
	[sflag:s23] =	ssyncadd.s32 $0xFFFFFFFF  }
0xab: {  	s26 =	simm.s32 $execute0_lowered;
	[smem:$0x3FD2] =	sst s25  }
0xac: {  	s5 =	sshll.u32 s26, $0x1;
	_ =	strace $0x80000049;
	[dreg:$0x1] =	wrdreg $0xFFFFFFFF  }
0xad: {  	s28 =	simm.s32 $_size_execute0_lowered;
	s3 =	sadd.s32 s3, s5;
	[dreg:$0x0] =	wrdreg $0x0  }
0xae: {  	s5 =	sshll.u32 s28, $0x1;
	[dreg:$0x2] =	wrdreg s3  }
0xaf: {  	[dreg:$0x3] =	wrdreg s5  }
0xb0: {  	[dreg:$0x4] =	wrdreg $0xC0  }
0xb1: {  	_ =	task [dreg:s7], $0x5FFFF  }
0xb2: {  	[dreg:$0x1] =	wrdreg $0xFFFFFFFF  }
0xb3: {  	[dreg:$0x0] =	wrdreg $0x60  }
0xb4: {  	[dreg:$0x2] =	wrdreg s16  }
0xb5: {  	[dreg:$0x3] =	wrdreg s24  }
0xb6: {  	[dreg:$0x4] =	wrdreg $0x0  }
0xb7: {  	[dreg:$0x5] =	wrdreg $0x9  }
0xb8: {  	_ =	task.clear_ibuf [dreg:s7], $0x6FFFF;
	_ =	strace $0x90000049  }
0xb9: {  	s29 =	simm.s32 $0x9;
	_ =	strace $0x8000004B  }
0xba: {  	_ =	swait.ge [sflag:s29], $0x1  }
0xbb: {  	[sflag:s29] =	ssyncadd.s32 $0xFFFFFFFF  }
0xbc: {  	_ =	strace $0x9000004B  }
0xbd: {  	_ =	sfence  }
0xbe: {  	s30 =	sld [smem:$0x0];
	_ =	sdelay $0x2  }
0xbf: {  	s31 =	sshll.u32 s1, $0xD;
	s1 =	sshrl.u32 s1, $0x2  }
0xc0: {  	s3 =	sand.u32 $0x4000, s31;
	s1 =	sadd.s32 s1, s30  }
0xc1: {  	s0 =	sor.u32 s3, s0;
	s1 =	sshll.u32 s1, $0x11  }
0xc2: {  	s0 =	sor.u32 s1, s0  }
0xc3: {  	s0 =	sadd.s32 $0x8F2B, s0  }
0xc4: {  	[sflag:s0] =	ssyncadd.remote.s32 $0x1  }
0xc5: {  	_ =	sfence.sel $0xFFFF  }
0xc6: {  	[dreg:$0x0] =	wrdreg $0xFFFFFFFF;
	(pc) =	sbr.abs _section_cstart, $3  }
0xc7: {  	[dreg:$0x1] =	wrdreg $0xFFFFFFFF  }
0xc8: {  	_ =	task.clear_ibuf [dreg:s7], $0x2FFFF;
	_ =	strace $0x9FFFFFFF  }
0xc9: {  	(tm) =	ssettm $0x7FFFFFFF  }
tec
execute0_lowered:
.L_overlay_start_1:
0x0: {  	(tag) =	ssettag $0x1  }
0x1: {  	s1 =	rddreg [dreg:$0x0]  }
0x2: {  	s6 =	rddreg [dreg:$0x1]  }
0x3: {  	s0 =	srdreg.scid;
	s3 =	rddreg [dreg:$0x2]  }
0x4: {  	s2 =	rddreg [dreg:$0x3];
	s4 =	simm.s32 $0x0;
	s7 =	sand.u32 $0x1, s0  }
0x5: {  	s13 =	simm.s32 $0x80;
	s0 =	stileid.u32;
	s5 =	smul.u32 $0x50000, s7  }
0x6: {  	s14 =	simm.s32 $0x14140;
	s15 =	simm.s32 $0x1;
	s8 =	smul.u32 $0x5000, s0  }
0x7: {  	s16 =	simm.s32 $0x140C0;
	[smem:$0x7FF] =	sst s4;
	s9 =	smul.u32 $0x140000, s7  }
0x8: {  	s17 =	simm.s32 $0x0;
	s28 =	smul.u32 $0x14000, s0;
	_ =	strace $0x8000004A  }
0x9: {  	s29 =	smul.u32 $0x50000, s0;
	s7 =	ssub.s32 $0x2, s7;
	s31 =	sshll.u32 s0, $0x6  }
0xa: {  	s30 =	sshrl.u32 s7, $0x1;
	s5 =	sadd.s32 s8, s5;
	s8 =	sadd.s32 s28, s9  }
0xb: {  	s9 =	sshrl.u32 s29, $0x2;
	s11 =	ssub.s32 s7, s30;
	s5 =	sshrl.u32 s5, $0x3  }
0xc: {  	s8 =	sshrl.u32 s8, $0x3;
	s12 =	sadd.s32 s9, s3;
	s10 =	sadd.s32 s5, s6  }
0xd: {  	s5 =	sadd.s32 $0x6000, s6;
	s8 =	sadd.s32 s8, s6;
	s6 =	sor.u32 $0x1C02, s31  }
0xe: {  	s7 =	sadd.s32 $0x8800, s8;
	s8 =	smax.u32 s11, $0x1;
	s9 =	sadd.s32 $0x58800, s10  }
0xf: {  	s10 =	sshrl.u32 s12, $0x3;
	s11 =	simm.s32 $0x2;
	s12 =	simm.s32 $0x14040  }
.LBB2_1:
0x10: {  	[spmem:s10], [sflag:s6] =	dma.local [hbm:s5], $0x2800  }
0x11: {  	_ =	swait.ge [sflag:s11], $0x2800  }
0x12: {  	[sflag:s11] =	ssyncset.done $0x0  }
0x13: {  	[sflag:s11] =	ssyncadd.s32 $0xFFFFD800  }
0x14: {  	s18 =	sadd.s32 $0x0, s9;
	[bflag:$0x0] =	sbarrier.arrive $0xFFFF  }
0x15: {  	[tilespmem:s12], [sflag:$0x2] =	stream.linear.gather [hbm4b:s18+s4], $0x100, $0x38;
	[tilespmem:$0x18140] =	vst v63  }
0x16: {  	_ =	swait.ge [sflag:s11], $0x100  }
0x17: {  	[sflag:s11] =	ssyncset.done $0x0  }
0x18: {  	[sflag:s11] =	ssyncadd.s32 $0xFFFFFF00  }
0x19: {  	[tilespmem:s14], [sflag:$0x1] =	stream.indirect.gather [hbm4b:s1+s13], $0x80, s12, s13, $0xb8;
	[tilespmem:$0x18140] =	vst v63  }
0x1a: {  	_ =	swait.ge [sflag:s15], $0x4000  }
0x1b: {  	[sflag:s15] =	ssyncset.done $0x0  }
0x1c: {  	[sflag:s15] =	ssyncadd.s32 $0xFFFFC000  }
0x1d: {  	[spmem:s3] =	stream.indirect.scatter.add.f32 [tilespmem:s14], [sflag:$0x2], $0x80, s16, s13, $0xb8;
	[tilespmem:$0x18140] =	vst v63  }
0x1e: {  	_ =	swait.ge [sflag:s11], $0x4000  }
0x1f: {  	s19 =	simm.s32 $0x40;
	s18 =	simm.s32 $0x20;
	[sflag:s11] =	ssyncset.done $0x0  }
.LBB2_2:
0x20: {  	s20 =	sadd.s32 s18, s9  }
0x21: {  	[sflag:s11] =	ssyncadd.s32 $0xFFFFC000;
	s18 =	smov.u32 s19;
	s21 =	sadd.s32 $0x20, s19  }
0x22: {  	[tilespmem:s12], [sflag:$0x2] =	stream.linear.gather [hbm4b:s20+s4], $0x100, $0x38;
	[tilespmem:$0x18140] =	vst v63  }
0x23: {  	p0 =	sne.s32 s19, $0x9E0;
	_ =	swait.ge [sflag:s11], $0x100  }
0x24: {  	[sflag:s11] =	ssyncset.done $0x0  }
0x25: {  	[sflag:s11] =	ssyncadd.s32 $0xFFFFFF00  }
0x26: {  	[tilespmem:s14], [sflag:$0x1] =	stream.indirect.gather [hbm4b:s1+s13], $0x80, s12, s13, $0xb8;
	[tilespmem:$0x18140] =	vst v63  }
0x27: {  	_ =	swait.ge [sflag:s15], $0x4000  }
.Ltmp0:
0x28: {  	[sflag:s15] =	ssyncset.done $0x0;
	(pc) =	sbr.rel @p0 .LBB2_2-.Ltmp0, $4  }
0x29: {  	[sflag:s15] =	ssyncadd.s32 $0xFFFFC000  }
0x2a: {  	[spmem:s3] =	stream.indirect.scatter.add.f32 [tilespmem:s14], [sflag:$0x2], $0x80, s16, s13, $0xb8;
	[tilespmem:$0x18140] =	vst v63  }
0x2b: {  	_ =	swait.ge [sflag:s11], $0x4000  }
0x2c: {  	s19 =	smov.u32 s21;
	[sflag:s11] =	ssyncset.done $0x0  }
0x2d: {  	s18 =	sadd.s32 s18, s9;
	[sflag:s11] =	ssyncadd.s32 $0xFFFFC000  }
0x2e: {  	[tilespmem:s12], [sflag:$0x2] =	stream.linear.gather [hbm4b:s18+s4], $0x100, $0x38;
	[tilespmem:$0x18140] =	vst v63  }
0x2f: {  	_ =	swait.ge [sflag:s11], $0x100  }
0x30: {  	[sflag:s11] =	ssyncset.done $0x0  }
0x31: {  	[sflag:s11] =	ssyncadd.s32 $0xFFFFFF00  }
0x32: {  	[tilespmem:s14], [sflag:$0x1] =	stream.indirect.gather [hbm4b:s1+s13], $0x80, s12, s13, $0xb8;
	[tilespmem:$0x18140] =	vst v63  }
0x33: {  	_ =	swait.ge [sflag:s15], $0x4000  }
0x34: {  	[sflag:s15] =	ssyncset.done $0x0  }
0x35: {  	[sflag:s15] =	ssyncadd.s32 $0xFFFFC000  }
0x36: {  	[spmem:s3] =	stream.indirect.scatter.add.f32 [tilespmem:s14], [sflag:$0x2], $0x80, s16, s13, $0xb8;
	[tilespmem:$0x18140] =	vst v63  }
0x37: {  	_ =	swait.ge [sflag:s11], $0x4000  }
0x38: {  	s17 =	sadd.s32 $0x1, s17;
	[sflag:s11] =	ssyncset.done $0x0  }
0x39: {  	p0 =	sne.s32 s17, s8;
	[sflag:s11] =	ssyncadd.s32 $0xFFFFC000  }
.Ltmp1:
0x3a: {  	[bflag:$0x0] =	sbarrier.arrive $0xFFFF;
	(pc) =	sbr.rel @p0 .LBB2_1-.Ltmp1, $4  }
0x3b: {  	[hbm:s7], [sflag:s6] =	dma.local [spmem:s10], $0x2800  }
0x3c: {  	_ =	swait.ge [sflag:s11], $0x2800  }
0x3d: {  	[sflag:s11] =	ssyncset.done $0x0  }
0x3e: {  	[sflag:s11] =	ssyncadd.s32 $0xFFFFD800  }
0x3f: {  	_ =	sfence.sel $0x180000  }
0x40: {  	[bflag:$0x0] =	sbarrier.arrive $0xFFFF  }
0x41: {  	p0 =	sne.s32 s0, $0x0;
	_ =	strace $0x9000004A  }
0x42: {  	s0 =	sadd.s32 @!p0 $0x100000, s2;
	[bflag:$0x2] =	sbarrier.arrive $0xFFFF  }
0x43: {  	[sflag:s0] =	ssyncadd.tile.s32 @!p0 $0x1;
	_ =	shalt  }
.Lfunc_end2:
_tile_overlayer_lowered:
.L_overlay_start_2:
0x44: {  	(tag) =	ssettag $0x2  }
0x45: {  	s0 =	rddreg [dreg:$0x0];
	s2 =	stileid.u32  }
0x46: {  	s1 =	rddreg [dreg:$0x1];
	p0 =	sne.s32 s2, $0x0  }
0x47: {  	s3 =	rddreg [dreg:$0x2];
	[bflag:$0x3] =	sbarrier.arrive $0xFFFF;
	s2 =	simm.s32 @!p0 $0x1C02  }
0x48: {  	[timem:s3], [sflag:s2] =	dma.local @!p0 [hbm:s0], s1  }
0x49: {  	s0 =	simm.s32 @!p0 $0x2  }
0x4a: {  	_ =	swait.ge @!p0 [sflag:s0], s1  }
0x4b: {  	s1 =	ssub.s32 @!p0 $0x0, s1;
	[sflag:s0] =	ssyncset.done @!p0 $0x0  }
0x4c: {  	[sflag:s0] =	ssyncadd.s32 @!p0 s1  }
0x4d: {  	[bflag:$0x3] =	sbarrier.arrive $0xFFFF  }
0x4e: {  	_ =	shalt  }

// kernel: kernel.21.cloned.1.call-start
scs
__scs_entry_jumppad:
0x0: {  	(pc) =	sbr.rel $0x88, $3  }
0x1: {  	(tag) =	ssettag $0x0;
	lr =	simm.s32 $0x1  }
0x2: {  	[smem:$0x3F8D] =	sst lr;
	_ =	strace $0xD0000000  }
0x3: {  	_ = 	snop  }
0x4: {  	_ = 	snop  }
0x5: {  	_ = 	snop  }
0x6: {  	_ = 	snop  }
0x7: {  	_ = 	snop  }
__scs_overlays_trampoline_lowered:
0x8: {  	[smem:$0x3F9C] =	sst s0  }
0x9: {  	[smem:$0x3F9D] =	sst s1  }
0xa: {  	[smem:$0x3F9E] =	sst s2  }
0xb: {  	[smem:$0x3F9F] =	sst s3  }
0xc: {  	[smem:$0x3FA0] =	sst s4  }
0xd: {  	[smem:$0x3FA1] =	sst s5  }
0xe: {  	[smem:$0x3FA2] =	sst s6  }
0xf: {  	[smem:$0x3FA3] =	sst s7  }
0x10: {  	[smem:$0x3FA4] =	sst s8  }
0x11: {  	[smem:$0x3FA5] =	sst s9;
	s0 =	simm.s32 @!p0 $0x0  }
0x12: {  	s1 =	sld [smem:$0x3F8B];
	s0 =	simm.s32 @p0 $0x1  }
0x13: {  	[smem:$0x3FA6] =	sst s0;
	s0 =	simm.s32 @!p1 $0x0  }
0x14: {  	s2 =	sld [smem:$0x3F8A];
	s0 =	simm.s32 @p1 $0x1  }
0x15: {  	[smem:$0x3FA7] =	sst s0;
	s0 =	simm.s32 @!p2 $0x0  }
0x16: {  	s3 =	sld [smem:$0x3FDB];
	s0 =	simm.s32 @p2 $0x1  }
0x17: {  	s4 =	simm.s32 $0x1BF5;
	[smem:$0x3FA9] =	sst s0  }
0x18: {  	s0 =	sld [smem:$0x3F8C];
	_ =	swait.ge [sflag:s4], $0x0  }
0x19: {  	s7 =	sld [smem:$0x3F8D]  }
0x1a: {  	s8 =	sadd.s32 $0xFFFFE003, lr  }
0x1b: {  	s9 =	sadd.s32 $0xFFFFFEF7, lr;
	s5 =	simm.s32 $0xFFFFFFFF;
	p2 =	slt.u32 s8, $0xFFFFF086  }
0x1c: {  	p1 =	slt.u32 s9, $0xF7A;
	s5 =	simm.s32 @!p2 $0x0  }
0x1d: {  	s5 =	simm.s32 @p1 $0x1;
	p0 =	seq.s32 s7, s2  }
0x1e: {  	s7 =	smul.u32 @!p0 $0xF7A, s2;
	p2 =	seq.s32 @!p0 s5, $0x0  }
0x1f: {  	s9 =	smul.u32 $0xF7A, s1;
	s8 =	simm.s32 @!p0 $0x1BF5;
	p2 =	por !p2, p0  }
0x20: {  	[sflag:s8] =	ssyncset.s32 @!p0 $0xFFFFF086;
	s6 =	sadd.s32 @!p0 s3, s7;
	s7 =	simm.s32 @!p0 $0x108  }
0x21: {  	s3 =	sadd.s32 s3, s9;
	s6 =	sadd.s32 @!p0 $0x88, s6;
	s7 =	simm.s32 @p2 $0x1082  }
0x22: {  	[simem:s7], [sflag:s8] =	dma.local @!p0 [hbm:s6], $0xF7A  }
0x23: {  	s9 =	sor.u32 $0xD0000000, s2;
	s6 =	simm.s32 $0x108;
	_ =	swait.ge @!p0 [sflag:s8], $0x0  }
0x24: {  	s3 =	sadd.s32 $0x88, s3;
	s6 =	simm.s32 @!p1 $0x1082;
	[sflag:s4] =	ssyncset.s32 $0xFFFFF086  }
0x25: {  	[simem:s6], [sflag:s4] =	dma.local [hbm:s3], $0xF7A  }
0x26: {  	[smem:$0x3F8D] =	sst s1;
	(tag) =	ssettag s2;
	_ =	strace s9  }
0x27: {  	s1 =	sld [smem:$0x3F9D]  }
0x28: {  	s2 =	sld [smem:$0x3F9E]  }
0x29: {  	s4 =	sld [smem:$0x3FA0]  }
0x2a: {  	p0 =	seq.s32 s5, $0x0;
	s5 =	sld [smem:$0x3FA1]  }
0x2b: {  	s6 =	sld [smem:$0x3FA2]  }
0x2c: {  	s7 =	sld [smem:$0x3FA3]  }
0x2d: {  	s3 =	simm.s32 $0x108;
	s8 =	sld [smem:$0x3FA4]  }
0x2e: {  	s3 =	simm.s32 @!p0 $0x1082;
	s9 =	sld [smem:$0x3FA5]  }
0x2f: {  	lr =	sadd.s32 s0, s3;
	s0 =	sld [smem:$0x3F9C]  }
0x30: {  	s3 =	sld [smem:$0x3F9F]  }
0x31: {  	[smem:$0x3FA8] =	sst s10  }
0x32: {  	s10 =	sld [smem:$0x3FA6];
	_ =	sdelay $0x3  }
0x33: {  	p0 =	seq.s32 s10, $0x1;
	s10 =	sld [smem:$0x3FA8];
	_ =	sdelay $0x3  }
0x34: {  	[smem:$0x3FA8] =	sst s10  }
0x35: {  	s10 =	sld [smem:$0x3FA7];
	_ =	sdelay $0x3  }
0x36: {  	p1 =	seq.s32 s10, $0x1;
	s10 =	sld [smem:$0x3FA8];
	_ =	sdelay $0x3  }
0x37: {  	[smem:$0x3FA8] =	sst s10  }
0x38: {  	s10 =	sld [smem:$0x3FA9]  }
0x39: {  	_ = 	snop;
	(pc) =	sbr.ind lr, $3  }
0x3a: {  	_ = 	snop  }
0x3b: {  	_ = 	snop  }
0x3c: {  	p2 =	seq.s32 s10, $0x1;
	s10 =	sld [smem:$0x3FA8]  }
0x3d: {  	_ =	shalt  }
0x3e: {  	_ =	shalt  }
0x3f: {  	_ =	shalt  }
0x40: {  	_ =	shalt  }
0x41: {  	_ =	shalt  }
0x42: {  	_ =	shalt  }
0x43: {  	_ =	shalt  }
0x44: {  	_ =	shalt  }
0x45: {  	_ =	shalt  }
0x46: {  	_ =	shalt  }
0x47: {  	_ =	shalt  }
0x48: {  	_ =	shalt  }
0x49: {  	_ =	shalt  }
0x4a: {  	_ =	shalt  }
0x4b: {  	_ =	shalt  }
0x4c: {  	_ =	shalt  }
0x4d: {  	_ =	shalt  }
0x4e: {  	_ =	shalt  }
0x4f: {  	_ =	shalt  }
0x50: {  	_ =	shalt  }
0x51: {  	_ =	shalt  }
0x52: {  	_ =	shalt  }
0x53: {  	_ =	shalt  }
0x54: {  	_ =	shalt  }
0x55: {  	_ =	shalt  }
0x56: {  	_ =	shalt  }
0x57: {  	_ =	shalt  }
0x58: {  	_ =	shalt  }
0x59: {  	_ =	shalt  }
0x5a: {  	_ =	shalt  }
0x5b: {  	_ =	shalt  }
0x5c: {  	_ =	shalt  }
0x5d: {  	_ =	shalt  }
0x5e: {  	_ =	shalt  }
0x5f: {  	_ =	shalt  }
0x60: {  	_ =	shalt  }
0x61: {  	_ =	shalt  }
0x62: {  	_ =	shalt  }
0x63: {  	_ =	shalt  }
0x64: {  	_ =	shalt  }
0x65: {  	_ =	shalt  }
0x66: {  	_ =	shalt  }
0x67: {  	_ =	shalt  }
0x68: {  	_ =	shalt  }
0x69: {  	_ =	shalt  }
0x6a: {  	_ =	shalt  }
0x6b: {  	_ =	shalt  }
0x6c: {  	_ =	shalt  }
0x6d: {  	_ =	shalt  }
0x6e: {  	_ =	shalt  }
0x6f: {  	_ =	shalt  }
0x70: {  	_ =	shalt  }
0x71: {  	_ =	shalt  }
0x72: {  	_ =	shalt  }
0x73: {  	_ =	shalt  }
0x74: {  	_ =	shalt  }
0x75: {  	_ =	shalt  }
0x76: {  	_ =	shalt  }
0x77: {  	_ =	shalt  }
0x78: {  	_ =	shalt  }
0x79: {  	_ =	shalt  }
0x7a: {  	_ =	shalt  }
0x7b: {  	_ =	shalt  }
0x7c: {  	_ =	shalt  }
0x7d: {  	_ =	shalt  }
0x7e: {  	_ =	shalt  }
0x7f: {  	_ =	shalt  }
0x80: {  	_ =	shalt  }
0x81: {  	_ =	shalt  }
0x82: {  	_ =	shalt  }
0x83: {  	_ =	shalt  }
0x84: {  	_ =	shalt  }
0x85: {  	_ =	shalt  }
0x86: {  	_ =	shalt  }
0x87: {  	_ =	shalt  }
.Lfunc_end0:
.L_simem_size_0:
called_computation.2_lowered:
.L_overlay_start_0:
0x88: {  	s2 =	sld [smem:$0x3FD9]  }
0x89: {  	s3 =	sld [smem:$0x3FFE];
	_ =	sdelay $0x1  }
0x8a: {  	s1 =	srdreg.scid  }
0x8b: {  	s0 =	sand.u32 $0x1, s1  }
0x8c: {  	s14 =	sshll.u32 s0, $0xA;
	s2 =	sadd.s32 s3, s2  }
0x8d: {  	s2 =	sadd.s32 s2, s14  }
0x8e: {  	[smem:$0x3FB4] =	sst s2  }
0x8f: {  	_ = 	snop  }
0x90: {  	s2 =	sld [smem:$0x3FD0];
	_ =	sdelay $0x2  }
0x91: {  	s15 =	simm.s32 $0xA;
	s4 =	simm.s32 $0x10  }
0x92: {  	[smem:s4], [sflag:s15] =	dma.local [hbm:s2], $0x1  }
0x93: {  	_ =	swait.eq [sflag:s15], $0x1  }
0x94: {  	[sflag:s15] =	ssyncset.done $0x0  }
0x95: {  	s16 =	sld [smem:$0x10];
	[sflag:s15] =	ssyncadd.s32 $0xFFFFFFFF  }
0x96: {  	s17 =	sld [smem:$0x11];
	(tm) =	ssettm $0x1  }
0x97: {  	s18 =	sld [smem:$0x3FFB];
	_ =	sdelay $0x3  }
0x98: {  	_ =	strace s18  }
0x99: {  	s4 =	sld [smem:$0x3FFC];
	_ =	sdelay $0x3  }
0x9a: {  	_ =	strace s4  }
0x9b: {  	s4 =	sld [smem:$0x3FFD];
	_ =	sdelay $0x3  }
0x9c: {  	_ =	strace s4  }
0x9d: {  	_ =	strace $0x8FFFFFFF  }
0x9e: {  	s19 =	sld [smem:$0x3FDB];
	_ =	sdelay $0x1  }
0x9f: {  	s5 =	simm.s32 $_scs_section_size  }
0xa0: {  	s6 =	simm.s32 $_size__tile_overlayer_lowered;
	s7 =	simm.s32 $_tile_overlayer_lowered  }
0xa1: {  	s22 =	simm.s32 $0x1BFF;
	s21 =	sshll.u32 s7, $0x1;
	s4 =	sadd.s32 s5, s19  }
0xa2: {  	s8 =	simm.s32 $0x0;
	s20 =	sshll.u32 s6, $0x1;
	s6 =	sadd.s32 s21, s4  }
0xa3: {  	[timem:s8], [sflag:s22] =	dma.local [hbm:s6], s20  }
0xa4: {  	_ =	swait.ge [sflag:s22], s20  }
0xa5: {  	s5 =	ssub.s32 $0x0, s20;
	[sflag:s22] =	ssyncset.done $0x0  }
0xa6: {  	[sflag:s22] =	ssyncadd.s32 s5;
	_ =	sdelay $0x1  }
0xa7: {  	s23 =	simm.s32 $0x1B8B  }
0xa8: {  	_ =	swait.ge [sflag:s23], $0x1  }
0xa9: {  	[sflag:s23] =	ssyncset.done $0x0  }
0xaa: {  	s25 =	simm.s32 $0x1B8E;
	s24 =	sld [smem:$0x3FFE];
	[sflag:s23] =	ssyncadd.s32 $0xFFFFFFFF  }
0xab: {  	s26 =	simm.s32 $execute0_lowered;
	[smem:$0x3FD2] =	sst s25  }
0xac: {  	s6 =	sshll.u32 s26, $0x1;
	_ =	strace $0x8000004C;
	[dreg:$0x1] =	wrdreg $0xFFFFFFFF  }
0xad: {  	s28 =	simm.s32 $_size_execute0_lowered;
	s4 =	sadd.s32 s4, s6;
	[dreg:$0x0] =	wrdreg $0x0  }
0xae: {  	s6 =	sshll.u32 s28, $0x1;
	[dreg:$0x2] =	wrdreg s4  }
0xaf: {  	[dreg:$0x3] =	wrdreg s6  }
0xb0: {  	[dreg:$0x4] =	wrdreg $0xC0  }
0xb1: {  	_ =	task [dreg:s8], $0x5FFFF  }
0xb2: {  	[dreg:$0x1] =	wrdreg $0xFFFFFFFF  }
0xb3: {  	[dreg:$0x0] =	wrdreg $0x60  }
0xb4: {  	[dreg:$0x2] =	wrdreg s17  }
0xb5: {  	[dreg:$0x3] =	wrdreg s16  }
0xb6: {  	[dreg:$0x4] =	wrdreg s24  }
0xb7: {  	[dreg:$0x5] =	wrdreg $0x0  }
0xb8: {  	[dreg:$0x6] =	wrdreg $0x9  }
0xb9: {  	_ =	task.clear_ibuf [dreg:s8], $0x7FFFF;
	_ =	strace $0x9000004C  }
0xba: {  	s29 =	simm.s32 $0x9;
	_ =	strace $0x8000004E  }
0xbb: {  	_ =	swait.ge [sflag:s29], $0x1  }
0xbc: {  	[sflag:s29] =	ssyncadd.s32 $0xFFFFFFFF  }
0xbd: {  	_ =	strace $0x9000004E  }
0xbe: {  	_ =	sfence  }
0xbf: {  	s30 =	sld [smem:$0x0];
	_ =	sdelay $0x2  }
0xc0: {  	s31 =	sshll.u32 s1, $0xD;
	s1 =	sshrl.u32 s1, $0x2  }
0xc1: {  	s3 =	sand.u32 $0x4000, s31;
	s1 =	sadd.s32 s1, s30  }
0xc2: {  	s0 =	sor.u32 s3, s0;
	s1 =	sshll.u32 s1, $0x11  }
0xc3: {  	s0 =	sor.u32 s1, s0  }
0xc4: {  	s0 =	sadd.s32 $0x8F2B, s0  }
0xc5: {  	[sflag:s0] =	ssyncadd.remote.s32 $0x1  }
0xc6: {  	_ =	sfence.sel $0xFFFF  }
0xc7: {  	[dreg:$0x0] =	wrdreg $0xFFFFFFFF;
	(pc) =	sbr.abs _section_cstart, $3  }
0xc8: {  	[dreg:$0x1] =	wrdreg $0xFFFFFFFF  }
0xc9: {  	_ =	task.clear_ibuf [dreg:s8], $0x2FFFF;
	_ =	strace $0x9FFFFFFF  }
0xca: {  	(tm) =	ssettm $0x7FFFFFFF  }
0xcb: {  	_ =	shalt  }
tec
execute0_lowered:
.L_overlay_start_1:
0x0: {  	(tag) =	ssettag $0x1  }
0x1: {  	s1 =	rddreg [dreg:$0x0]  }
0x2: {  	s9 =	rddreg [dreg:$0x1]  }
0x3: {  	s6 =	rddreg [dreg:$0x2]  }
0x4: {  	s2 =	rddreg [dreg:$0x3];
	s3 =	srdreg.scid  }
0x5: {  	s0 =	rddreg [dreg:$0x4];
	s7 =	sand.u32 $0x1, s3  }
0x6: {  	s4 =	simm.s32 $0x0;
	s3 =	stileid.u32;
	s8 =	smul.u32 $0x140000, s7  }
0x7: {  	s14 =	simm.s32 $0x14140;
	s15 =	simm.s32 $0x1;
	s10 =	smul.u32 $0x14000, s3  }
0x8: {  	s16 =	simm.s32 $0x140C0;
	s17 =	simm.s32 $0x0;
	s26 =	smul.u32 $0x50000, s3  }
0x9: {  	[smem:$0x7FF] =	sst s4;
	s11 =	ssub.s32 $0x2, s7;
	s7 =	smul.u32 $0x50000, s7  }
0xa: {  	s5 =	sadd.s32 $0x6000, s6;
	_ =	strace $0x8000004D;
	s12 =	smul.u32 $0x5000, s3  }
0xb: {  	s30 =	sshll.u32 s3, $0x6;
	s28 =	sshrl.u32 s11, $0x1;
	s8 =	sadd.s32 s10, s8  }
0xc: {  	s11 =	ssub.s32 s11, s28;
	s29 =	sshrl.u32 s26, $0x2;
	s31 =	sadd.s32 s12, s7  }
0xd: {  	s12 =	simm.s32 $0x14040;
	s8 =	sshrl.u32 s8, $0x3;
	s13 =	sadd.s32 s29, s2  }
0xe: {  	s10 =	sshrl.u32 s31, $0x3;
	s8 =	sadd.s32 s8, s6;
	s6 =	sor.u32 $0x1C02, s30  }
0xf: {  	s9 =	sadd.s32 s10, s9;
	s10 =	sshrl.u32 s13, $0x3;
	s13 =	simm.s32 $0x80  }
0x10: {  	s7 =	sadd.s32 $0x8800, s8;
	s8 =	smax.u32 s11, $0x1;
	s11 =	simm.s32 $0x2  }
.LBB2_1:
0x11: {  	[spmem:s10], [sflag:s6] =	dma.local [hbm:s5], $0x2800  }
0x12: {  	_ =	swait.ge [sflag:s11], $0x2800  }
0x13: {  	[sflag:s11] =	ssyncset.done $0x0  }
0x14: {  	[sflag:s11] =	ssyncadd.s32 $0xFFFFD800  }
0x15: {  	s18 =	sadd.s32 $0x0, s9;
	[bflag:$0x0] =	sbarrier.arrive $0xFFFF  }
0x16: {  	[tilespmem:s12], [sflag:$0x2] =	stream.linear.gather [hbm4b:s18+s4], $0x100, $0x38;
	[tilespmem:$0x18140] =	vst v63  }
0x17: {  	_ =	swait.ge [sflag:s11], $0x100  }
0x18: {  	[sflag:s11] =	ssyncset.done $0x0  }
0x19: {  	[sflag:s11] =	ssyncadd.s32 $0xFFFFFF00  }
0x1a: {  	[tilespmem:s14], [sflag:$0x1] =	stream.indirect.gather [hbm4b:s1+s13], $0x80, s12, s13, $0xb8;
	[tilespmem:$0x18140] =	vst v63  }
0x1b: {  	_ =	swait.ge [sflag:s15], $0x4000  }
0x1c: {  	[sflag:s15] =	ssyncset.done $0x0  }
0x1d: {  	[sflag:s15] =	ssyncadd.s32 $0xFFFFC000  }
0x1e: {  	[spmem:s2] =	stream.indirect.scatter.add.f32 [tilespmem:s14], [sflag:$0x2], $0x80, s16, s13, $0xb8;
	[tilespmem:$0x18140] =	vst v63  }
0x1f: {  	_ =	swait.ge [sflag:s11], $0x4000  }
0x20: {  	s19 =	simm.s32 $0x40;
	s18 =	simm.s32 $0x20;
	[sflag:s11] =	ssyncset.done $0x0  }
.LBB2_2:
0x21: {  	s20 =	sadd.s32 s18, s9  }
0x22: {  	[sflag:s11] =	ssyncadd.s32 $0xFFFFC000;
	s18 =	smov.u32 s19;
	s21 =	sadd.s32 $0x20, s19  }
0x23: {  	[tilespmem:s12], [sflag:$0x2] =	stream.linear.gather [hbm4b:s20+s4], $0x100, $0x38;
	[tilespmem:$0x18140] =	vst v63  }
0x24: {  	p0 =	sne.s32 s19, $0x9E0;
	_ =	swait.ge [sflag:s11], $0x100  }
0x25: {  	[sflag:s11] =	ssyncset.done $0x0  }
0x26: {  	[sflag:s11] =	ssyncadd.s32 $0xFFFFFF00  }
0x27: {  	[tilespmem:s14], [sflag:$0x1] =	stream.indirect.gather [hbm4b:s1+s13], $0x80, s12, s13, $0xb8;
	[tilespmem:$0x18140] =	vst v63  }
0x28: {  	_ =	swait.ge [sflag:s15], $0x4000  }
.Ltmp0:
0x29: {  	[sflag:s15] =	ssyncset.done $0x0;
	(pc) =	sbr.rel @p0 .LBB2_2-.Ltmp0, $4  }
0x2a: {  	[sflag:s15] =	ssyncadd.s32 $0xFFFFC000  }
0x2b: {  	[spmem:s2] =	stream.indirect.scatter.add.f32 [tilespmem:s14], [sflag:$0x2], $0x80, s16, s13, $0xb8;
	[tilespmem:$0x18140] =	vst v63  }
0x2c: {  	_ =	swait.ge [sflag:s11], $0x4000  }
0x2d: {  	s19 =	smov.u32 s21;
	[sflag:s11] =	ssyncset.done $0x0  }
0x2e: {  	s18 =	sadd.s32 s18, s9;
	[sflag:s11] =	ssyncadd.s32 $0xFFFFC000  }
0x2f: {  	[tilespmem:s12], [sflag:$0x2] =	stream.linear.gather [hbm4b:s18+s4], $0x100, $0x38;
	[tilespmem:$0x18140] =	vst v63  }
0x30: {  	_ =	swait.ge [sflag:s11], $0x100  }
0x31: {  	[sflag:s11] =	ssyncset.done $0x0  }
0x32: {  	[sflag:s11] =	ssyncadd.s32 $0xFFFFFF00  }
0x33: {  	[tilespmem:s14], [sflag:$0x1] =	stream.indirect.gather [hbm4b:s1+s13], $0x80, s12, s13, $0xb8;
	[tilespmem:$0x18140] =	vst v63  }
0x34: {  	_ =	swait.ge [sflag:s15], $0x4000  }
0x35: {  	[sflag:s15] =	ssyncset.done $0x0  }
0x36: {  	[sflag:s15] =	ssyncadd.s32 $0xFFFFC000  }
0x37: {  	[spmem:s2] =	stream.indirect.scatter.add.f32 [tilespmem:s14], [sflag:$0x2], $0x80, s16, s13, $0xb8;
	[tilespmem:$0x18140] =	vst v63  }
0x38: {  	_ =	swait.ge [sflag:s11], $0x4000  }
0x39: {  	s17 =	sadd.s32 $0x1, s17;
	[sflag:s11] =	ssyncset.done $0x0  }
0x3a: {  	p0 =	sne.s32 s17, s8;
	[sflag:s11] =	ssyncadd.s32 $0xFFFFC000  }
.Ltmp1:
0x3b: {  	[bflag:$0x0] =	sbarrier.arrive $0xFFFF;
	(pc) =	sbr.rel @p0 .LBB2_1-.Ltmp1, $4  }
0x3c: {  	[hbm:s7], [sflag:s6] =	dma.local [spmem:s10], $0x2800  }
0x3d: {  	_ =	swait.ge [sflag:s11], $0x2800  }
0x3e: {  	[sflag:s11] =	ssyncset.done $0x0  }
0x3f: {  	[sflag:s11] =	ssyncadd.s32 $0xFFFFD800  }
0x40: {  	_ =	sfence.sel $0x180000  }
0x41: {  	[bflag:$0x0] =	sbarrier.arrive $0xFFFF  }
0x42: {  	p0 =	sne.s32 s3, $0x0;
	_ =	strace $0x9000004D  }
0x43: {  	s0 =	sadd.s32 @!p0 $0x100000, s0;
	[bflag:$0x2] =	sbarrier.arrive $0xFFFF  }
0x44: {  	[sflag:s0] =	ssyncadd.tile.s32 @!p0 $0x1;
	_ =	shalt  }
.Lfunc_end2:
_tile_overlayer_lowered:
.L_overlay_start_2:
0x45: {  	(tag) =	ssettag $0x2  }
0x46: {  	s0 =	rddreg [dreg:$0x0];
	s2 =	stileid.u32  }
0x47: {  	s1 =	rddreg [dreg:$0x1];
	p0 =	sne.s32 s2, $0x0  }
0x48: {  	s3 =	rddreg [dreg:$0x2];
	[bflag:$0x3] =	sbarrier.arrive $0xFFFF;
	s2 =	simm.s32 @!p0 $0x1C02  }
0x49: {  	[timem:s3], [sflag:s2] =	dma.local @!p0 [hbm:s0], s1  }
0x4a: {  	s0 =	simm.s32 @!p0 $0x2  }
0x4b: {  	_ =	swait.ge @!p0 [sflag:s0], s1  }
0x4c: {  	s1 =	ssub.s32 @!p0 $0x0, s1;
	[sflag:s0] =	ssyncset.done @!p0 $0x0  }
0x4d: {  	[sflag:s0] =	ssyncadd.s32 @!p0 s1  }
0x4e: {  	[bflag:$0x3] =	sbarrier.arrive $0xFFFF  }
0x4f: {  	_ =	shalt  }

// kernel: kernel.24.cloned.1.call-start
scs
__scs_entry_jumppad:
0x0: {  	(pc) =	sbr.rel $0x88, $3  }
0x1: {  	(tag) =	ssettag $0x0;
	lr =	simm.s32 $0x1  }
0x2: {  	[smem:$0x3F8D] =	sst lr;
	_ =	strace $0xD0000000  }
0x3: {  	_ = 	snop  }
0x4: {  	_ = 	snop  }
0x5: {  	_ = 	snop  }
0x6: {  	_ = 	snop  }
0x7: {  	_ = 	snop  }
__scs_overlays_trampoline_lowered:
0x8: {  	[smem:$0x3F9C] =	sst s0  }
0x9: {  	[smem:$0x3F9D] =	sst s1  }
0xa: {  	[smem:$0x3F9E] =	sst s2  }
0xb: {  	[smem:$0x3F9F] =	sst s3  }
0xc: {  	[smem:$0x3FA0] =	sst s4  }
0xd: {  	[smem:$0x3FA1] =	sst s5  }
0xe: {  	[smem:$0x3FA2] =	sst s6  }
0xf: {  	[smem:$0x3FA3] =	sst s7  }
0x10: {  	[smem:$0x3FA4] =	sst s8  }
0x11: {  	[smem:$0x3FA5] =	sst s9;
	s0 =	simm.s32 @!p0 $0x0  }
0x12: {  	s1 =	sld [smem:$0x3F8B];
	s0 =	simm.s32 @p0 $0x1  }
0x13: {  	[smem:$0x3FA6] =	sst s0;
	s0 =	simm.s32 @!p1 $0x0  }
0x14: {  	s2 =	sld [smem:$0x3F8A];
	s0 =	simm.s32 @p1 $0x1  }
0x15: {  	[smem:$0x3FA7] =	sst s0;
	s0 =	simm.s32 @!p2 $0x0  }
0x16: {  	s3 =	sld [smem:$0x3FDB];
	s0 =	simm.s32 @p2 $0x1  }
0x17: {  	s4 =	simm.s32 $0x1BF5;
	[smem:$0x3FA9] =	sst s0  }
0x18: {  	s0 =	sld [smem:$0x3F8C];
	_ =	swait.ge [sflag:s4], $0x0  }
0x19: {  	s7 =	sld [smem:$0x3F8D]  }
0x1a: {  	s8 =	sadd.s32 $0xFFFFE003, lr  }
0x1b: {  	s9 =	sadd.s32 $0xFFFFFEF7, lr;
	s5 =	simm.s32 $0xFFFFFFFF;
	p2 =	slt.u32 s8, $0xFFFFF086  }
0x1c: {  	p1 =	slt.u32 s9, $0xF7A;
	s5 =	simm.s32 @!p2 $0x0  }
0x1d: {  	s5 =	simm.s32 @p1 $0x1;
	p0 =	seq.s32 s7, s2  }
0x1e: {  	s7 =	smul.u32 @!p0 $0xF7A, s2;
	p2 =	seq.s32 @!p0 s5, $0x0  }
0x1f: {  	s9 =	smul.u32 $0xF7A, s1;
	s8 =	simm.s32 @!p0 $0x1BF5;
	p2 =	por !p2, p0  }
0x20: {  	[sflag:s8] =	ssyncset.s32 @!p0 $0xFFFFF086;
	s6 =	sadd.s32 @!p0 s3, s7;
	s7 =	simm.s32 @!p0 $0x108  }
0x21: {  	s3 =	sadd.s32 s3, s9;
	s6 =	sadd.s32 @!p0 $0x88, s6;
	s7 =	simm.s32 @p2 $0x1082  }
0x22: {  	[simem:s7], [sflag:s8] =	dma.local @!p0 [hbm:s6], $0xF7A  }
0x23: {  	s9 =	sor.u32 $0xD0000000, s2;
	s6 =	simm.s32 $0x108;
	_ =	swait.ge @!p0 [sflag:s8], $0x0  }
0x24: {  	s3 =	sadd.s32 $0x88, s3;
	s6 =	simm.s32 @!p1 $0x1082;
	[sflag:s4] =	ssyncset.s32 $0xFFFFF086  }
0x25: {  	[simem:s6], [sflag:s4] =	dma.local [hbm:s3], $0xF7A  }
0x26: {  	[smem:$0x3F8D] =	sst s1;
	(tag) =	ssettag s2;
	_ =	strace s9  }
0x27: {  	s1 =	sld [smem:$0x3F9D]  }
0x28: {  	s2 =	sld [smem:$0x3F9E]  }
0x29: {  	s4 =	sld [smem:$0x3FA0]  }
0x2a: {  	p0 =	seq.s32 s5, $0x0;
	s5 =	sld [smem:$0x3FA1]  }
0x2b: {  	s6 =	sld [smem:$0x3FA2]  }
0x2c: {  	s7 =	sld [smem:$0x3FA3]  }
0x2d: {  	s3 =	simm.s32 $0x108;
	s8 =	sld [smem:$0x3FA4]  }
0x2e: {  	s3 =	simm.s32 @!p0 $0x1082;
	s9 =	sld [smem:$0x3FA5]  }
0x2f: {  	lr =	sadd.s32 s0, s3;
	s0 =	sld [smem:$0x3F9C]  }
0x30: {  	s3 =	sld [smem:$0x3F9F]  }
0x31: {  	[smem:$0x3FA8] =	sst s10  }
0x32: {  	s10 =	sld [smem:$0x3FA6];
	_ =	sdelay $0x3  }
0x33: {  	p0 =	seq.s32 s10, $0x1;
	s10 =	sld [smem:$0x3FA8];
	_ =	sdelay $0x3  }
0x34: {  	[smem:$0x3FA8] =	sst s10  }
0x35: {  	s10 =	sld [smem:$0x3FA7];
	_ =	sdelay $0x3  }
0x36: {  	p1 =	seq.s32 s10, $0x1;
	s10 =	sld [smem:$0x3FA8];
	_ =	sdelay $0x3  }
0x37: {  	[smem:$0x3FA8] =	sst s10  }
0x38: {  	s10 =	sld [smem:$0x3FA9]  }
0x39: {  	_ = 	snop;
	(pc) =	sbr.ind lr, $3  }
0x3a: {  	_ = 	snop  }
0x3b: {  	_ = 	snop  }
0x3c: {  	p2 =	seq.s32 s10, $0x1;
	s10 =	sld [smem:$0x3FA8]  }
0x3d: {  	_ =	shalt  }
0x3e: {  	_ =	shalt  }
0x3f: {  	_ =	shalt  }
0x40: {  	_ =	shalt  }
0x41: {  	_ =	shalt  }
0x42: {  	_ =	shalt  }
0x43: {  	_ =	shalt  }
0x44: {  	_ =	shalt  }
0x45: {  	_ =	shalt  }
0x46: {  	_ =	shalt  }
0x47: {  	_ =	shalt  }
0x48: {  	_ =	shalt  }
0x49: {  	_ =	shalt  }
0x4a: {  	_ =	shalt  }
0x4b: {  	_ =	shalt  }
0x4c: {  	_ =	shalt  }
0x4d: {  	_ =	shalt  }
0x4e: {  	_ =	shalt  }
0x4f: {  	_ =	shalt  }
0x50: {  	_ =	shalt  }
0x51: {  	_ =	shalt  }
0x52: {  	_ =	shalt  }
0x53: {  	_ =	shalt  }
0x54: {  	_ =	shalt  }
0x55: {  	_ =	shalt  }
0x56: {  	_ =	shalt  }
0x57: {  	_ =	shalt  }
0x58: {  	_ =	shalt  }
0x59: {  	_ =	shalt  }
0x5a: {  	_ =	shalt  }
0x5b: {  	_ =	shalt  }
0x5c: {  	_ =	shalt  }
0x5d: {  	_ =	shalt  }
0x5e: {  	_ =	shalt  }
0x5f: {  	_ =	shalt  }
0x60: {  	_ =	shalt  }
0x61: {  	_ =	shalt  }
0x62: {  	_ =	shalt  }
0x63: {  	_ =	shalt  }
0x64: {  	_ =	shalt  }
0x65: {  	_ =	shalt  }
0x66: {  	_ =	shalt  }
0x67: {  	_ =	shalt  }
0x68: {  	_ =	shalt  }
0x69: {  	_ =	shalt  }
0x6a: {  	_ =	shalt  }
0x6b: {  	_ =	shalt  }
0x6c: {  	_ =	shalt  }
0x6d: {  	_ =	shalt  }
0x6e: {  	_ =	shalt  }
0x6f: {  	_ =	shalt  }
0x70: {  	_ =	shalt  }
0x71: {  	_ =	shalt  }
0x72: {  	_ =	shalt  }
0x73: {  	_ =	shalt  }
0x74: {  	_ =	shalt  }
0x75: {  	_ =	shalt  }
0x76: {  	_ =	shalt  }
0x77: {  	_ =	shalt  }
0x78: {  	_ =	shalt  }
0x79: {  	_ =	shalt  }
0x7a: {  	_ =	shalt  }
0x7b: {  	_ =	shalt  }
0x7c: {  	_ =	shalt  }
0x7d: {  	_ =	shalt  }
0x7e: {  	_ =	shalt  }
0x7f: {  	_ =	shalt  }
0x80: {  	_ =	shalt  }
0x81: {  	_ =	shalt  }
0x82: {  	_ =	shalt  }
0x83: {  	_ =	shalt  }
0x84: {  	_ =	shalt  }
0x85: {  	_ =	shalt  }
0x86: {  	_ =	shalt  }
0x87: {  	_ =	shalt  }
.Lfunc_end0:
.L_simem_size_0:
called_computation.3_lowered:
.L_overlay_start_0:
0x88: {  	s2 =	sld [smem:$0x3FD9]  }
0x89: {  	s3 =	sld [smem:$0x3FFE];
	_ =	sdelay $0x1  }
0x8a: {  	s1 =	srdreg.scid  }
0x8b: {  	s0 =	sand.u32 $0x1, s1  }
0x8c: {  	s14 =	sshll.u32 s0, $0xA;
	s2 =	sadd.s32 s3, s2  }
0x8d: {  	s2 =	sadd.s32 s2, s14  }
0x8e: {  	[smem:$0x3FB4] =	sst s2  }
0x8f: {  	_ = 	snop  }
0x90: {  	s2 =	sld [smem:$0x3FD0];
	_ =	sdelay $0x2  }
0x91: {  	s15 =	simm.s32 $0xA;
	s4 =	simm.s32 $0x10  }
0x92: {  	[smem:s4], [sflag:s15] =	dma.local [hbm:s2], $0x1  }
0x93: {  	_ =	swait.eq [sflag:s15], $0x1  }
0x94: {  	[sflag:s15] =	ssyncset.done $0x0  }
0x95: {  	[sflag:s15] =	ssyncadd.s32 $0xFFFFFFFF  }
0x96: {  	s16 =	sld [smem:$0x11];
	(tm) =	ssettm $0x1  }
0x97: {  	s17 =	sld [smem:$0x3FFB];
	_ =	sdelay $0x3  }
0x98: {  	_ =	strace s17  }
0x99: {  	s3 =	sld [smem:$0x3FFC];
	_ =	sdelay $0x3  }
0x9a: {  	_ =	strace s3  }
0x9b: {  	s3 =	sld [smem:$0x3FFD];
	_ =	sdelay $0x3  }
0x9c: {  	_ =	strace s3  }
0x9d: {  	_ =	strace $0x8FFFFFFF  }
0x9e: {  	s18 =	sld [smem:$0x3FDB];
	_ =	sdelay $0x1  }
0x9f: {  	s19 =	simm.s32 $_scs_section_size  }
0xa0: {  	s5 =	simm.s32 $_size__tile_overlayer_lowered;
	s6 =	simm.s32 $_tile_overlayer_lowered  }
0xa1: {  	s22 =	simm.s32 $0x1BFF;
	s21 =	sshll.u32 s6, $0x1;
	s3 =	sadd.s32 s19, s18  }
0xa2: {  	s7 =	simm.s32 $0x0;
	s20 =	sshll.u32 s5, $0x1;
	s5 =	sadd.s32 s21, s3  }
0xa3: {  	[timem:s7], [sflag:s22] =	dma.local [hbm:s5], s20  }
0xa4: {  	_ =	swait.ge [sflag:s22], s20  }
0xa5: {  	s4 =	ssub.s32 $0x0, s20;
	[sflag:s22] =	ssyncset.done $0x0  }
0xa6: {  	[sflag:s22] =	ssyncadd.s32 s4;
	_ =	sdelay $0x1  }
0xa7: {  	s23 =	simm.s32 $0x1B8B  }
0xa8: {  	_ =	swait.ge [sflag:s23], $0x1  }
0xa9: {  	[sflag:s23] =	ssyncset.done $0x0  }
0xaa: {  	s25 =	simm.s32 $0x1B8E;
	s24 =	sld [smem:$0x3FFE];
	[sflag:s23] =	ssyncadd.s32 $0xFFFFFFFF  }
0xab: {  	s26 =	simm.s32 $execute0_lowered;
	[smem:$0x3FD2] =	sst s25  }
0xac: {  	s5 =	sshll.u32 s26, $0x1;
	_ =	strace $0x8000004F;
	[dreg:$0x1] =	wrdreg $0xFFFFFFFF  }
0xad: {  	s28 =	simm.s32 $_size_execute0_lowered;
	s3 =	sadd.s32 s3, s5;
	[dreg:$0x0] =	wrdreg $0x0  }
0xae: {  	s5 =	sshll.u32 s28, $0x1;
	[dreg:$0x2] =	wrdreg s3  }
0xaf: {  	[dreg:$0x3] =	wrdreg s5  }
0xb0: {  	[dreg:$0x4] =	wrdreg $0xC0  }
0xb1: {  	_ =	task [dreg:s7], $0x5FFFF  }
0xb2: {  	[dreg:$0x1] =	wrdreg $0xFFFFFFFF  }
0xb3: {  	[dreg:$0x0] =	wrdreg $0x60  }
0xb4: {  	[dreg:$0x2] =	wrdreg s16  }
0xb5: {  	[dreg:$0x3] =	wrdreg s24  }
0xb6: {  	[dreg:$0x4] =	wrdreg $0x0  }
0xb7: {  	[dreg:$0x5] =	wrdreg $0x9  }
0xb8: {  	_ =	task.clear_ibuf [dreg:s7], $0x6FFFF;
	_ =	strace $0x9000004F  }
0xb9: {  	s29 =	simm.s32 $0x9;
	_ =	strace $0x80000051  }
0xba: {  	_ =	swait.ge [sflag:s29], $0x1  }
0xbb: {  	[sflag:s29] =	ssyncadd.s32 $0xFFFFFFFF  }
0xbc: {  	_ =	strace $0x90000051  }
0xbd: {  	_ =	sfence  }
0xbe: {  	s30 =	sld [smem:$0x0];
	_ =	sdelay $0x2  }
0xbf: {  	s31 =	sshll.u32 s1, $0xD;
	s1 =	sshrl.u32 s1, $0x2  }
0xc0: {  	s3 =	sand.u32 $0x4000, s31;
	s1 =	sadd.s32 s1, s30  }
0xc1: {  	s0 =	sor.u32 s3, s0;
	s1 =	sshll.u32 s1, $0x11  }
0xc2: {  	s0 =	sor.u32 s1, s0  }
0xc3: {  	s0 =	sadd.s32 $0x8F2B, s0  }
0xc4: {  	[sflag:s0] =	ssyncadd.remote.s32 $0x1  }
0xc5: {  	_ =	sfence.sel $0xFFFF  }
0xc6: {  	[dreg:$0x0] =	wrdreg $0xFFFFFFFF;
	(pc) =	sbr.abs _section_cstart, $3  }
0xc7: {  	[dreg:$0x1] =	wrdreg $0xFFFFFFFF  }
0xc8: {  	_ =	task.clear_ibuf [dreg:s7], $0x2FFFF;
	_ =	strace $0x9FFFFFFF  }
0xc9: {  	(tm) =	ssettm $0x7FFFFFFF  }
tec
execute0_lowered:
.L_overlay_start_1:
0x0: {  	(tag) =	ssettag $0x1  }
0x1: {  	s1 =	rddreg [dreg:$0x0]  }
0x2: {  	s6 =	rddreg [dreg:$0x1]  }
0x3: {  	s0 =	srdreg.scid;
	s3 =	rddreg [dreg:$0x2]  }
0x4: {  	s2 =	rddreg [dreg:$0x3];
	s4 =	simm.s32 $0x0;
	s7 =	sand.u32 $0x1, s0  }
0x5: {  	s13 =	simm.s32 $0x80;
	s0 =	stileid.u32;
	s5 =	smul.u32 $0x50000, s7  }
0x6: {  	s14 =	simm.s32 $0x14140;
	s15 =	simm.s32 $0x1;
	s8 =	smul.u32 $0x5000, s0  }
0x7: {  	s16 =	simm.s32 $0x140C0;
	[smem:$0x7FF] =	sst s4;
	s9 =	smul.u32 $0x140000, s7  }
0x8: {  	s17 =	simm.s32 $0x0;
	s28 =	smul.u32 $0x14000, s0;
	_ =	strace $0x80000050  }
0x9: {  	s29 =	smul.u32 $0x50000, s0;
	s7 =	ssub.s32 $0x2, s7;
	s31 =	sshll.u32 s0, $0x6  }
0xa: {  	s30 =	sshrl.u32 s7, $0x1;
	s5 =	sadd.s32 s8, s5;
	s8 =	sadd.s32 s28, s9  }
0xb: {  	s9 =	sshrl.u32 s29, $0x2;
	s11 =	ssub.s32 s7, s30;
	s5 =	sshrl.u32 s5, $0x3  }
0xc: {  	s8 =	sshrl.u32 s8, $0x3;
	s12 =	sadd.s32 s9, s3;
	s10 =	sadd.s32 s5, s6  }
0xd: {  	s5 =	sadd.s32 $0x6000, s6;
	s8 =	sadd.s32 s8, s6;
	s6 =	sor.u32 $0x1C02, s31  }
0xe: {  	s7 =	sadd.s32 $0x8800, s8;
	s8 =	smax.u32 s11, $0x1;
	s9 =	sadd.s32 $0x58800, s10  }
0xf: {  	s10 =	sshrl.u32 s12, $0x3;
	s11 =	simm.s32 $0x2;
	s12 =	simm.s32 $0x14040  }
.LBB2_1:
0x10: {  	[spmem:s10], [sflag:s6] =	dma.local [hbm:s5], $0x2800  }
0x11: {  	_ =	swait.ge [sflag:s11], $0x2800  }
0x12: {  	[sflag:s11] =	ssyncset.done $0x0  }
0x13: {  	[sflag:s11] =	ssyncadd.s32 $0xFFFFD800  }
0x14: {  	s18 =	sadd.s32 $0x0, s9;
	[bflag:$0x0] =	sbarrier.arrive $0xFFFF  }
0x15: {  	[tilespmem:s12], [sflag:$0x2] =	stream.linear.gather [hbm4b:s18+s4], $0x100, $0x38;
	[tilespmem:$0x18140] =	vst v63  }
0x16: {  	_ =	swait.ge [sflag:s11], $0x100  }
0x17: {  	[sflag:s11] =	ssyncset.done $0x0  }
0x18: {  	[sflag:s11] =	ssyncadd.s32 $0xFFFFFF00  }
0x19: {  	[tilespmem:s14], [sflag:$0x1] =	stream.indirect.gather [hbm4b:s1+s13], $0x80, s12, s13, $0xb8;
	[tilespmem:$0x18140] =	vst v63  }
0x1a: {  	_ =	swait.ge [sflag:s15], $0x4000  }
0x1b: {  	[sflag:s15] =	ssyncset.done $0x0  }
0x1c: {  	[sflag:s15] =	ssyncadd.s32 $0xFFFFC000  }
0x1d: {  	[spmem:s3] =	stream.indirect.scatter.add.f32 [tilespmem:s14], [sflag:$0x2], $0x80, s16, s13, $0xb8;
	[tilespmem:$0x18140] =	vst v63  }
0x1e: {  	_ =	swait.ge [sflag:s11], $0x4000  }
0x1f: {  	s19 =	simm.s32 $0x40;
	s18 =	simm.s32 $0x20;
	[sflag:s11] =	ssyncset.done $0x0  }
.LBB2_2:
0x20: {  	s20 =	sadd.s32 s18, s9  }
0x21: {  	[sflag:s11] =	ssyncadd.s32 $0xFFFFC000;
	s18 =	smov.u32 s19;
	s21 =	sadd.s32 $0x20, s19  }
0x22: {  	[tilespmem:s12], [sflag:$0x2] =	stream.linear.gather [hbm4b:s20+s4], $0x100, $0x38;
	[tilespmem:$0x18140] =	vst v63  }
0x23: {  	p0 =	sne.s32 s19, $0x9E0;
	_ =	swait.ge [sflag:s11], $0x100  }
0x24: {  	[sflag:s11] =	ssyncset.done $0x0  }
0x25: {  	[sflag:s11] =	ssyncadd.s32 $0xFFFFFF00  }
0x26: {  	[tilespmem:s14], [sflag:$0x1] =	stream.indirect.gather [hbm4b:s1+s13], $0x80, s12, s13, $0xb8;
	[tilespmem:$0x18140] =	vst v63  }
0x27: {  	_ =	swait.ge [sflag:s15], $0x4000  }
.Ltmp0:
0x28: {  	[sflag:s15] =	ssyncset.done $0x0;
	(pc) =	sbr.rel @p0 .LBB2_2-.Ltmp0, $4  }
0x29: {  	[sflag:s15] =	ssyncadd.s32 $0xFFFFC000  }
0x2a: {  	[spmem:s3] =	stream.indirect.scatter.add.f32 [tilespmem:s14], [sflag:$0x2], $0x80, s16, s13, $0xb8;
	[tilespmem:$0x18140] =	vst v63  }
0x2b: {  	_ =	swait.ge [sflag:s11], $0x4000  }
0x2c: {  	s19 =	smov.u32 s21;
	[sflag:s11] =	ssyncset.done $0x0  }
0x2d: {  	s18 =	sadd.s32 s18, s9;
	[sflag:s11] =	ssyncadd.s32 $0xFFFFC000  }
0x2e: {  	[tilespmem:s12], [sflag:$0x2] =	stream.linear.gather [hbm4b:s18+s4], $0x100, $0x38;
	[tilespmem:$0x18140] =	vst v63  }
0x2f: {  	_ =	swait.ge [sflag:s11], $0x100  }
0x30: {  	[sflag:s11] =	ssyncset.done $0x0  }
0x31: {  	[sflag:s11] =	ssyncadd.s32 $0xFFFFFF00  }
0x32: {  	[tilespmem:s14], [sflag:$0x1] =	stream.indirect.gather [hbm4b:s1+s13], $0x80, s12, s13, $0xb8;
	[tilespmem:$0x18140] =	vst v63  }
0x33: {  	_ =	swait.ge [sflag:s15], $0x4000  }
0x34: {  	[sflag:s15] =	ssyncset.done $0x0  }
0x35: {  	[sflag:s15] =	ssyncadd.s32 $0xFFFFC000  }
0x36: {  	[spmem:s3] =	stream.indirect.scatter.add.f32 [tilespmem:s14], [sflag:$0x2], $0x80, s16, s13, $0xb8;
	[tilespmem:$0x18140] =	vst v63  }
0x37: {  	_ =	swait.ge [sflag:s11], $0x4000  }
0x38: {  	s17 =	sadd.s32 $0x1, s17;
	[sflag:s11] =	ssyncset.done $0x0  }
0x39: {  	p0 =	sne.s32 s17, s8;
	[sflag:s11] =	ssyncadd.s32 $0xFFFFC000  }
.Ltmp1:
0x3a: {  	[bflag:$0x0] =	sbarrier.arrive $0xFFFF;
	(pc) =	sbr.rel @p0 .LBB2_1-.Ltmp1, $4  }
0x3b: {  	[hbm:s7], [sflag:s6] =	dma.local [spmem:s10], $0x2800  }
0x3c: {  	_ =	swait.ge [sflag:s11], $0x2800  }
0x3d: {  	[sflag:s11] =	ssyncset.done $0x0  }
0x3e: {  	[sflag:s11] =	ssyncadd.s32 $0xFFFFD800  }
0x3f: {  	_ =	sfence.sel $0x180000  }
0x40: {  	[bflag:$0x0] =	sbarrier.arrive $0xFFFF  }
0x41: {  	p0 =	sne.s32 s0, $0x0;
	_ =	strace $0x90000050  }
0x42: {  	s0 =	sadd.s32 @!p0 $0x100000, s2;
	[bflag:$0x2] =	sbarrier.arrive $0xFFFF  }
0x43: {  	[sflag:s0] =	ssyncadd.tile.s32 @!p0 $0x1;
	_ =	shalt  }
.Lfunc_end2:
_tile_overlayer_lowered:
.L_overlay_start_2:
0x44: {  	(tag) =	ssettag $0x2  }
0x45: {  	s0 =	rddreg [dreg:$0x0];
	s2 =	stileid.u32  }
0x46: {  	s1 =	rddreg [dreg:$0x1];
	p0 =	sne.s32 s2, $0x0  }
0x47: {  	s3 =	rddreg [dreg:$0x2];
	[bflag:$0x3] =	sbarrier.arrive $0xFFFF;
	s2 =	simm.s32 @!p0 $0x1C02  }
0x48: {  	[timem:s3], [sflag:s2] =	dma.local @!p0 [hbm:s0], s1  }
0x49: {  	s0 =	simm.s32 @!p0 $0x2  }
0x4a: {  	_ =	swait.ge @!p0 [sflag:s0], s1  }
0x4b: {  	s1 =	ssub.s32 @!p0 $0x0, s1;
	[sflag:s0] =	ssyncset.done @!p0 $0x0  }
0x4c: {  	[sflag:s0] =	ssyncadd.s32 @!p0 s1  }
0x4d: {  	[bflag:$0x3] =	sbarrier.arrive $0xFFFF  }
0x4e: {  	_ =	shalt  }

// kernel: kernel.27.cloned.1.call-start
scs
__scs_entry_jumppad:
0x0: {  	(pc) =	sbr.rel $0x88, $3  }
0x1: {  	(tag) =	ssettag $0x0;
	lr =	simm.s32 $0x1  }
0x2: {  	[smem:$0x3F8D] =	sst lr;
	_ =	strace $0xD0000000  }
0x3: {  	_ = 	snop  }
0x4: {  	_ = 	snop  }
0x5: {  	_ = 	snop  }
0x6: {  	_ = 	snop  }
0x7: {  	_ = 	snop  }
__scs_overlays_trampoline_lowered:
0x8: {  	[smem:$0x3F9C] =	sst s0  }
0x9: {  	[smem:$0x3F9D] =	sst s1  }
0xa: {  	[smem:$0x3F9E] =	sst s2  }
0xb: {  	[smem:$0x3F9F] =	sst s3  }
0xc: {  	[smem:$0x3FA0] =	sst s4  }
0xd: {  	[smem:$0x3FA1] =	sst s5  }
0xe: {  	[smem:$0x3FA2] =	sst s6  }
0xf: {  	[smem:$0x3FA3] =	sst s7  }
0x10: {  	[smem:$0x3FA4] =	sst s8  }
0x11: {  	[smem:$0x3FA5] =	sst s9;
	s0 =	simm.s32 @!p0 $0x0  }
0x12: {  	s1 =	sld [smem:$0x3F8B];
	s0 =	simm.s32 @p0 $0x1  }
0x13: {  	[smem:$0x3FA6] =	sst s0;
	s0 =	simm.s32 @!p1 $0x0  }
0x14: {  	s2 =	sld [smem:$0x3F8A];
	s0 =	simm.s32 @p1 $0x1  }
0x15: {  	[smem:$0x3FA7] =	sst s0;
	s0 =	simm.s32 @!p2 $0x0  }
0x16: {  	s3 =	sld [smem:$0x3FDB];
	s0 =	simm.s32 @p2 $0x1  }
0x17: {  	s4 =	simm.s32 $0x1BF5;
	[smem:$0x3FA9] =	sst s0  }
0x18: {  	s0 =	sld [smem:$0x3F8C];
	_ =	swait.ge [sflag:s4], $0x0  }
0x19: {  	s7 =	sld [smem:$0x3F8D]  }
0x1a: {  	s8 =	sadd.s32 $0xFFFFE003, lr  }
0x1b: {  	s9 =	sadd.s32 $0xFFFFFEF7, lr;
	s5 =	simm.s32 $0xFFFFFFFF;
	p2 =	slt.u32 s8, $0xFFFFF086  }
0x1c: {  	p1 =	slt.u32 s9, $0xF7A;
	s5 =	simm.s32 @!p2 $0x0  }
0x1d: {  	s5 =	simm.s32 @p1 $0x1;
	p0 =	seq.s32 s7, s2  }
0x1e: {  	s7 =	smul.u32 @!p0 $0xF7A, s2;
	p2 =	seq.s32 @!p0 s5, $0x0  }
0x1f: {  	s9 =	smul.u32 $0xF7A, s1;
	s8 =	simm.s32 @!p0 $0x1BF5;
	p2 =	por !p2, p0  }
0x20: {  	[sflag:s8] =	ssyncset.s32 @!p0 $0xFFFFF086;
	s6 =	sadd.s32 @!p0 s3, s7;
	s7 =	simm.s32 @!p0 $0x108  }
0x21: {  	s3 =	sadd.s32 s3, s9;
	s6 =	sadd.s32 @!p0 $0x88, s6;
	s7 =	simm.s32 @p2 $0x1082  }
0x22: {  	[simem:s7], [sflag:s8] =	dma.local @!p0 [hbm:s6], $0xF7A  }
0x23: {  	s9 =	sor.u32 $0xD0000000, s2;
	s6 =	simm.s32 $0x108;
	_ =	swait.ge @!p0 [sflag:s8], $0x0  }
0x24: {  	s3 =	sadd.s32 $0x88, s3;
	s6 =	simm.s32 @!p1 $0x1082;
	[sflag:s4] =	ssyncset.s32 $0xFFFFF086  }
0x25: {  	[simem:s6], [sflag:s4] =	dma.local [hbm:s3], $0xF7A  }
0x26: {  	[smem:$0x3F8D] =	sst s1;
	(tag) =	ssettag s2;
	_ =	strace s9  }
0x27: {  	s1 =	sld [smem:$0x3F9D]  }
0x28: {  	s2 =	sld [smem:$0x3F9E]  }
0x29: {  	s4 =	sld [smem:$0x3FA0]  }
0x2a: {  	p0 =	seq.s32 s5, $0x0;
	s5 =	sld [smem:$0x3FA1]  }
0x2b: {  	s6 =	sld [smem:$0x3FA2]  }
0x2c: {  	s7 =	sld [smem:$0x3FA3]  }
0x2d: {  	s3 =	simm.s32 $0x108;
	s8 =	sld [smem:$0x3FA4]  }
0x2e: {  	s3 =	simm.s32 @!p0 $0x1082;
	s9 =	sld [smem:$0x3FA5]  }
0x2f: {  	lr =	sadd.s32 s0, s3;
	s0 =	sld [smem:$0x3F9C]  }
0x30: {  	s3 =	sld [smem:$0x3F9F]  }
0x31: {  	[smem:$0x3FA8] =	sst s10  }
0x32: {  	s10 =	sld [smem:$0x3FA6];
	_ =	sdelay $0x3  }
0x33: {  	p0 =	seq.s32 s10, $0x1;
	s10 =	sld [smem:$0x3FA8];
	_ =	sdelay $0x3  }
0x34: {  	[smem:$0x3FA8] =	sst s10  }
0x35: {  	s10 =	sld [smem:$0x3FA7];
	_ =	sdelay $0x3  }
0x36: {  	p1 =	seq.s32 s10, $0x1;
	s10 =	sld [smem:$0x3FA8];
	_ =	sdelay $0x3  }
0x37: {  	[smem:$0x3FA8] =	sst s10  }
0x38: {  	s10 =	sld [smem:$0x3FA9]  }
0x39: {  	_ = 	snop;
	(pc) =	sbr.ind lr, $3  }
0x3a: {  	_ = 	snop  }
0x3b: {  	_ = 	snop  }
0x3c: {  	p2 =	seq.s32 s10, $0x1;
	s10 =	sld [smem:$0x3FA8]  }
0x3d: {  	_ =	shalt  }
0x3e: {  	_ =	shalt  }
0x3f: {  	_ =	shalt  }
0x40: {  	_ =	shalt  }
0x41: {  	_ =	shalt  }
0x42: {  	_ =	shalt  }
0x43: {  	_ =	shalt  }
0x44: {  	_ =	shalt  }
0x45: {  	_ =	shalt  }
0x46: {  	_ =	shalt  }
0x47: {  	_ =	shalt  }
0x48: {  	_ =	shalt  }
0x49: {  	_ =	shalt  }
0x4a: {  	_ =	shalt  }
0x4b: {  	_ =	shalt  }
0x4c: {  	_ =	shalt  }
0x4d: {  	_ =	shalt  }
0x4e: {  	_ =	shalt  }
0x4f: {  	_ =	shalt  }
0x50: {  	_ =	shalt  }
0x51: {  	_ =	shalt  }
0x52: {  	_ =	shalt  }
0x53: {  	_ =	shalt  }
0x54: {  	_ =	shalt  }
0x55: {  	_ =	shalt  }
0x56: {  	_ =	shalt  }
0x57: {  	_ =	shalt  }
0x58: {  	_ =	shalt  }
0x59: {  	_ =	shalt  }
0x5a: {  	_ =	shalt  }
0x5b: {  	_ =	shalt  }
0x5c: {  	_ =	shalt  }
0x5d: {  	_ =	shalt  }
0x5e: {  	_ =	shalt  }
0x5f: {  	_ =	shalt  }
0x60: {  	_ =	shalt  }
0x61: {  	_ =	shalt  }
0x62: {  	_ =	shalt  }
0x63: {  	_ =	shalt  }
0x64: {  	_ =	shalt  }
0x65: {  	_ =	shalt  }
0x66: {  	_ =	shalt  }
0x67: {  	_ =	shalt  }
0x68: {  	_ =	shalt  }
0x69: {  	_ =	shalt  }
0x6a: {  	_ =	shalt  }
0x6b: {  	_ =	shalt  }
0x6c: {  	_ =	shalt  }
0x6d: {  	_ =	shalt  }
0x6e: {  	_ =	shalt  }
0x6f: {  	_ =	shalt  }
0x70: {  	_ =	shalt  }
0x71: {  	_ =	shalt  }
0x72: {  	_ =	shalt  }
0x73: {  	_ =	shalt  }
0x74: {  	_ =	shalt  }
0x75: {  	_ =	shalt  }
0x76: {  	_ =	shalt  }
0x77: {  	_ =	shalt  }
0x78: {  	_ =	shalt  }
0x79: {  	_ =	shalt  }
0x7a: {  	_ =	shalt  }
0x7b: {  	_ =	shalt  }
0x7c: {  	_ =	shalt  }
0x7d: {  	_ =	shalt  }
0x7e: {  	_ =	shalt  }
0x7f: {  	_ =	shalt  }
0x80: {  	_ =	shalt  }
0x81: {  	_ =	shalt  }
0x82: {  	_ =	shalt  }
0x83: {  	_ =	shalt  }
0x84: {  	_ =	shalt  }
0x85: {  	_ =	shalt  }
0x86: {  	_ =	shalt  }
0x87: {  	_ =	shalt  }
.Lfunc_end0:
.L_simem_size_0:
called_computation.4_lowered:
.L_overlay_start_0:
0x88: {  	s2 =	sld [smem:$0x3FD9]  }
0x89: {  	s3 =	sld [smem:$0x3FFE];
	_ =	sdelay $0x1  }
0x8a: {  	s1 =	srdreg.scid  }
0x8b: {  	s0 =	sand.u32 $0x1, s1  }
0x8c: {  	s14 =	sshll.u32 s0, $0xA;
	s2 =	sadd.s32 s3, s2  }
0x8d: {  	s2 =	sadd.s32 s2, s14  }
0x8e: {  	[smem:$0x3FB4] =	sst s2  }
0x8f: {  	_ = 	snop  }
0x90: {  	s2 =	sld [smem:$0x3FD0];
	_ =	sdelay $0x2  }
0x91: {  	s15 =	simm.s32 $0xA;
	s4 =	simm.s32 $0x10  }
0x92: {  	[smem:s4], [sflag:s15] =	dma.local [hbm:s2], $0x1  }
0x93: {  	_ =	swait.eq [sflag:s15], $0x1  }
0x94: {  	[sflag:s15] =	ssyncset.done $0x0  }
0x95: {  	s16 =	sld [smem:$0x10];
	[sflag:s15] =	ssyncadd.s32 $0xFFFFFFFF  }
0x96: {  	s17 =	sld [smem:$0x11];
	(tm) =	ssettm $0x1  }
0x97: {  	s18 =	sld [smem:$0x3FFB];
	_ =	sdelay $0x3  }
0x98: {  	_ =	strace s18  }
0x99: {  	s4 =	sld [smem:$0x3FFC];
	_ =	sdelay $0x3  }
0x9a: {  	_ =	strace s4  }
0x9b: {  	s4 =	sld [smem:$0x3FFD];
	_ =	sdelay $0x3  }
0x9c: {  	_ =	strace s4  }
0x9d: {  	_ =	strace $0x8FFFFFFF  }
0x9e: {  	s19 =	sld [smem:$0x3FDB];
	_ =	sdelay $0x1  }
0x9f: {  	s5 =	simm.s32 $_scs_section_size  }
0xa0: {  	s6 =	simm.s32 $_size__tile_overlayer_lowered;
	s7 =	simm.s32 $_tile_overlayer_lowered  }
0xa1: {  	s22 =	simm.s32 $0x1BFF;
	s21 =	sshll.u32 s7, $0x1;
	s4 =	sadd.s32 s5, s19  }
0xa2: {  	s8 =	simm.s32 $0x0;
	s20 =	sshll.u32 s6, $0x1;
	s6 =	sadd.s32 s21, s4  }
0xa3: {  	[timem:s8], [sflag:s22] =	dma.local [hbm:s6], s20  }
0xa4: {  	_ =	swait.ge [sflag:s22], s20  }
0xa5: {  	s5 =	ssub.s32 $0x0, s20;
	[sflag:s22] =	ssyncset.done $0x0  }
0xa6: {  	[sflag:s22] =	ssyncadd.s32 s5;
	_ =	sdelay $0x1  }
0xa7: {  	s23 =	simm.s32 $0x1B8B  }
0xa8: {  	_ =	swait.ge [sflag:s23], $0x1  }
0xa9: {  	[sflag:s23] =	ssyncset.done $0x0  }
0xaa: {  	s25 =	simm.s32 $0x1B8E;
	s24 =	sld [smem:$0x3FFE];
	[sflag:s23] =	ssyncadd.s32 $0xFFFFFFFF  }
0xab: {  	s26 =	simm.s32 $execute0_lowered;
	[smem:$0x3FD2] =	sst s25  }
0xac: {  	s6 =	sshll.u32 s26, $0x1;
	_ =	strace $0x80000052;
	[dreg:$0x1] =	wrdreg $0xFFFFFFFF  }
0xad: {  	s28 =	simm.s32 $_size_execute0_lowered;
	s4 =	sadd.s32 s4, s6;
	[dreg:$0x0] =	wrdreg $0x0  }
0xae: {  	s6 =	sshll.u32 s28, $0x1;
	[dreg:$0x2] =	wrdreg s4  }
0xaf: {  	[dreg:$0x3] =	wrdreg s6  }
0xb0: {  	[dreg:$0x4] =	wrdreg $0xC0  }
0xb1: {  	_ =	task [dreg:s8], $0x5FFFF  }
0xb2: {  	[dreg:$0x1] =	wrdreg $0xFFFFFFFF  }
0xb3: {  	[dreg:$0x0] =	wrdreg $0x60  }
0xb4: {  	[dreg:$0x2] =	wrdreg s17  }
0xb5: {  	[dreg:$0x3] =	wrdreg s16  }
0xb6: {  	[dreg:$0x4] =	wrdreg s24  }
0xb7: {  	[dreg:$0x5] =	wrdreg $0x0  }
0xb8: {  	[dreg:$0x6] =	wrdreg $0x9  }
0xb9: {  	_ =	task.clear_ibuf [dreg:s8], $0x7FFFF;
	_ =	strace $0x90000052  }
0xba: {  	s29 =	simm.s32 $0x9;
	_ =	strace $0x80000054  }
0xbb: {  	_ =	swait.ge [sflag:s29], $0x1  }
0xbc: {  	[sflag:s29] =	ssyncadd.s32 $0xFFFFFFFF  }
0xbd: {  	_ =	strace $0x90000054  }
0xbe: {  	_ =	sfence  }
0xbf: {  	s30 =	sld [smem:$0x0];
	_ =	sdelay $0x2  }
0xc0: {  	s31 =	sshll.u32 s1, $0xD;
	s1 =	sshrl.u32 s1, $0x2  }
0xc1: {  	s3 =	sand.u32 $0x4000, s31;
	s1 =	sadd.s32 s1, s30  }
0xc2: {  	s0 =	sor.u32 s3, s0;
	s1 =	sshll.u32 s1, $0x11  }
0xc3: {  	s0 =	sor.u32 s1, s0  }
0xc4: {  	s0 =	sadd.s32 $0x8F2B, s0  }
0xc5: {  	[sflag:s0] =	ssyncadd.remote.s32 $0x1  }
0xc6: {  	_ =	sfence.sel $0xFFFF  }
0xc7: {  	[dreg:$0x0] =	wrdreg $0xFFFFFFFF;
	(pc) =	sbr.abs _section_cstart, $3  }
0xc8: {  	[dreg:$0x1] =	wrdreg $0xFFFFFFFF  }
0xc9: {  	_ =	task.clear_ibuf [dreg:s8], $0x2FFFF;
	_ =	strace $0x9FFFFFFF  }
0xca: {  	(tm) =	ssettm $0x7FFFFFFF  }
0xcb: {  	_ =	shalt  }
tec
execute0_lowered:
.L_overlay_start_1:
0x0: {  	(tag) =	ssettag $0x1  }
0x1: {  	s1 =	rddreg [dreg:$0x0]  }
0x2: {  	s9 =	rddreg [dreg:$0x1]  }
0x3: {  	s6 =	rddreg [dreg:$0x2]  }
0x4: {  	s2 =	rddreg [dreg:$0x3];
	s3 =	srdreg.scid  }
0x5: {  	s0 =	rddreg [dreg:$0x4];
	s7 =	sand.u32 $0x1, s3  }
0x6: {  	s4 =	simm.s32 $0x0;
	s3 =	stileid.u32;
	s8 =	smul.u32 $0x140000, s7  }
0x7: {  	s14 =	simm.s32 $0x14140;
	s15 =	simm.s32 $0x1;
	s10 =	smul.u32 $0x14000, s3  }
0x8: {  	s16 =	simm.s32 $0x140C0;
	s17 =	simm.s32 $0x0;
	s26 =	smul.u32 $0x50000, s3  }
0x9: {  	[smem:$0x7FF] =	sst s4;
	s11 =	ssub.s32 $0x2, s7;
	s7 =	smul.u32 $0x50000, s7  }
0xa: {  	s5 =	sadd.s32 $0x6000, s6;
	_ =	strace $0x80000053;
	s12 =	smul.u32 $0x5000, s3  }
0xb: {  	s30 =	sshll.u32 s3, $0x6;
	s28 =	sshrl.u32 s11, $0x1;
	s8 =	sadd.s32 s10, s8  }
0xc: {  	s11 =	ssub.s32 s11, s28;
	s29 =	sshrl.u32 s26, $0x2;
	s31 =	sadd.s32 s12, s7  }
0xd: {  	s12 =	simm.s32 $0x14040;
	s8 =	sshrl.u32 s8, $0x3;
	s13 =	sadd.s32 s29, s2  }
0xe: {  	s10 =	sshrl.u32 s31, $0x3;
	s8 =	sadd.s32 s8, s6;
	s6 =	sor.u32 $0x1C02, s30  }
0xf: {  	s9 =	sadd.s32 s10, s9;
	s10 =	sshrl.u32 s13, $0x3;
	s13 =	simm.s32 $0x80  }
0x10: {  	s7 =	sadd.s32 $0x8800, s8;
	s8 =	smax.u32 s11, $0x1;
	s11 =	simm.s32 $0x2  }
.LBB2_1:
0x11: {  	[spmem:s10], [sflag:s6] =	dma.local [hbm:s5], $0x2800  }
0x12: {  	_ =	swait.ge [sflag:s11], $0x2800  }
0x13: {  	[sflag:s11] =	ssyncset.done $0x0  }
0x14: {  	[sflag:s11] =	ssyncadd.s32 $0xFFFFD800  }
0x15: {  	s18 =	sadd.s32 $0x0, s9;
	[bflag:$0x0] =	sbarrier.arrive $0xFFFF  }
0x16: {  	[tilespmem:s12], [sflag:$0x2] =	stream.linear.gather [hbm4b:s18+s4], $0x100, $0x38;
	[tilespmem:$0x18140] =	vst v63  }
0x17: {  	_ =	swait.ge [sflag:s11], $0x100  }
0x18: {  	[sflag:s11] =	ssyncset.done $0x0  }
0x19: {  	[sflag:s11] =	ssyncadd.s32 $0xFFFFFF00  }
0x1a: {  	[tilespmem:s14], [sflag:$0x1] =	stream.indirect.gather [hbm4b:s1+s13], $0x80, s12, s13, $0xb8;
	[tilespmem:$0x18140] =	vst v63  }
0x1b: {  	_ =	swait.ge [sflag:s15], $0x4000  }
0x1c: {  	[sflag:s15] =	ssyncset.done $0x0  }
0x1d: {  	[sflag:s15] =	ssyncadd.s32 $0xFFFFC000  }
0x1e: {  	[spmem:s2] =	stream.indirect.scatter.add.f32 [tilespmem:s14], [sflag:$0x2], $0x80, s16, s13, $0xb8;
	[tilespmem:$0x18140] =	vst v63  }
0x1f: {  	_ =	swait.ge [sflag:s11], $0x4000  }
0x20: {  	s19 =	simm.s32 $0x40;
	s18 =	simm.s32 $0x20;
	[sflag:s11] =	ssyncset.done $0x0  }
.LBB2_2:
0x21: {  	s20 =	sadd.s32 s18, s9  }
0x22: {  	[sflag:s11] =	ssyncadd.s32 $0xFFFFC000;
	s18 =	smov.u32 s19;
	s21 =	sadd.s32 $0x20, s19  }
0x23: {  	[tilespmem:s12], [sflag:$0x2] =	stream.linear.gather [hbm4b:s20+s4], $0x100, $0x38;
	[tilespmem:$0x18140] =	vst v63  }
0x24: {  	p0 =	sne.s32 s19, $0x9E0;
	_ =	swait.ge [sflag:s11], $0x100  }
0x25: {  	[sflag:s11] =	ssyncset.done $0x0  }
0x26: {  	[sflag:s11] =	ssyncadd.s32 $0xFFFFFF00  }
0x27: {  	[tilespmem:s14], [sflag:$0x1] =	stream.indirect.gather [hbm4b:s1+s13], $0x80, s12, s13, $0xb8;
	[tilespmem:$0x18140] =	vst v63  }
0x28: {  	_ =	swait.ge [sflag:s15], $0x4000  }
.Ltmp0:
0x29: {  	[sflag:s15] =	ssyncset.done $0x0;
	(pc) =	sbr.rel @p0 .LBB2_2-.Ltmp0, $4  }
0x2a: {  	[sflag:s15] =	ssyncadd.s32 $0xFFFFC000  }
0x2b: {  	[spmem:s2] =	stream.indirect.scatter.add.f32 [tilespmem:s14], [sflag:$0x2], $0x80, s16, s13, $0xb8;
	[tilespmem:$0x18140] =	vst v63  }
0x2c: {  	_ =	swait.ge [sflag:s11], $0x4000  }
0x2d: {  	s19 =	smov.u32 s21;
	[sflag:s11] =	ssyncset.done $0x0  }
0x2e: {  	s18 =	sadd.s32 s18, s9;
	[sflag:s11] =	ssyncadd.s32 $0xFFFFC000  }
0x2f: {  	[tilespmem:s12], [sflag:$0x2] =	stream.linear.gather [hbm4b:s18+s4], $0x100, $0x38;
	[tilespmem:$0x18140] =	vst v63  }
0x30: {  	_ =	swait.ge [sflag:s11], $0x100  }
0x31: {  	[sflag:s11] =	ssyncset.done $0x0  }
0x32: {  	[sflag:s11] =	ssyncadd.s32 $0xFFFFFF00  }
0x33: {  	[tilespmem:s14], [sflag:$0x1] =	stream.indirect.gather [hbm4b:s1+s13], $0x80, s12, s13, $0xb8;
	[tilespmem:$0x18140] =	vst v63  }
0x34: {  	_ =	swait.ge [sflag:s15], $0x4000  }
0x35: {  	[sflag:s15] =	ssyncset.done $0x0  }
0x36: {  	[sflag:s15] =	ssyncadd.s32 $0xFFFFC000  }
0x37: {  	[spmem:s2] =	stream.indirect.scatter.add.f32 [tilespmem:s14], [sflag:$0x2], $0x80, s16, s13, $0xb8;
	[tilespmem:$0x18140] =	vst v63  }
0x38: {  	_ =	swait.ge [sflag:s11], $0x4000  }
0x39: {  	s17 =	sadd.s32 $0x1, s17;
	[sflag:s11] =	ssyncset.done $0x0  }
0x3a: {  	p0 =	sne.s32 s17, s8;
	[sflag:s11] =	ssyncadd.s32 $0xFFFFC000  }
.Ltmp1:
0x3b: {  	[bflag:$0x0] =	sbarrier.arrive $0xFFFF;
	(pc) =	sbr.rel @p0 .LBB2_1-.Ltmp1, $4  }
0x3c: {  	[hbm:s7], [sflag:s6] =	dma.local [spmem:s10], $0x2800  }
0x3d: {  	_ =	swait.ge [sflag:s11], $0x2800  }
0x3e: {  	[sflag:s11] =	ssyncset.done $0x0  }
0x3f: {  	[sflag:s11] =	ssyncadd.s32 $0xFFFFD800  }
0x40: {  	_ =	sfence.sel $0x180000  }
0x41: {  	[bflag:$0x0] =	sbarrier.arrive $0xFFFF  }
0x42: {  	p0 =	sne.s32 s3, $0x0;
	_ =	strace $0x90000053  }
0x43: {  	s0 =	sadd.s32 @!p0 $0x100000, s0;
	[bflag:$0x2] =	sbarrier.arrive $0xFFFF  }
0x44: {  	[sflag:s0] =	ssyncadd.tile.s32 @!p0 $0x1;
	_ =	shalt  }
.Lfunc_end2:
_tile_overlayer_lowered:
.L_overlay_start_2:
0x45: {  	(tag) =	ssettag $0x2  }
0x46: {  	s0 =	rddreg [dreg:$0x0];
	s2 =	stileid.u32  }
0x47: {  	s1 =	rddreg [dreg:$0x1];
	p0 =	sne.s32 s2, $0x0  }
0x48: {  	s3 =	rddreg [dreg:$0x2];
	[bflag:$0x3] =	sbarrier.arrive $0xFFFF;
	s2 =	simm.s32 @!p0 $0x1C02  }
0x49: {  	[timem:s3], [sflag:s2] =	dma.local @!p0 [hbm:s0], s1  }
0x4a: {  	s0 =	simm.s32 @!p0 $0x2  }
0x4b: {  	_ =	swait.ge @!p0 [sflag:s0], s1  }
0x4c: {  	s1 =	ssub.s32 @!p0 $0x0, s1;
	[sflag:s0] =	ssyncset.done @!p0 $0x0  }
0x4d: {  	[sflag:s0] =	ssyncadd.s32 @!p0 s1  }
0x4e: {  	[bflag:$0x3] =	sbarrier.arrive $0xFFFF  }
0x4f: {  	_ =	shalt  }

// kernel: kernel.30.cloned.1.call-start
scs
__scs_entry_jumppad:
0x0: {  	(pc) =	sbr.rel $0x88, $3  }
0x1: {  	(tag) =	ssettag $0x0;
	lr =	simm.s32 $0x1  }
0x2: {  	[smem:$0x3F8D] =	sst lr;
	_ =	strace $0xD0000000  }
0x3: {  	_ = 	snop  }
0x4: {  	_ = 	snop  }
0x5: {  	_ = 	snop  }
0x6: {  	_ = 	snop  }
0x7: {  	_ = 	snop  }
__scs_overlays_trampoline_lowered:
0x8: {  	[smem:$0x3F9C] =	sst s0  }
0x9: {  	[smem:$0x3F9D] =	sst s1  }
0xa: {  	[smem:$0x3F9E] =	sst s2  }
0xb: {  	[smem:$0x3F9F] =	sst s3  }
0xc: {  	[smem:$0x3FA0] =	sst s4  }
0xd: {  	[smem:$0x3FA1] =	sst s5  }
0xe: {  	[smem:$0x3FA2] =	sst s6  }
0xf: {  	[smem:$0x3FA3] =	sst s7  }
0x10: {  	[smem:$0x3FA4] =	sst s8  }
0x11: {  	[smem:$0x3FA5] =	sst s9;
	s0 =	simm.s32 @!p0 $0x0  }
0x12: {  	s1 =	sld [smem:$0x3F8B];
	s0 =	simm.s32 @p0 $0x1  }
0x13: {  	[smem:$0x3FA6] =	sst s0;
	s0 =	simm.s32 @!p1 $0x0  }
0x14: {  	s2 =	sld [smem:$0x3F8A];
	s0 =	simm.s32 @p1 $0x1  }
0x15: {  	[smem:$0x3FA7] =	sst s0;
	s0 =	simm.s32 @!p2 $0x0  }
0x16: {  	s3 =	sld [smem:$0x3FDB];
	s0 =	simm.s32 @p2 $0x1  }
0x17: {  	s4 =	simm.s32 $0x1BF5;
	[smem:$0x3FA9] =	sst s0  }
0x18: {  	s0 =	sld [smem:$0x3F8C];
	_ =	swait.ge [sflag:s4], $0x0  }
0x19: {  	s7 =	sld [smem:$0x3F8D]  }
0x1a: {  	s8 =	sadd.s32 $0xFFFFE003, lr  }
0x1b: {  	s9 =	sadd.s32 $0xFFFFFEF7, lr;
	s5 =	simm.s32 $0xFFFFFFFF;
	p2 =	slt.u32 s8, $0xFFFFF086  }
0x1c: {  	p1 =	slt.u32 s9, $0xF7A;
	s5 =	simm.s32 @!p2 $0x0  }
0x1d: {  	s5 =	simm.s32 @p1 $0x1;
	p0 =	seq.s32 s7, s2  }
0x1e: {  	s7 =	smul.u32 @!p0 $0xF7A, s2;
	p2 =	seq.s32 @!p0 s5, $0x0  }
0x1f: {  	s9 =	smul.u32 $0xF7A, s1;
	s8 =	simm.s32 @!p0 $0x1BF5;
	p2 =	por !p2, p0  }
0x20: {  	[sflag:s8] =	ssyncset.s32 @!p0 $0xFFFFF086;
	s6 =	sadd.s32 @!p0 s3, s7;
	s7 =	simm.s32 @!p0 $0x108  }
0x21: {  	s3 =	sadd.s32 s3, s9;
	s6 =	sadd.s32 @!p0 $0x88, s6;
	s7 =	simm.s32 @p2 $0x1082  }
0x22: {  	[simem:s7], [sflag:s8] =	dma.local @!p0 [hbm:s6], $0xF7A  }
0x23: {  	s9 =	sor.u32 $0xD0000000, s2;
	s6 =	simm.s32 $0x108;
	_ =	swait.ge @!p0 [sflag:s8], $0x0  }
0x24: {  	s3 =	sadd.s32 $0x88, s3;
	s6 =	simm.s32 @!p1 $0x1082;
	[sflag:s4] =	ssyncset.s32 $0xFFFFF086  }
0x25: {  	[simem:s6], [sflag:s4] =	dma.local [hbm:s3], $0xF7A  }
0x26: {  	[smem:$0x3F8D] =	sst s1;
	(tag) =	ssettag s2;
	_ =	strace s9  }
0x27: {  	s1 =	sld [smem:$0x3F9D]  }
0x28: {  	s2 =	sld [smem:$0x3F9E]  }
0x29: {  	s4 =	sld [smem:$0x3FA0]  }
0x2a: {  	p0 =	seq.s32 s5, $0x0;
	s5 =	sld [smem:$0x3FA1]  }
0x2b: {  	s6 =	sld [smem:$0x3FA2]  }
0x2c: {  	s7 =	sld [smem:$0x3FA3]  }
0x2d: {  	s3 =	simm.s32 $0x108;
	s8 =	sld [smem:$0x3FA4]  }
0x2e: {  	s3 =	simm.s32 @!p0 $0x1082;
	s9 =	sld [smem:$0x3FA5]  }
0x2f: {  	lr =	sadd.s32 s0, s3;
	s0 =	sld [smem:$0x3F9C]  }
0x30: {  	s3 =	sld [smem:$0x3F9F]  }
0x31: {  	[smem:$0x3FA8] =	sst s10  }
0x32: {  	s10 =	sld [smem:$0x3FA6];
	_ =	sdelay $0x3  }
0x33: {  	p0 =	seq.s32 s10, $0x1;
	s10 =	sld [smem:$0x3FA8];
	_ =	sdelay $0x3  }
0x34: {  	[smem:$0x3FA8] =	sst s10  }
0x35: {  	s10 =	sld [smem:$0x3FA7];
	_ =	sdelay $0x3  }
0x36: {  	p1 =	seq.s32 s10, $0x1;
	s10 =	sld [smem:$0x3FA8];
	_ =	sdelay $0x3  }
0x37: {  	[smem:$0x3FA8] =	sst s10  }
0x38: {  	s10 =	sld [smem:$0x3FA9]  }
0x39: {  	_ = 	snop;
	(pc) =	sbr.ind lr, $3  }
0x3a: {  	_ = 	snop  }
0x3b: {  	_ = 	snop  }
0x3c: {  	p2 =	seq.s32 s10, $0x1;
	s10 =	sld [smem:$0x3FA8]  }
0x3d: {  	_ =	shalt  }
0x3e: {  	_ =	shalt  }
0x3f: {  	_ =	shalt  }
0x40: {  	_ =	shalt  }
0x41: {  	_ =	shalt  }
0x42: {  	_ =	shalt  }
0x43: {  	_ =	shalt  }
0x44: {  	_ =	shalt  }
0x45: {  	_ =	shalt  }
0x46: {  	_ =	shalt  }
0x47: {  	_ =	shalt  }
0x48: {  	_ =	shalt  }
0x49: {  	_ =	shalt  }
0x4a: {  	_ =	shalt  }
0x4b: {  	_ =	shalt  }
0x4c: {  	_ =	shalt  }
0x4d: {  	_ =	shalt  }
0x4e: {  	_ =	shalt  }
0x4f: {  	_ =	shalt  }
0x50: {  	_ =	shalt  }
0x51: {  	_ =	shalt  }
0x52: {  	_ =	shalt  }
0x53: {  	_ =	shalt  }
0x54: {  	_ =	shalt  }
0x55: {  	_ =	shalt  }
0x56: {  	_ =	shalt  }
0x57: {  	_ =	shalt  }
0x58: {  	_ =	shalt  }
0x59: {  	_ =	shalt  }
0x5a: {  	_ =	shalt  }
0x5b: {  	_ =	shalt  }
0x5c: {  	_ =	shalt  }
0x5d: {  	_ =	shalt  }
0x5e: {  	_ =	shalt  }
0x5f: {  	_ =	shalt  }
0x60: {  	_ =	shalt  }
0x61: {  	_ =	shalt  }
0x62: {  	_ =	shalt  }
0x63: {  	_ =	shalt  }
0x64: {  	_ =	shalt  }
0x65: {  	_ =	shalt  }
0x66: {  	_ =	shalt  }
0x67: {  	_ =	shalt  }
0x68: {  	_ =	shalt  }
0x69: {  	_ =	shalt  }
0x6a: {  	_ =	shalt  }
0x6b: {  	_ =	shalt  }
0x6c: {  	_ =	shalt  }
0x6d: {  	_ =	shalt  }
0x6e: {  	_ =	shalt  }
0x6f: {  	_ =	shalt  }
0x70: {  	_ =	shalt  }
0x71: {  	_ =	shalt  }
0x72: {  	_ =	shalt  }
0x73: {  	_ =	shalt  }
0x74: {  	_ =	shalt  }
0x75: {  	_ =	shalt  }
0x76: {  	_ =	shalt  }
0x77: {  	_ =	shalt  }
0x78: {  	_ =	shalt  }
0x79: {  	_ =	shalt  }
0x7a: {  	_ =	shalt  }
0x7b: {  	_ =	shalt  }
0x7c: {  	_ =	shalt  }
0x7d: {  	_ =	shalt  }
0x7e: {  	_ =	shalt  }
0x7f: {  	_ =	shalt  }
0x80: {  	_ =	shalt  }
0x81: {  	_ =	shalt  }
0x82: {  	_ =	shalt  }
0x83: {  	_ =	shalt  }
0x84: {  	_ =	shalt  }
0x85: {  	_ =	shalt  }
0x86: {  	_ =	shalt  }
0x87: {  	_ =	shalt  }
.Lfunc_end0:
.L_simem_size_0:
called_computation.5_lowered:
.L_overlay_start_0:
0x88: {  	s2 =	sld [smem:$0x3FD9]  }
0x89: {  	s3 =	sld [smem:$0x3FFE];
	_ =	sdelay $0x1  }
0x8a: {  	s1 =	srdreg.scid  }
0x8b: {  	s0 =	sand.u32 $0x1, s1  }
0x8c: {  	s14 =	sshll.u32 s0, $0xA;
	s2 =	sadd.s32 s3, s2  }
0x8d: {  	s2 =	sadd.s32 s2, s14  }
0x8e: {  	[smem:$0x3FB4] =	sst s2  }
0x8f: {  	_ = 	snop  }
0x90: {  	s2 =	sld [smem:$0x3FD0];
	_ =	sdelay $0x2  }
0x91: {  	s15 =	simm.s32 $0xA;
	s4 =	simm.s32 $0x10  }
0x92: {  	[smem:s4], [sflag:s15] =	dma.local [hbm:s2], $0x1  }
0x93: {  	_ =	swait.eq [sflag:s15], $0x1  }
0x94: {  	[sflag:s15] =	ssyncset.done $0x0  }
0x95: {  	[sflag:s15] =	ssyncadd.s32 $0xFFFFFFFF  }
0x96: {  	s16 =	sld [smem:$0x10];
	(tm) =	ssettm $0x1  }
0x97: {  	s17 =	sld [smem:$0x3FFB];
	_ =	sdelay $0x3  }
0x98: {  	_ =	strace s17  }
0x99: {  	s3 =	sld [smem:$0x3FFC];
	_ =	sdelay $0x3  }
0x9a: {  	_ =	strace s3  }
0x9b: {  	s3 =	sld [smem:$0x3FFD];
	_ =	sdelay $0x3  }
0x9c: {  	_ =	strace s3  }
0x9d: {  	_ =	strace $0x8FFFFFFF  }
0x9e: {  	s18 =	sld [smem:$0x3FDB];
	_ =	sdelay $0x1  }
0x9f: {  	s19 =	simm.s32 $_scs_section_size  }
0xa0: {  	s5 =	simm.s32 $_size__tile_overlayer_lowered;
	s6 =	simm.s32 $_tile_overlayer_lowered  }
0xa1: {  	s22 =	simm.s32 $0x1BFF;
	s21 =	sshll.u32 s6, $0x1;
	s3 =	sadd.s32 s19, s18  }
0xa2: {  	s7 =	simm.s32 $0x0;
	s20 =	sshll.u32 s5, $0x1;
	s5 =	sadd.s32 s21, s3  }
0xa3: {  	[timem:s7], [sflag:s22] =	dma.local [hbm:s5], s20  }
0xa4: {  	_ =	swait.ge [sflag:s22], s20  }
0xa5: {  	s4 =	ssub.s32 $0x0, s20;
	[sflag:s22] =	ssyncset.done $0x0  }
0xa6: {  	[sflag:s22] =	ssyncadd.s32 s4;
	_ =	sdelay $0x1  }
0xa7: {  	s23 =	simm.s32 $0x1B8B  }
0xa8: {  	_ =	swait.ge [sflag:s23], $0x1  }
0xa9: {  	[sflag:s23] =	ssyncset.done $0x0  }
0xaa: {  	s25 =	simm.s32 $0x1B8E;
	s24 =	sld [smem:$0x3FFE];
	[sflag:s23] =	ssyncadd.s32 $0xFFFFFFFF  }
0xab: {  	s26 =	simm.s32 $execute0_lowered;
	[smem:$0x3FD2] =	sst s25  }
0xac: {  	s5 =	sshll.u32 s26, $0x1;
	_ =	strace $0x80000055;
	[dreg:$0x1] =	wrdreg $0xFFFFFFFF  }
0xad: {  	s28 =	simm.s32 $_size_execute0_lowered;
	s3 =	sadd.s32 s3, s5;
	[dreg:$0x0] =	wrdreg $0x0  }
0xae: {  	s5 =	sshll.u32 s28, $0x1;
	[dreg:$0x2] =	wrdreg s3  }
0xaf: {  	[dreg:$0x3] =	wrdreg s5  }
0xb0: {  	[dreg:$0x4] =	wrdreg $0xC0  }
0xb1: {  	_ =	task [dreg:s7], $0x5FFFF  }
0xb2: {  	[dreg:$0x1] =	wrdreg $0xFFFFFFFF  }
0xb3: {  	[dreg:$0x0] =	wrdreg $0x60  }
0xb4: {  	[dreg:$0x2] =	wrdreg s16  }
0xb5: {  	[dreg:$0x3] =	wrdreg s24  }
0xb6: {  	[dreg:$0x4] =	wrdreg $0x0  }
0xb7: {  	[dreg:$0x5] =	wrdreg $0x9  }
0xb8: {  	_ =	task.clear_ibuf [dreg:s7], $0x6FFFF;
	_ =	strace $0x90000055  }
0xb9: {  	s29 =	simm.s32 $0x9;
	_ =	strace $0x80000057  }
0xba: {  	_ =	swait.ge [sflag:s29], $0x1  }
0xbb: {  	[sflag:s29] =	ssyncadd.s32 $0xFFFFFFFF  }
0xbc: {  	_ =	strace $0x90000057  }
0xbd: {  	_ =	sfence  }
0xbe: {  	s30 =	sld [smem:$0x0];
	_ =	sdelay $0x2  }
0xbf: {  	s31 =	sshll.u32 s1, $0xD;
	s1 =	sshrl.u32 s1, $0x2  }
0xc0: {  	s3 =	sand.u32 $0x4000, s31;
	s1 =	sadd.s32 s1, s30  }
0xc1: {  	s0 =	sor.u32 s3, s0;
	s1 =	sshll.u32 s1, $0x11  }
0xc2: {  	s0 =	sor.u32 s1, s0  }
0xc3: {  	s0 =	sadd.s32 $0x8F2B, s0  }
0xc4: {  	[sflag:s0] =	ssyncadd.remote.s32 $0x1  }
0xc5: {  	_ =	sfence.sel $0xFFFF  }
0xc6: {  	[dreg:$0x0] =	wrdreg $0xFFFFFFFF;
	(pc) =	sbr.abs _section_cstart, $3  }
0xc7: {  	[dreg:$0x1] =	wrdreg $0xFFFFFFFF  }
0xc8: {  	_ =	task.clear_ibuf [dreg:s7], $0x2FFFF;
	_ =	strace $0x9FFFFFFF  }
0xc9: {  	(tm) =	ssettm $0x7FFFFFFF  }
tec
execute0_lowered:
.L_overlay_start_1:
0x0: {  	(tag) =	ssettag $0x1  }
0x1: {  	s1 =	rddreg [dreg:$0x0]  }
0x2: {  	s6 =	rddreg [dreg:$0x1]  }
0x3: {  	s0 =	srdreg.scid;
	s3 =	rddreg [dreg:$0x2]  }
0x4: {  	s2 =	rddreg [dreg:$0x3];
	s4 =	simm.s32 $0x0;
	s7 =	sand.u32 $0x1, s0  }
0x5: {  	s13 =	simm.s32 $0x80;
	s0 =	stileid.u32;
	s5 =	smul.u32 $0x50000, s7  }
0x6: {  	s14 =	simm.s32 $0x14140;
	s15 =	simm.s32 $0x1;
	s8 =	smul.u32 $0x5000, s0  }
0x7: {  	s16 =	simm.s32 $0x140C0;
	[smem:$0x7FF] =	sst s4;
	s9 =	smul.u32 $0x140000, s7  }
0x8: {  	s17 =	simm.s32 $0x0;
	s28 =	smul.u32 $0x14000, s0;
	_ =	strace $0x80000056  }
0x9: {  	s29 =	smul.u32 $0x50000, s0;
	s7 =	ssub.s32 $0x2, s7;
	s31 =	sshll.u32 s0, $0x6  }
0xa: {  	s30 =	sshrl.u32 s7, $0x1;
	s5 =	sadd.s32 s8, s5;
	s8 =	sadd.s32 s28, s9  }
0xb: {  	s9 =	sshrl.u32 s29, $0x2;
	s11 =	ssub.s32 s7, s30;
	s5 =	sshrl.u32 s5, $0x3  }
0xc: {  	s8 =	sshrl.u32 s8, $0x3;
	s12 =	sadd.s32 s9, s3;
	s10 =	sadd.s32 s5, s6  }
0xd: {  	s5 =	sadd.s32 $0x6000, s6;
	s8 =	sadd.s32 s8, s6;
	s6 =	sor.u32 $0x1C02, s31  }
0xe: {  	s7 =	sadd.s32 $0x8800, s8;
	s8 =	smax.u32 s11, $0x1;
	s9 =	sadd.s32 $0x58800, s10  }
0xf: {  	s10 =	sshrl.u32 s12, $0x3;
	s11 =	simm.s32 $0x2;
	s12 =	simm.s32 $0x14040  }
.LBB2_1:
0x10: {  	[spmem:s10], [sflag:s6] =	dma.local [hbm:s5], $0x2800  }
0x11: {  	_ =	swait.ge [sflag:s11], $0x2800  }
0x12: {  	[sflag:s11] =	ssyncset.done $0x0  }
0x13: {  	[sflag:s11] =	ssyncadd.s32 $0xFFFFD800  }
0x14: {  	s18 =	sadd.s32 $0x0, s9;
	[bflag:$0x0] =	sbarrier.arrive $0xFFFF  }
0x15: {  	[tilespmem:s12], [sflag:$0x2] =	stream.linear.gather [hbm4b:s18+s4], $0x100, $0x38;
	[tilespmem:$0x18140] =	vst v63  }
0x16: {  	_ =	swait.ge [sflag:s11], $0x100  }
0x17: {  	[sflag:s11] =	ssyncset.done $0x0  }
0x18: {  	[sflag:s11] =	ssyncadd.s32 $0xFFFFFF00  }
0x19: {  	[tilespmem:s14], [sflag:$0x1] =	stream.indirect.gather [hbm4b:s1+s13], $0x80, s12, s13, $0xb8;
	[tilespmem:$0x18140] =	vst v63  }
0x1a: {  	_ =	swait.ge [sflag:s15], $0x4000  }
0x1b: {  	[sflag:s15] =	ssyncset.done $0x0  }
0x1c: {  	[sflag:s15] =	ssyncadd.s32 $0xFFFFC000  }
0x1d: {  	[spmem:s3] =	stream.indirect.scatter.add.f32 [tilespmem:s14], [sflag:$0x2], $0x80, s16, s13, $0xb8;
	[tilespmem:$0x18140] =	vst v63  }
0x1e: {  	_ =	swait.ge [sflag:s11], $0x4000  }
0x1f: {  	s19 =	simm.s32 $0x40;
	s18 =	simm.s32 $0x20;
	[sflag:s11] =	ssyncset.done $0x0  }
.LBB2_2:
0x20: {  	s20 =	sadd.s32 s18, s9  }
0x21: {  	[sflag:s11] =	ssyncadd.s32 $0xFFFFC000;
	s18 =	smov.u32 s19;
	s21 =	sadd.s32 $0x20, s19  }
0x22: {  	[tilespmem:s12], [sflag:$0x2] =	stream.linear.gather [hbm4b:s20+s4], $0x100, $0x38;
	[tilespmem:$0x18140] =	vst v63  }
0x23: {  	p0 =	sne.s32 s19, $0x9E0;
	_ =	swait.ge [sflag:s11], $0x100  }
0x24: {  	[sflag:s11] =	ssyncset.done $0x0  }
0x25: {  	[sflag:s11] =	ssyncadd.s32 $0xFFFFFF00  }
0x26: {  	[tilespmem:s14], [sflag:$0x1] =	stream.indirect.gather [hbm4b:s1+s13], $0x80, s12, s13, $0xb8;
	[tilespmem:$0x18140] =	vst v63  }
0x27: {  	_ =	swait.ge [sflag:s15], $0x4000  }
.Ltmp0:
0x28: {  	[sflag:s15] =	ssyncset.done $0x0;
	(pc) =	sbr.rel @p0 .LBB2_2-.Ltmp0, $4  }
0x29: {  	[sflag:s15] =	ssyncadd.s32 $0xFFFFC000  }
0x2a: {  	[spmem:s3] =	stream.indirect.scatter.add.f32 [tilespmem:s14], [sflag:$0x2], $0x80, s16, s13, $0xb8;
	[tilespmem:$0x18140] =	vst v63  }
0x2b: {  	_ =	swait.ge [sflag:s11], $0x4000  }
0x2c: {  	s19 =	smov.u32 s21;
	[sflag:s11] =	ssyncset.done $0x0  }
0x2d: {  	s18 =	sadd.s32 s18, s9;
	[sflag:s11] =	ssyncadd.s32 $0xFFFFC000  }
0x2e: {  	[tilespmem:s12], [sflag:$0x2] =	stream.linear.gather [hbm4b:s18+s4], $0x100, $0x38;
	[tilespmem:$0x18140] =	vst v63  }
0x2f: {  	_ =	swait.ge [sflag:s11], $0x100  }
0x30: {  	[sflag:s11] =	ssyncset.done $0x0  }
0x31: {  	[sflag:s11] =	ssyncadd.s32 $0xFFFFFF00  }
0x32: {  	[tilespmem:s14], [sflag:$0x1] =	stream.indirect.gather [hbm4b:s1+s13], $0x80, s12, s13, $0xb8;
	[tilespmem:$0x18140] =	vst v63  }
0x33: {  	_ =	swait.ge [sflag:s15], $0x4000  }
0x34: {  	[sflag:s15] =	ssyncset.done $0x0  }
0x35: {  	[sflag:s15] =	ssyncadd.s32 $0xFFFFC000  }
0x36: {  	[spmem:s3] =	stream.indirect.scatter.add.f32 [tilespmem:s14], [sflag:$0x2], $0x80, s16, s13, $0xb8;
	[tilespmem:$0x18140] =	vst v63  }
0x37: {  	_ =	swait.ge [sflag:s11], $0x4000  }
0x38: {  	s17 =	sadd.s32 $0x1, s17;
	[sflag:s11] =	ssyncset.done $0x0  }
0x39: {  	p0 =	sne.s32 s17, s8;
	[sflag:s11] =	ssyncadd.s32 $0xFFFFC000  }
.Ltmp1:
0x3a: {  	[bflag:$0x0] =	sbarrier.arrive $0xFFFF;
	(pc) =	sbr.rel @p0 .LBB2_1-.Ltmp1, $4  }
0x3b: {  	[hbm:s7], [sflag:s6] =	dma.local [spmem:s10], $0x2800  }
0x3c: {  	_ =	swait.ge [sflag:s11], $0x2800  }
0x3d: {  	[sflag:s11] =	ssyncset.done $0x0  }
0x3e: {  	[sflag:s11] =	ssyncadd.s32 $0xFFFFD800  }
0x3f: {  	_ =	sfence.sel $0x180000  }
0x40: {  	[bflag:$0x0] =	sbarrier.arrive $0xFFFF  }
0x41: {  	p0 =	sne.s32 s0, $0x0;
	_ =	strace $0x90000056  }
0x42: {  	s0 =	sadd.s32 @!p0 $0x100000, s2;
	[bflag:$0x2] =	sbarrier.arrive $0xFFFF  }
0x43: {  	[sflag:s0] =	ssyncadd.tile.s32 @!p0 $0x1;
	_ =	shalt  }
.Lfunc_end2:
_tile_overlayer_lowered:
.L_overlay_start_2:
0x44: {  	(tag) =	ssettag $0x2  }
0x45: {  	s0 =	rddreg [dreg:$0x0];
	s2 =	stileid.u32  }
0x46: {  	s1 =	rddreg [dreg:$0x1];
	p0 =	sne.s32 s2, $0x0  }
0x47: {  	s3 =	rddreg [dreg:$0x2];
	[bflag:$0x3] =	sbarrier.arrive $0xFFFF;
	s2 =	simm.s32 @!p0 $0x1C02  }
0x48: {  	[timem:s3], [sflag:s2] =	dma.local @!p0 [hbm:s0], s1  }
0x49: {  	s0 =	simm.s32 @!p0 $0x2  }
0x4a: {  	_ =	swait.ge @!p0 [sflag:s0], s1  }
0x4b: {  	s1 =	ssub.s32 @!p0 $0x0, s1;
	[sflag:s0] =	ssyncset.done @!p0 $0x0  }
0x4c: {  	[sflag:s0] =	ssyncadd.s32 @!p0 s1  }
0x4d: {  	[bflag:$0x3] =	sbarrier.arrive $0xFFFF  }
0x4e: {  	_ =	shalt  }

</sc_bundles>
